<compile_context>
chip_gen: v7x
topology: tpu7x:2x2x1
jax: 0.10.2.dev20260603
libtpu: 0.0.44.dev20260713+nightly
codegen_flags: <defaults>
</compile_context>

<pallas_src>
import functools

import jax
import jax.numpy as jnp
from jax import lax
from jax.experimental import pallas as pl
from jax.experimental.pallas import tpu as pltpu
from jax.experimental.pallas import tpu_sc as plsc

N = 10000
D = 128
E = 320000

NTILES = 16
NPAD = 10240
ROWS_PER_TILE = NPAD // NTILES
ZBLK = 128
CHUNK = 128
CHUNKS_PER_TILE = -(-E // (NTILES * CHUNK))
EPT = CHUNK * CHUNKS_PER_TILE
EPAD = EPT * NTILES
LANES = 16


def _mm_body(x_ref, wt_ref, b_ref, o_ref):
    o_ref[...] = (
        jnp.dot(x_ref[...], wt_ref[...],
                preferred_element_type=jnp.float32,
                precision=lax.Precision.HIGHEST)
        + b_ref[...]
    )


def _linear(x, Wt, b):
    M = x.shape[0]
    BM = 1000
    return pl.pallas_call(
        _mm_body,
        grid=(M // BM,),
        in_specs=[
            pl.BlockSpec((BM, D), lambda i: (i, 0)),
            pl.BlockSpec((D, D), lambda i: (0, 0)),
            pl.BlockSpec((1, D), lambda i: (0, 0)),
        ],
        out_specs=pl.BlockSpec((BM, D), lambda i: (i, 0)),
        out_shape=jax.ShapeDtypeStruct((M, D), jnp.float32),
    )(x, Wt, b)


def _div_body(sa_ref, ca_ref, sb_ref, cb_ref, oa_ref, ob_ref):
    oa_ref[...] = sa_ref[...] / jnp.maximum(ca_ref[...], 1.0)
    ob_ref[...] = sb_ref[...] / jnp.maximum(cb_ref[...], 1.0)


def _mean(sum_a, cnt_a, sum_b, cnt_b):
    BM = 1024
    grid = NPAD // BM
    return pl.pallas_call(
        _div_body,
        grid=(grid,),
        in_specs=[
            pl.BlockSpec((BM, D), lambda i: (i, 0)),
            pl.BlockSpec((BM, 1), lambda i: (i, 0)),
            pl.BlockSpec((BM, D), lambda i: (i, 0)),
            pl.BlockSpec((BM, 1), lambda i: (i, 0)),
        ],
        out_specs=[
            pl.BlockSpec((BM, D), lambda i: (i, 0)),
            pl.BlockSpec((BM, D), lambda i: (i, 0)),
        ],
        out_shape=[
            jax.ShapeDtypeStruct((NPAD, D), jnp.float32),
            jax.ShapeDtypeStruct((NPAD, D), jnp.float32),
        ],
    )(sum_a, cnt_a.reshape(NPAD, 1), sum_b, cnt_b.reshape(NPAD, 1))


@functools.partial(
    pl.kernel,
    out_type=[
        jax.ShapeDtypeStruct((NPAD, D), jnp.float32),
        jax.ShapeDtypeStruct((NPAD,), jnp.float32),
        jax.ShapeDtypeStruct((NPAD, D), jnp.float32),
        jax.ShapeDtypeStruct((NPAD,), jnp.float32),
    ],
    mesh=plsc.VectorSubcoreMesh(core_axis_name="c", subcore_axis_name="s"),
    scratch_types=[
        pltpu.VMEM((ZBLK, D), jnp.float32),
        pltpu.VMEM((ZBLK, D), jnp.float32),
        pltpu.VMEM((ROWS_PER_TILE,), jnp.float32),
        pltpu.VMEM((CHUNK,), jnp.float32),
        pltpu.VMEM((CHUNK,), jnp.int32),
        pltpu.VMEM((CHUNK,), jnp.int32),
        pltpu.VMEM((CHUNK,), jnp.int32),
        pltpu.VMEM((CHUNK,), jnp.int32),
        pltpu.VMEM((CHUNK,), jnp.int32),
        pltpu.VMEM_SHARED((NPAD, D), jnp.float32),
        pltpu.VMEM_SHARED((NPAD,), jnp.float32),
        pltpu.SemaphoreType.DMA,
        pltpu.SemaphoreType.DMA,
        pltpu.SemaphoreType.DMA,
        pltpu.SemaphoreType.DMA,
        pltpu.SemaphoreType.DMA,
    ],
)
def _sc_aggregate(wh_attr, src_of, dst_of, wh_vul, src_has, dst_has,
                  sum_vul, cnt_vul, sum_attr, cnt_attr,
                  gbuf, gbuf1, cbuf, ones_v, src_v, src_v1,
                  dst_v, dst_v1, dst_v2, acc, cnt, sem, sem1, isem, ssem, ssem1):
    c = lax.axis_index("c")
    s = lax.axis_index("s")

    def etype(table, srcs, dsts, sum_out, cnt_out):
        row0 = s * ROWS_PER_TILE

        def zfill(r, carry):
            for j in range(D // LANES):
                gbuf[r, pl.ds(LANES * j, LANES)] = jnp.zeros((LANES,), jnp.float32)
            return carry

        lax.fori_loop(0, ZBLK, zfill, 0)

        def cfill(r, carry):
            cbuf[pl.ds(r * LANES, LANES)] = jnp.zeros((LANES,), jnp.float32)
            return carry

        lax.fori_loop(0, ROWS_PER_TILE // LANES, cfill, 0)

        def ofill(r, carry):
            ones_v[pl.ds(r * LANES, LANES)] = jnp.ones((LANES,), jnp.float32)
            return carry

        lax.fori_loop(0, CHUNK // LANES, ofill, 0)

        for m in range(ROWS_PER_TILE // ZBLK):
            pltpu.sync_copy(gbuf, acc.at[pl.ds(row0 + m * ZBLK, ZBLK)])
        pltpu.sync_copy(cbuf, cnt.at[pl.ds(row0, ROWS_PER_TILE)])
        plsc.subcore_barrier()

        ebase = s * EPT

        def idx_off(j):
            return ebase + j * CHUNK

        def load_idx_async(j, sv, dv):
            pltpu.async_copy(srcs.at[pl.ds(idx_off(j), CHUNK)], sv, isem)
            pltpu.async_copy(dsts.at[pl.ds(idx_off(j), CHUNK)], dv, isem)

        def wait_idx(j, sv, dv):
            pltpu.make_async_copy(srcs.at[pl.ds(idx_off(j), CHUNK)], sv, isem).wait()
            pltpu.make_async_copy(dsts.at[pl.ds(idx_off(j), CHUNK)], dv, isem).wait()

        NCH = CHUNKS_PER_TILE

        GB = (gbuf, gbuf1)
        GS = (sem, sem1)
        SS = (ssem, ssem1)
        SV = (src_v, src_v1)
        DV = (dst_v, dst_v1, dst_v2)

        def chunk_body(j, q1, has_prev):
            p2, p3 = q1 % 2, q1 % 3
            n2, n3 = (q1 + 1) % 2, (q1 + 1) % 3
            m2, m3 = (q1 - 1) % 2, (q1 - 1) % 3
            if has_prev:
                pltpu.make_async_copy(GB[m2], acc.at[DV[m3]], SS[m2]).wait()

            @pl.when(j + 1 < NCH)
            def _():
                wait_idx(j + 1, SV[n2], DV[n3])
                pltpu.async_copy(table.at[SV[n2]], GB[n2], GS[n2])

            pltpu.make_async_copy(table.at[SV[p2]], GB[p2], GS[p2]).wait()
            pltpu.async_copy(GB[p2], acc.at[DV[p3]], SS[p2], add=True)
            pltpu.sync_copy(ones_v, cnt.at[DV[p3]], add=True)

            @pl.when(j + 2 < NCH)
            def _():
                load_idx_async(j + 2, SV[p2], DV[m3])

        pltpu.sync_copy(srcs.at[pl.ds(idx_off(0), CHUNK)], src_v)
        pltpu.sync_copy(dsts.at[pl.ds(idx_off(0), CHUNK)], dst_v)
        pltpu.async_copy(table.at[src_v], gbuf, sem)
        load_idx_async(1, src_v1, dst_v1)
        chunk_body(0, 0, has_prev=False)

        def six(i, carry):
            j0 = 6 * i + 1
            for q in range(6):
                chunk_body(j0 + q, (1 + q) % 6, has_prev=True)
            return carry

        lax.fori_loop(0, (NCH - 1) // 6, six, 0)
        pltpu.make_async_copy(GB[0], acc.at[DV[0]], SS[0]).wait()
        plsc.subcore_barrier()

        for m in range(ROWS_PER_TILE // ZBLK):
            r0 = row0 + m * ZBLK
            pltpu.sync_copy(acc.at[pl.ds(r0, ZBLK)], gbuf)
            pltpu.sync_copy(gbuf, sum_out.at[pl.ds(r0, ZBLK)])
        pltpu.sync_copy(cnt.at[pl.ds(row0, ROWS_PER_TILE)], cbuf)
        pltpu.sync_copy(cbuf, cnt_out.at[pl.ds(row0, ROWS_PER_TILE)])

    @pl.when(c == 0)
    def _():
        etype(wh_attr, src_of, dst_of, sum_vul, cnt_vul)

    @pl.when(c == 1)
    def _():
        etype(wh_vul, src_has, dst_has, sum_attr, cnt_attr)


def kernel(x_vul, x_attr, edge_index_of, edge_index_has, W_of, b_of, W_has, b_has):
    wh_attr = _linear(x_attr, W_of.T, b_of.reshape(1, D))
    wh_vul = _linear(x_vul, W_has.T, b_has.reshape(1, D))

    pad = EPAD - E

    def padded(ei):
        src = jnp.concatenate([ei[0], jnp.zeros((pad,), jnp.int32)])
        dst = jnp.concatenate([ei[1], jnp.full((pad,), NPAD - 1, jnp.int32)])
        return src, dst

    so, do_ = padded(edge_index_of)
    sh, dh = padded(edge_index_has)

    sum_vul, cnt_vul, sum_attr, cnt_attr = _sc_aggregate(
        wh_attr, so, do_, wh_vul, sh, dh)
    h_vul, h_attr = _mean(sum_vul, cnt_vul, sum_attr, cnt_attr)
    return h_vul[:N], h_attr[:N]

# --- scband reference (transcript-rebuilt; emitter-appended) ---
"""Pipeline reference for scband-hetero-rgnn-64725157151126 (READ-ONLY COPY).

The authoritative reference and input builder live on the scoring server;
editing this copy changes nothing except your own understanding.
"""

import jax, jax.numpy as jnp
import numpy as np

N = 10000
E = 320000
D = 128

def setup_inputs(seed: int = 0) -> dict:
    key = jax.random.key(seed)
    ks = jax.random.split(key, 10)
    x_vul = jax.random.normal(ks[0], (N, D), dtype=jnp.float32)
    x_attr = jax.random.normal(ks[1], (N, D), dtype=jnp.float32)
    edge_index_of = jax.random.randint(ks[2], (2, E), 0, N, dtype=jnp.int32)
    edge_index_has = jax.random.randint(ks[3], (2, E), 0, N, dtype=jnp.int32)
    gain = np.sqrt(2.0)
    std = gain * np.sqrt(2.0 / (D + D))
    W_of = jax.random.normal(ks[4], (D, D), dtype=jnp.float32) * std
    b_of = jnp.zeros((D,), dtype=jnp.float32)
    W_has = jax.random.normal(ks[5], (D, D), dtype=jnp.float32) * std
    b_has = jnp.zeros((D,), dtype=jnp.float32)
    return {"x_vul": x_vul, "x_attr": x_attr,
            "edge_index_of": edge_index_of, "edge_index_has": edge_index_has,
            "W_of": W_of, "b_of": b_of, "W_has": W_has, "b_has": b_has}

def _mean_agg(msgs, dst, num_dst):
    sums = jax.ops.segment_sum(msgs, dst, num_segments=num_dst)
    cnt = jax.ops.segment_sum(jnp.ones((msgs.shape[0], 1), msgs.dtype), dst, num_segments=num_dst)
    return sums / jnp.maximum(cnt, 1.0)

def reference(x_vul, x_attr, edge_index_of, edge_index_has, W_of, b_of, W_has, b_has):
    # HeteroRGCNLayer: per-etype Linear on source features, copy_u -> mean per etype,
    # cross-etype 'sum' reduction. Canonical etypes: ('attr','of','vul'), ('vul','has','attr').
    Wh_attr = x_attr @ W_of.T + b_of          # src of 'of' is attr
    Wh_vul = x_vul @ W_has.T + b_has          # src of 'has' is vul
    src_of, dst_of = edge_index_of[0], edge_index_of[1]
    src_has, dst_has = edge_index_has[0], edge_index_has[1]
    msgs_of = jnp.take(Wh_attr, src_of, axis=0)   # gather (E, D)
    msgs_has = jnp.take(Wh_vul, src_has, axis=0)  # gather (E, D)
    h_vul = _mean_agg(msgs_of, dst_of, x_vul.shape[0])    # scatter-mean to vul
    h_attr = _mean_agg(msgs_has, dst_has, x_attr.shape[0])  # scatter-mean to attr
    # cross-type 'sum': each dst ntype receives from exactly one etype here
    return (h_vul, h_attr)

if __name__ == "__main__":
    import jax
    _d = setup_inputs()
    print(jax.jit(kernel)(*tuple(_d.values())))

</pallas_src>

<mosaic_0001>
#map = affine_map<(d0, d1) -> (0, 0)>
#map1 = affine_map<(d0, d1) -> (0)>
module attributes {stable_mosaic.version = 14 : i64} {
  func.func @_sc_aggregate(%arg0: i32, %arg1: i32, %arg2: memref<10000x128xf32, #tpu.memory_space<hbm>>, %arg3: memref<321536xi32, #tpu.memory_space<hbm>>, %arg4: memref<321536xi32, #tpu.memory_space<hbm>>, %arg5: memref<10000x128xf32, #tpu.memory_space<hbm>>, %arg6: memref<321536xi32, #tpu.memory_space<hbm>>, %arg7: memref<321536xi32, #tpu.memory_space<hbm>>, %arg8: memref<10240x128xf32, #tpu.memory_space<hbm>>, %arg9: memref<10240xf32, #tpu.memory_space<hbm>>, %arg10: memref<10240x128xf32, #tpu.memory_space<hbm>>, %arg11: memref<10240xf32, #tpu.memory_space<hbm>>, %arg12: memref<128x128xf32, #tpu.memory_space<vmem>>, %arg13: memref<128x128xf32, #tpu.memory_space<vmem>>, %arg14: memref<640xf32, #tpu.memory_space<vmem>>, %arg15: memref<128xf32, #tpu.memory_space<vmem>>, %arg16: memref<128xi32, #tpu.memory_space<vmem>>, %arg17: memref<128xi32, #tpu.memory_space<vmem>>, %arg18: memref<128xi32, #tpu.memory_space<vmem>>, %arg19: memref<128xi32, #tpu.memory_space<vmem>>, %arg20: memref<128xi32, #tpu.memory_space<vmem>>, %arg21: memref<10240x128xf32, #tpu.memory_space<vmem_shared>>, %arg22: memref<10240xf32, #tpu.memory_space<vmem_shared>>, %arg23: memref<!tpu.dma_semaphore, #tpu.memory_space<semaphore_mem>>, %arg24: memref<!tpu.dma_semaphore, #tpu.memory_space<semaphore_mem>>, %arg25: memref<!tpu.dma_semaphore, #tpu.memory_space<semaphore_mem>>, %arg26: memref<!tpu.dma_semaphore, #tpu.memory_space<semaphore_mem>>, %arg27: memref<!tpu.dma_semaphore, #tpu.memory_space<semaphore_mem>>) attributes {dimension_semantics = [#tpu.dimension_semantics<core_parallel>, #tpu.dimension_semantics<subcore_parallel>], iteration_bounds = array<i64: 2, 16>, scalar_prefetch = 0 : i64, scratch_operands = 16 : i64, tpu.core_type = #tpu.core_type<sc_vector_subcore>, window_params = [{transform_indices = #map}, {transform_indices = #map1}, {transform_indices = #map1}, {transform_indices = #map}, {transform_indices = #map1}, {transform_indices = #map1}, {transform_indices = #map}, {transform_indices = #map1}, {transform_indices = #map}, {transform_indices = #map1}]} {
    %eq3A = arith.constant 0 : i32
    %eq3A_0 = arith.cmpi eq, %arg0, %eq3A : i32
    %convert_element_type3A = arith.extui %eq3A_0 : i1 to i32
    %cond3A = arith.constant 0 : i32
    %cond3A_1 = arith.cmpi ne, %convert_element_type3A, %cond3A : i32
    scf.if %cond3A_1 {
      %mul3A = arith.constant 640 : i32
      %mul3A_7 = arith.muli %arg1, %mul3A : i32
      %scan3A = arith.constant 0 : i32
      %scan3A_8 = arith.constant 0 : i32
      %scan3A_9 = arith.constant 128 : i32
      %scan3A_10 = arith.addi %scan3A_8, %scan3A_9 : i32
      %scan3A_11 = arith.constant 1 : i32
      scf.for %scan3A_94 = %scan3A_8 to %scan3A_10 step %scan3A_11  : i32 {
        %broadcast_in_dim3A = arith.constant 0.000000e+00 : f32
        %broadcast_in_dim3A_95 = vector.broadcast %broadcast_in_dim3A : f32 to vector<16xf32>
        %swap3A = arith.index_cast %scan3A_94 : i32 to index
        %swap3A_96 = arith.constant 0 : index
        %swap3A_97 = tpu.vector_load %arg12[%swap3A, %swap3A_96] {strides = array<i32>} : memref<128x128xf32, #tpu.memory_space<vmem>>, vector<1x16xf32>,
        %swap3A_98 = vector.shape_cast %swap3A_97 : vector<1x16xf32> to vector<16xf32>
        %swap3A_99 = vector.shape_cast %broadcast_in_dim3A_95 : vector<16xf32> to vector<1x16xf32>
        tpu.vector_store %arg12[%swap3A, %swap3A_96], %swap3A_99 {strides = array<i32>} : memref<128x128xf32, #tpu.memory_space<vmem>>, vector<1x16xf32>,
        %broadcast_in_dim3A_100 = arith.constant 0.000000e+00 : f32
        %broadcast_in_dim3A_101 = vector.broadcast %broadcast_in_dim3A_100 : f32 to vector<16xf32>
        %swap3A_102 = arith.index_cast %scan3A_94 : i32 to index
        %swap3A_103 = arith.constant 16 : index
        %swap3A_104 = tpu.vector_load %arg12[%swap3A_102, %swap3A_103] {strides = array<i32>} : memref<128x128xf32, #tpu.memory_space<vmem>>, vector<1x16xf32>,
        %swap3A_105 = vector.shape_cast %swap3A_104 : vector<1x16xf32> to vector<16xf32>
        %swap3A_106 = vector.shape_cast %broadcast_in_dim3A_101 : vector<16xf32> to vector<1x16xf32>
        tpu.vector_store %arg12[%swap3A_102, %swap3A_103], %swap3A_106 {strides = array<i32>} : memref<128x128xf32, #tpu.memory_space<vmem>>, vector<1x16xf32>,
        %broadcast_in_dim3A_107 = arith.constant 0.000000e+00 : f32
        %broadcast_in_dim3A_108 = vector.broadcast %broadcast_in_dim3A_107 : f32 to vector<16xf32>
        %swap3A_109 = arith.index_cast %scan3A_94 : i32 to index
        %swap3A_110 = arith.constant 32 : index
        %swap3A_111 = tpu.vector_load %arg12[%swap3A_109, %swap3A_110] {strides = array<i32>} : memref<128x128xf32, #tpu.memory_space<vmem>>, vector<1x16xf32>,
        %swap3A_112 = vector.shape_cast %swap3A_111 : vector<1x16xf32> to vector<16xf32>
        %swap3A_113 = vector.shape_cast %broadcast_in_dim3A_108 : vector<16xf32> to vector<1x16xf32>
        tpu.vector_store %arg12[%swap3A_109, %swap3A_110], %swap3A_113 {strides = array<i32>} : memref<128x128xf32, #tpu.memory_space<vmem>>, vector<1x16xf32>,
        %broadcast_in_dim3A_114 = arith.constant 0.000000e+00 : f32
        %broadcast_in_dim3A_115 = vector.broadcast %broadcast_in_dim3A_114 : f32 to vector<16xf32>
        %swap3A_116 = arith.index_cast %scan3A_94 : i32 to index
        %swap3A_117 = arith.constant 48 : index
        %swap3A_118 = tpu.vector_load %arg12[%swap3A_116, %swap3A_117] {strides = array<i32>} : memref<128x128xf32, #tpu.memory_space<vmem>>, vector<1x16xf32>,
        %swap3A_119 = vector.shape_cast %swap3A_118 : vector<1x16xf32> to vector<16xf32>
        %swap3A_120 = vector.shape_cast %broadcast_in_dim3A_115 : vector<16xf32> to vector<1x16xf32>
        tpu.vector_store %arg12[%swap3A_116, %swap3A_117], %swap3A_120 {strides = array<i32>} : memref<128x128xf32, #tpu.memory_space<vmem>>, vector<1x16xf32>,
        %broadcast_in_dim3A_121 = arith.constant 0.000000e+00 : f32
        %broadcast_in_dim3A_122 = vector.broadcast %broadcast_in_dim3A_121 : f32 to vector<16xf32>
        %swap3A_123 = arith.index_cast %scan3A_94 : i32 to index
        %swap3A_124 = arith.constant 64 : index
        %swap3A_125 = tpu.vector_load %arg12[%swap3A_123, %swap3A_124] {strides = array<i32>} : memref<128x128xf32, #tpu.memory_space<vmem>>, vector<1x16xf32>,
        %swap3A_126 = vector.shape_cast %swap3A_125 : vector<1x16xf32> to vector<16xf32>
        %swap3A_127 = vector.shape_cast %broadcast_in_dim3A_122 : vector<16xf32> to vector<1x16xf32>
        tpu.vector_store %arg12[%swap3A_123, %swap3A_124], %swap3A_127 {strides = array<i32>} : memref<128x128xf32, #tpu.memory_space<vmem>>, vector<1x16xf32>,
        %broadcast_in_dim3A_128 = arith.constant 0.000000e+00 : f32
        %broadcast_in_dim3A_129 = vector.broadcast %broadcast_in_dim3A_128 : f32 to vector<16xf32>
        %swap3A_130 = arith.index_cast %scan3A_94 : i32 to index
        %swap3A_131 = arith.constant 80 : index
        %swap3A_132 = tpu.vector_load %arg12[%swap3A_130, %swap3A_131] {strides = array<i32>} : memref<128x128xf32, #tpu.memory_space<vmem>>, vector<1x16xf32>,
        %swap3A_133 = vector.shape_cast %swap3A_132 : vector<1x16xf32> to vector<16xf32>
        %swap3A_134 = vector.shape_cast %broadcast_in_dim3A_129 : vector<16xf32> to vector<1x16xf32>
        tpu.vector_store %arg12[%swap3A_130, %swap3A_131], %swap3A_134 {strides = array<i32>} : memref<128x128xf32, #tpu.memory_space<vmem>>, vector<1x16xf32>,
        %broadcast_in_dim3A_135 = arith.constant 0.000000e+00 : f32
        %broadcast_in_dim3A_136 = vector.broadcast %broadcast_in_dim3A_135 : f32 to vector<16xf32>
        %swap3A_137 = arith.index_cast %scan3A_94 : i32 to index
        %swap3A_138 = arith.constant 96 : index
        %swap3A_139 = tpu.vector_load %arg12[%swap3A_137, %swap3A_138] {strides = array<i32>} : memref<128x128xf32, #tpu.memory_space<vmem>>, vector<1x16xf32>,
        %swap3A_140 = vector.shape_cast %swap3A_139 : vector<1x16xf32> to vector<16xf32>
        %swap3A_141 = vector.shape_cast %broadcast_in_dim3A_136 : vector<16xf32> to vector<1x16xf32>
        tpu.vector_store %arg12[%swap3A_137, %swap3A_138], %swap3A_141 {strides = array<i32>} : memref<128x128xf32, #tpu.memory_space<vmem>>, vector<1x16xf32>,
        %broadcast_in_dim3A_142 = arith.constant 0.000000e+00 : f32
        %broadcast_in_dim3A_143 = vector.broadcast %broadcast_in_dim3A_142 : f32 to vector<16xf32>
        %swap3A_144 = arith.index_cast %scan3A_94 : i32 to index
        %swap3A_145 = arith.constant 112 : index
        %swap3A_146 = tpu.vector_load %arg12[%swap3A_144, %swap3A_145] {strides = array<i32>} : memref<128x128xf32, #tpu.memory_space<vmem>>, vector<1x16xf32>,
        %swap3A_147 = vector.shape_cast %swap3A_146 : vector<1x16xf32> to vector<16xf32>
        %swap3A_148 = vector.shape_cast %broadcast_in_dim3A_143 : vector<16xf32> to vector<1x16xf32>
        tpu.vector_store %arg12[%swap3A_144, %swap3A_145], %swap3A_148 {strides = array<i32>} : memref<128x128xf32, #tpu.memory_space<vmem>>, vector<1x16xf32>,
      }
      %scan3A_12 = arith.constant 128 : i32
      %scan3A_13 = arith.constant 0 : i32
      %scan3A_14 = arith.constant 0 : i32
      %scan3A_15 = arith.constant 40 : i32
      %scan3A_16 = arith.addi %scan3A_14, %scan3A_15 : i32
      %scan3A_17 = arith.constant 1 : i32
      scf.for %scan3A_94 = %scan3A_14 to %scan3A_16 step %scan3A_17  : i32 {
        %broadcast_in_dim3A = arith.constant 0.000000e+00 : f32
        %broadcast_in_dim3A_95 = vector.broadcast %broadcast_in_dim3A : f32 to vector<16xf32>
        %mul3A_96 = arith.constant 16 : i32
        %mul3A_97 = arith.muli %scan3A_94, %mul3A_96 : i32
        %swap3A = arith.index_cast %mul3A_97 : i32 to index
        %swap3A_98 = tpu.vector_load %arg14[%swap3A] {strides = array<i32>} : memref<640xf32, #tpu.memory_space<vmem>>, vector<16xf32>,
        %swap3A_99 = vector.shape_cast %swap3A_98 : vector<16xf32> to vector<16xf32>
        %swap3A_100 = vector.shape_cast %broadcast_in_dim3A_95 : vector<16xf32> to vector<16xf32>
        tpu.vector_store %arg14[%swap3A], %swap3A_100 {strides = array<i32>} : memref<640xf32, #tpu.memory_space<vmem>>, vector<16xf32>,
      }
      %scan3A_18 = arith.constant 40 : i32
      %scan3A_19 = arith.constant 0 : i32
      %scan3A_20 = arith.constant 0 : i32
      %scan3A_21 = arith.constant 8 : i32
      %scan3A_22 = arith.addi %scan3A_20, %scan3A_21 : i32
      %scan3A_23 = arith.constant 1 : i32
      scf.for %scan3A_94 = %scan3A_20 to %scan3A_22 step %scan3A_23  : i32 {
        %broadcast_in_dim3A = arith.constant 1.000000e+00 : f32
        %broadcast_in_dim3A_95 = vector.broadcast %broadcast_in_dim3A : f32 to vector<16xf32>
        %mul3A_96 = arith.constant 16 : i32
        %mul3A_97 = arith.muli %scan3A_94, %mul3A_96 : i32
        %swap3A = arith.index_cast %mul3A_97 : i32 to index
        %swap3A_98 = tpu.vector_load %arg15[%swap3A] {strides = array<i32>} : memref<128xf32, #tpu.memory_space<vmem>>, vector<16xf32>,
        %swap3A_99 = vector.shape_cast %swap3A_98 : vector<16xf32> to vector<16xf32>
        %swap3A_100 = vector.shape_cast %broadcast_in_dim3A_95 : vector<16xf32> to vector<16xf32>
        tpu.vector_store %arg15[%swap3A], %swap3A_100 {strides = array<i32>} : memref<128xf32, #tpu.memory_space<vmem>>, vector<16xf32>,
      }
      %scan3A_24 = arith.constant 8 : i32
      %add3A = arith.constant 0 : i32
      %add3A_25 = arith.addi %mul3A_7, %add3A : i32
      "tpu.region"() ({
        %run_scoped3A = tpu.sem_alloc : memref<!tpu.dma_semaphore, #tpu.memory_space<semaphore_mem>>
        %dma_start3A_94 = arith.constant 0 : i32
        %dma_start3A_95 = tpu.memref_slice %arg21[%add3A_25, %dma_start3A_94] : memref<10240x128xf32, #tpu.memory_space<vmem_shared>> -> memref<128x128xf32, #tpu.memory_space<vmem_shared>>
        %dma_start3A_96 = arith.constant 0 : i32
        %dma_start3A_97 = tpu.memref_slice %arg21[%add3A_25, %dma_start3A_96] : memref<10240x128xf32, #tpu.memory_space<vmem_shared>> -> memref<128x128xf32, #tpu.memory_space<vmem_shared>>
        tpu.enqueue_dma source(%arg12 : memref<128x128xf32, #tpu.memory_space<vmem>>) target(%dma_start3A_97 : memref<128x128xf32, #tpu.memory_space<vmem_shared>>) target_semaphore(%run_scoped3A : memref<!tpu.dma_semaphore, #tpu.memory_space<semaphore_mem>>)
        %dma_wait3A_98 = arith.constant 0 : i32
        %dma_wait3A_99 = tpu.memref_slice %arg21[%add3A_25, %dma_wait3A_98] : memref<10240x128xf32, #tpu.memory_space<vmem_shared>> -> memref<128x128xf32, #tpu.memory_space<vmem_shared>>
        %dma_wait3A_100 = arith.constant 0 : i32
        %dma_wait3A_101 = tpu.memref_slice %arg21[%add3A_25, %dma_wait3A_100] : memref<10240x128xf32, #tpu.memory_space<vmem_shared>> -> memref<128x128xf32, #tpu.memory_space<vmem_shared>>
        tpu.wait_dma2 semaphore(%run_scoped3A : memref<!tpu.dma_semaphore, #tpu.memory_space<semaphore_mem>>) src(%arg12 : memref<128x128xf32, #tpu.memory_space<vmem>>) dst(%dma_wait3A_101 : memref<128x128xf32, #tpu.memory_space<vmem_shared>>)
        tpu.yield
      }) : () -> ()
      %add3A_26 = arith.constant 128 : i32
      %add3A_27 = arith.addi %mul3A_7, %add3A_26 : i32
      "tpu.region"() ({
        %run_scoped3A = tpu.sem_alloc : memref<!tpu.dma_semaphore, #tpu.memory_space<semaphore_mem>>
        %dma_start3A_94 = arith.constant 0 : i32
        %dma_start3A_95 = tpu.memref_slice %arg21[%add3A_27, %dma_start3A_94] : memref<10240x128xf32, #tpu.memory_space<vmem_shared>> -> memref<128x128xf32, #tpu.memory_space<vmem_shared>>
        %dma_start3A_96 = arith.constant 0 : i32
        %dma_start3A_97 = tpu.memref_slice %arg21[%add3A_27, %dma_start3A_96] : memref<10240x128xf32, #tpu.memory_space<vmem_shared>> -> memref<128x128xf32, #tpu.memory_space<vmem_shared>>
        tpu.enqueue_dma source(%arg12 : memref<128x128xf32, #tpu.memory_space<vmem>>) target(%dma_start3A_97 : memref<128x128xf32, #tpu.memory_space<vmem_shared>>) target_semaphore(%run_scoped3A : memref<!tpu.dma_semaphore, #tpu.memory_space<semaphore_mem>>)
        %dma_wait3A_98 = arith.constant 0 : i32
        %dma_wait3A_99 = tpu.memref_slice %arg21[%add3A_27, %dma_wait3A_98] : memref<10240x128xf32, #tpu.memory_space<vmem_shared>> -> memref<128x128xf32, #tpu.memory_space<vmem_shared>>
        %dma_wait3A_100 = arith.constant 0 : i32
        %dma_wait3A_101 = tpu.memref_slice %arg21[%add3A_27, %dma_wait3A_100] : memref<10240x128xf32, #tpu.memory_space<vmem_shared>> -> memref<128x128xf32, #tpu.memory_space<vmem_shared>>
        tpu.wait_dma2 semaphore(%run_scoped3A : memref<!tpu.dma_semaphore, #tpu.memory_space<semaphore_mem>>) src(%arg12 : memref<128x128xf32, #tpu.memory_space<vmem>>) dst(%dma_wait3A_101 : memref<128x128xf32, #tpu.memory_space<vmem_shared>>)
        tpu.yield
      }) : () -> ()
      %add3A_28 = arith.constant 256 : i32
      %add3A_29 = arith.addi %mul3A_7, %add3A_28 : i32
      "tpu.region"() ({
        %run_scoped3A = tpu.sem_alloc : memref<!tpu.dma_semaphore, #tpu.memory_space<semaphore_mem>>
        %dma_start3A_94 = arith.constant 0 : i32
        %dma_start3A_95 = tpu.memref_slice %arg21[%add3A_29, %dma_start3A_94] : memref<10240x128xf32, #tpu.memory_space<vmem_shared>> -> memref<128x128xf32, #tpu.memory_space<vmem_shared>>
        %dma_start3A_96 = arith.constant 0 : i32
        %dma_start3A_97 = tpu.memref_slice %arg21[%add3A_29, %dma_start3A_96] : memref<10240x128xf32, #tpu.memory_space<vmem_shared>> -> memref<128x128xf32, #tpu.memory_space<vmem_shared>>
        tpu.enqueue_dma source(%arg12 : memref<128x128xf32, #tpu.memory_space<vmem>>) target(%dma_start3A_97 : memref<128x128xf32, #tpu.memory_space<vmem_shared>>) target_semaphore(%run_scoped3A : memref<!tpu.dma_semaphore, #tpu.memory_space<semaphore_mem>>)
        %dma_wait3A_98 = arith.constant 0 : i32
        %dma_wait3A_99 = tpu.memref_slice %arg21[%add3A_29, %dma_wait3A_98] : memref<10240x128xf32, #tpu.memory_space<vmem_shared>> -> memref<128x128xf32, #tpu.memory_space<vmem_shared>>
        %dma_wait3A_100 = arith.constant 0 : i32
        %dma_wait3A_101 = tpu.memref_slice %arg21[%add3A_29, %dma_wait3A_100] : memref<10240x128xf32, #tpu.memory_space<vmem_shared>> -> memref<128x128xf32, #tpu.memory_space<vmem_shared>>
        tpu.wait_dma2 semaphore(%run_scoped3A : memref<!tpu.dma_semaphore, #tpu.memory_space<semaphore_mem>>) src(%arg12 : memref<128x128xf32, #tpu.memory_space<vmem>>) dst(%dma_wait3A_101 : memref<128x128xf32, #tpu.memory_space<vmem_shared>>)
        tpu.yield
      }) : () -> ()
      %add3A_30 = arith.constant 384 : i32
      %add3A_31 = arith.addi %mul3A_7, %add3A_30 : i32
      "tpu.region"() ({
        %run_scoped3A = tpu.sem_alloc : memref<!tpu.dma_semaphore, #tpu.memory_space<semaphore_mem>>
        %dma_start3A_94 = arith.constant 0 : i32
        %dma_start3A_95 = tpu.memref_slice %arg21[%add3A_31, %dma_start3A_94] : memref<10240x128xf32, #tpu.memory_space<vmem_shared>> -> memref<128x128xf32, #tpu.memory_space<vmem_shared>>
        %dma_start3A_96 = arith.constant 0 : i32
        %dma_start3A_97 = tpu.memref_slice %arg21[%add3A_31, %dma_start3A_96] : memref<10240x128xf32, #tpu.memory_space<vmem_shared>> -> memref<128x128xf32, #tpu.memory_space<vmem_shared>>
        tpu.enqueue_dma source(%arg12 : memref<128x128xf32, #tpu.memory_space<vmem>>) target(%dma_start3A_97 : memref<128x128xf32, #tpu.memory_space<vmem_shared>>) target_semaphore(%run_scoped3A : memref<!tpu.dma_semaphore, #tpu.memory_space<semaphore_mem>>)
        %dma_wait3A_98 = arith.constant 0 : i32
        %dma_wait3A_99 = tpu.memref_slice %arg21[%add3A_31, %dma_wait3A_98] : memref<10240x128xf32, #tpu.memory_space<vmem_shared>> -> memref<128x128xf32, #tpu.memory_space<vmem_shared>>
        %dma_wait3A_100 = arith.constant 0 : i32
        %dma_wait3A_101 = tpu.memref_slice %arg21[%add3A_31, %dma_wait3A_100] : memref<10240x128xf32, #tpu.memory_space<vmem_shared>> -> memref<128x128xf32, #tpu.memory_space<vmem_shared>>
        tpu.wait_dma2 semaphore(%run_scoped3A : memref<!tpu.dma_semaphore, #tpu.memory_space<semaphore_mem>>) src(%arg12 : memref<128x128xf32, #tpu.memory_space<vmem>>) dst(%dma_wait3A_101 : memref<128x128xf32, #tpu.memory_space<vmem_shared>>)
        tpu.yield
      }) : () -> ()
      %add3A_32 = arith.constant 512 : i32
      %add3A_33 = arith.addi %mul3A_7, %add3A_32 : i32
      "tpu.region"() ({
        %run_scoped3A = tpu.sem_alloc : memref<!tpu.dma_semaphore, #tpu.memory_space<semaphore_mem>>
        %dma_start3A_94 = arith.constant 0 : i32
        %dma_start3A_95 = tpu.memref_slice %arg21[%add3A_33, %dma_start3A_94] : memref<10240x128xf32, #tpu.memory_space<vmem_shared>> -> memref<128x128xf32, #tpu.memory_space<vmem_shared>>
        %dma_start3A_96 = arith.constant 0 : i32
        %dma_start3A_97 = tpu.memref_slice %arg21[%add3A_33, %dma_start3A_96] : memref<10240x128xf32, #tpu.memory_space<vmem_shared>> -> memref<128x128xf32, #tpu.memory_space<vmem_shared>>
        tpu.enqueue_dma source(%arg12 : memref<128x128xf32, #tpu.memory_space<vmem>>) target(%dma_start3A_97 : memref<128x128xf32, #tpu.memory_space<vmem_shared>>) target_semaphore(%run_scoped3A : memref<!tpu.dma_semaphore, #tpu.memory_space<semaphore_mem>>)
        %dma_wait3A_98 = arith.constant 0 : i32
        %dma_wait3A_99 = tpu.memref_slice %arg21[%add3A_33, %dma_wait3A_98] : memref<10240x128xf32, #tpu.memory_space<vmem_shared>> -> memref<128x128xf32, #tpu.memory_space<vmem_shared>>
        %dma_wait3A_100 = arith.constant 0 : i32
        %dma_wait3A_101 = tpu.memref_slice %arg21[%add3A_33, %dma_wait3A_100] : memref<10240x128xf32, #tpu.memory_space<vmem_shared>> -> memref<128x128xf32, #tpu.memory_space<vmem_shared>>
        tpu.wait_dma2 semaphore(%run_scoped3A : memref<!tpu.dma_semaphore, #tpu.memory_space<semaphore_mem>>) src(%arg12 : memref<128x128xf32, #tpu.memory_space<vmem>>) dst(%dma_wait3A_101 : memref<128x128xf32, #tpu.memory_space<vmem_shared>>)
        tpu.yield
      }) : () -> ()
      "tpu.region"() ({
        %run_scoped3A = tpu.sem_alloc : memref<!tpu.dma_semaphore, #tpu.memory_space<semaphore_mem>>
        %dma_start3A_94 = tpu.memref_slice %arg22[%mul3A_7] : memref<10240xf32, #tpu.memory_space<vmem_shared>> -> memref<640xf32, #tpu.memory_space<vmem_shared>>
        %dma_start3A_95 = tpu.memref_slice %arg22[%mul3A_7] : memref<10240xf32, #tpu.memory_space<vmem_shared>> -> memref<640xf32, #tpu.memory_space<vmem_shared>>
        tpu.enqueue_dma source(%arg14 : memref<640xf32, #tpu.memory_space<vmem>>) target(%dma_start3A_95 : memref<640xf32, #tpu.memory_space<vmem_shared>>) target_semaphore(%run_scoped3A : memref<!tpu.dma_semaphore, #tpu.memory_space<semaphore_mem>>)
        %dma_wait3A_96 = tpu.memref_slice %arg22[%mul3A_7] : memref<10240xf32, #tpu.memory_space<vmem_shared>> -> memref<640xf32, #tpu.memory_space<vmem_shared>>
        %dma_wait3A_97 = tpu.memref_slice %arg22[%mul3A_7] : memref<10240xf32, #tpu.memory_space<vmem_shared>> -> memref<640xf32, #tpu.memory_space<vmem_shared>>
        tpu.wait_dma2 semaphore(%run_scoped3A : memref<!tpu.dma_semaphore, #tpu.memory_space<semaphore_mem>>) src(%arg14 : memref<640xf32, #tpu.memory_space<vmem>>) dst(%dma_wait3A_97 : memref<640xf32, #tpu.memory_space<vmem_shared>>)
        tpu.yield
      }) : () -> ()
      %barrier3A = arith.constant 0 : index
      tpu.barrier barrier_id(%barrier3A)
      %mul3A_34 = arith.constant 20096 : i32
      %mul3A_35 = arith.muli %arg1, %mul3A_34 : i32
      %add3A_36 = arith.constant 0 : i32
      %add3A_37 = arith.addi %mul3A_35, %add3A_36 : i32
      "tpu.region"() ({
        %run_scoped3A = tpu.sem_alloc : memref<!tpu.dma_semaphore, #tpu.memory_space<semaphore_mem>>
        %dma_start3A_94 = tpu.memref_slice %arg3[%add3A_37] : memref<321536xi32, #tpu.memory_space<hbm>> -> memref<128xi32, #tpu.memory_space<hbm>>
        %dma_start3A_95 = tpu.memref_slice %arg3[%add3A_37] : memref<321536xi32, #tpu.memory_space<hbm>> -> memref<128xi32, #tpu.memory_space<hbm>>
        tpu.enqueue_dma source(%dma_start3A_95 : memref<128xi32, #tpu.memory_space<hbm>>) target(%arg16 : memref<128xi32, #tpu.memory_space<vmem>>) target_semaphore(%run_scoped3A : memref<!tpu.dma_semaphore, #tpu.memory_space<semaphore_mem>>)
        %dma_wait3A_96 = tpu.memref_slice %arg3[%add3A_37] : memref<321536xi32, #tpu.memory_space<hbm>> -> memref<128xi32, #tpu.memory_space<hbm>>
        %dma_wait3A_97 = tpu.memref_slice %arg3[%add3A_37] : memref<321536xi32, #tpu.memory_space<hbm>> -> memref<128xi32, #tpu.memory_space<hbm>>
        tpu.wait_dma2 semaphore(%run_scoped3A : memref<!tpu.dma_semaphore, #tpu.memory_space<semaphore_mem>>) src(%dma_wait3A_97 : memref<128xi32, #tpu.memory_space<hbm>>) dst(%arg16 : memref<128xi32, #tpu.memory_space<vmem>>)
        tpu.yield
      }) : () -> ()
      %add3A_38 = arith.constant 0 : i32
      %add3A_39 = arith.addi %mul3A_35, %add3A_38 : i32
      "tpu.region"() ({
        %run_scoped3A = tpu.sem_alloc : memref<!tpu.dma_semaphore, #tpu.memory_space<semaphore_mem>>
        %dma_start3A_94 = tpu.memref_slice %arg4[%add3A_39] : memref<321536xi32, #tpu.memory_space<hbm>> -> memref<128xi32, #tpu.memory_space<hbm>>
        %dma_start3A_95 = tpu.memref_slice %arg4[%add3A_39] : memref<321536xi32, #tpu.memory_space<hbm>> -> memref<128xi32, #tpu.memory_space<hbm>>
        tpu.enqueue_dma source(%dma_start3A_95 : memref<128xi32, #tpu.memory_space<hbm>>) target(%arg18 : memref<128xi32, #tpu.memory_space<vmem>>) target_semaphore(%run_scoped3A : memref<!tpu.dma_semaphore, #tpu.memory_space<semaphore_mem>>)
        %dma_wait3A_96 = tpu.memref_slice %arg4[%add3A_39] : memref<321536xi32, #tpu.memory_space<hbm>> -> memref<128xi32, #tpu.memory_space<hbm>>
        %dma_wait3A_97 = tpu.memref_slice %arg4[%add3A_39] : memref<321536xi32, #tpu.memory_space<hbm>> -> memref<128xi32, #tpu.memory_space<hbm>>
        tpu.wait_dma2 semaphore(%run_scoped3A : memref<!tpu.dma_semaphore, #tpu.memory_space<semaphore_mem>>) src(%dma_wait3A_97 : memref<128xi32, #tpu.memory_space<hbm>>) dst(%arg18 : memref<128xi32, #tpu.memory_space<vmem>>)
        tpu.yield
      }) : () -> ()
      %dma_start3A = arith.constant 0 : i32
      %dma_start3A_40 = arith.constant 0 : i32
      %dma_start3A_41 = tpu.memref_slice %arg2[%dma_start3A, %dma_start3A_40] : memref<10000x128xf32, #tpu.memory_space<hbm>> -> memref<10000x128xf32, #tpu.memory_space<hbm>>
      tpu.enqueue_indirect_dma source(%dma_start3A_41 : memref<10000x128xf32, #tpu.memory_space<hbm>>) target(%arg12 : memref<128x128xf32, #tpu.memory_space<vmem>>) offsets(%arg16 : memref<128xi32, #tpu.memory_space<vmem>>) semaphore(%arg23 : memref<!tpu.dma_semaphore, #tpu.memory_space<semaphore_mem>>)
      %add3A_42 = arith.constant 128 : i32
      %add3A_43 = arith.addi %mul3A_35, %add3A_42 : i32
      %dma_start3A_44 = tpu.memref_slice %arg3[%add3A_43] : memref<321536xi32, #tpu.memory_space<hbm>> -> memref<128xi32, #tpu.memory_space<hbm>>
      %dma_start3A_45 = tpu.memref_slice %arg3[%add3A_43] : memref<321536xi32, #tpu.memory_space<hbm>> -> memref<128xi32, #tpu.memory_space<hbm>>
      tpu.enqueue_dma source(%dma_start3A_45 : memref<128xi32, #tpu.memory_space<hbm>>) target(%arg17 : memref<128xi32, #tpu.memory_space<vmem>>) target_semaphore(%arg25 : memref<!tpu.dma_semaphore, #tpu.memory_space<semaphore_mem>>)
      %add3A_46 = arith.constant 128 : i32
      %add3A_47 = arith.addi %mul3A_35, %add3A_46 : i32
      %dma_start3A_48 = tpu.memref_slice %arg4[%add3A_47] : memref<321536xi32, #tpu.memory_space<hbm>> -> memref<128xi32, #tpu.memory_space<hbm>>
      %dma_start3A_49 = tpu.memref_slice %arg4[%add3A_47] : memref<321536xi32, #tpu.memory_space<hbm>> -> memref<128xi32, #tpu.memory_space<hbm>>
      tpu.enqueue_dma source(%dma_start3A_49 : memref<128xi32, #tpu.memory_space<hbm>>) target(%arg19 : memref<128xi32, #tpu.memory_space<vmem>>) target_semaphore(%arg25 : memref<!tpu.dma_semaphore, #tpu.memory_space<semaphore_mem>>)
      %add3A_50 = arith.constant 128 : i32
      %add3A_51 = arith.addi %mul3A_35, %add3A_50 : i32
      %dma_wait3A = tpu.memref_slice %arg3[%add3A_51] : memref<321536xi32, #tpu.memory_space<hbm>> -> memref<128xi32, #tpu.memory_space<hbm>>
      %dma_wait3A_52 = tpu.memref_slice %arg3[%add3A_51] : memref<321536xi32, #tpu.memory_space<hbm>> -> memref<128xi32, #tpu.memory_space<hbm>>
      tpu.wait_dma2 semaphore(%arg25 : memref<!tpu.dma_semaphore, #tpu.memory_space<semaphore_mem>>) src(%dma_wait3A_52 : memref<128xi32, #tpu.memory_space<hbm>>) dst(%arg17 : memref<128xi32, #tpu.memory_space<vmem>>)
      %add3A_53 = arith.constant 128 : i32
      %add3A_54 = arith.addi %mul3A_35, %add3A_53 : i32
      %dma_wait3A_55 = tpu.memref_slice %arg4[%add3A_54] : memref<321536xi32, #tpu.memory_space<hbm>> -> memref<128xi32, #tpu.memory_space<hbm>>
      %dma_wait3A_56 = tpu.memref_slice %arg4[%add3A_54] : memref<321536xi32, #tpu.memory_space<hbm>> -> memref<128xi32, #tpu.memory_space<hbm>>
      tpu.wait_dma2 semaphore(%arg25 : memref<!tpu.dma_semaphore, #tpu.memory_space<semaphore_mem>>) src(%dma_wait3A_56 : memref<128xi32, #tpu.memory_space<hbm>>) dst(%arg19 : memref<128xi32, #tpu.memory_space<vmem>>)
      %dma_start3A_57 = arith.constant 0 : i32
      %dma_start3A_58 = arith.constant 0 : i32
      %dma_start3A_59 = tpu.memref_slice %arg2[%dma_start3A_57, %dma_start3A_58] : memref<10000x128xf32, #tpu.memory_space<hbm>> -> memref<10000x128xf32, #tpu.memory_space<hbm>>
      tpu.enqueue_indirect_dma source(%dma_start3A_59 : memref<10000x128xf32, #tpu.memory_space<hbm>>) target(%arg13 : memref<128x128xf32, #tpu.memory_space<vmem>>) offsets(%arg17 : memref<128xi32, #tpu.memory_space<vmem>>) semaphore(%arg24 : memref<!tpu.dma_semaphore, #tpu.memory_space<semaphore_mem>>)
      %dma_wait3A_60 = arith.constant 0 : i32
      %dma_wait3A_61 = arith.constant 0 : i32
      %dma_wait3A_62 = tpu.memref_slice %arg2[%dma_wait3A_60, %dma_wait3A_61] : memref<10000x128xf32, #tpu.memory_space<hbm>> -> memref<10000x128xf32, #tpu.memory_space<hbm>>
      tpu.wait_indirect_dma semaphore(%arg23 : memref<!tpu.dma_semaphore, #tpu.memory_space<semaphore_mem>>) src(%dma_wait3A_62 : memref<10000x128xf32, #tpu.memory_space<hbm>>) dst(%arg12 : memref<128x128xf32, #tpu.memory_space<vmem>>)
      %dma_start3A_63 = arith.constant 0 : i32
      %dma_start3A_64 = arith.constant 0 : i32
      %dma_start3A_65 = tpu.memref_slice %arg21[%dma_start3A_63, %dma_start3A_64] : memref<10240x128xf32, #tpu.memory_space<vmem_shared>> -> memref<10240x128xf32, #tpu.memory_space<vmem_shared>>
      tpu.enqueue_indirect_dma source(%arg12 : memref<128x128xf32, #tpu.memory_space<vmem>>) target(%dma_start3A_65 : memref<10240x128xf32, #tpu.memory_space<vmem_shared>>) offsets(%arg18 : memref<128xi32, #tpu.memory_space<vmem>>) semaphore(%arg26 : memref<!tpu.dma_semaphore, #tpu.memory_space<semaphore_mem>>) {add = true}
      "tpu.region"() ({
        %run_scoped3A = tpu.sem_alloc : memref<!tpu.dma_semaphore, #tpu.memory_space<semaphore_mem>>
        %dma_start3A_94 = arith.constant 0 : i32
        %dma_start3A_95 = tpu.memref_slice %arg22[%dma_start3A_94] : memref<10240xf32, #tpu.memory_space<vmem_shared>> -> memref<10240xf32, #tpu.memory_space<vmem_shared>>
        tpu.enqueue_indirect_dma source(%arg15 : memref<128xf32, #tpu.memory_space<vmem>>) target(%dma_start3A_95 : memref<10240xf32, #tpu.memory_space<vmem_shared>>) offsets(%arg18 : memref<128xi32, #tpu.memory_space<vmem>>) semaphore(%run_scoped3A : memref<!tpu.dma_semaphore, #tpu.memory_space<semaphore_mem>>) {add = true}
        %dma_wait3A_96 = arith.constant 0 : i32
        %dma_wait3A_97 = tpu.memref_slice %arg22[%dma_wait3A_96] : memref<10240xf32, #tpu.memory_space<vmem_shared>> -> memref<10240xf32, #tpu.memory_space<vmem_shared>>
        tpu.wait_indirect_dma semaphore(%run_scoped3A : memref<!tpu.dma_semaphore, #tpu.memory_space<semaphore_mem>>) src(%arg15 : memref<128xf32, #tpu.memory_space<vmem>>) dst(%dma_wait3A_97 : memref<10240xf32, #tpu.memory_space<vmem_shared>>)
        tpu.yield
      }) : () -> ()
      %add3A_66 = arith.constant 256 : i32
      %add3A_67 = arith.addi %mul3A_35, %add3A_66 : i32
      %dma_start3A_68 = tpu.memref_slice %arg3[%add3A_67] : memref<321536xi32, #tpu.memory_space<hbm>> -> memref<128xi32, #tpu.memory_space<hbm>>
      %dma_start3A_69 = tpu.memref_slice %arg3[%add3A_67] : memref<321536xi32, #tpu.memory_space<hbm>> -> memref<128xi32, #tpu.memory_space<hbm>>
      tpu.enqueue_dma source(%dma_start3A_69 : memref<128xi32, #tpu.memory_space<hbm>>) target(%arg16 : memref<128xi32, #tpu.memory_space<vmem>>) target_semaphore(%arg25 : memref<!tpu.dma_semaphore, #tpu.memory_space<semaphore_mem>>)
      %add3A_70 = arith.constant 256 : i32
      %add3A_71 = arith.addi %mul3A_35, %add3A_70 : i32
      %dma_start3A_72 = tpu.memref_slice %arg4[%add3A_71] : memref<321536xi32, #tpu.memory_space<hbm>> -> memref<128xi32, #tpu.memory_space<hbm>>
      %dma_start3A_73 = tpu.memref_slice %arg4[%add3A_71] : memref<321536xi32, #tpu.memory_space<hbm>> -> memref<128xi32, #tpu.memory_space<hbm>>
      tpu.enqueue_dma source(%dma_start3A_73 : memref<128xi32, #tpu.memory_space<hbm>>) target(%arg20 : memref<128xi32, #tpu.memory_space<vmem>>) target_semaphore(%arg25 : memref<!tpu.dma_semaphore, #tpu.memory_space<semaphore_mem>>)
      %scan3A_74 = arith.constant 0 : i32
      %scan3A_75 = arith.constant 0 : i32
      %scan3A_76 = arith.constant 26 : i32
      %scan3A_77 = arith.addi %scan3A_75, %scan3A_76 : i32
      %scan3A_78 = arith.constant 1 : i32
      scf.for %scan3A_94 = %scan3A_75 to %scan3A_77 step %scan3A_78  : i32 {
        %mul3A_95 = arith.constant 6 : i32
        %mul3A_96 = arith.muli %mul3A_95, %scan3A_94 : i32
        %add3A_97 = arith.constant 1 : i32
        %add3A_98 = arith.addi %mul3A_96, %add3A_97 : i32
        %add3A_99 = arith.constant 0 : i32
        %add3A_100 = arith.addi %add3A_98, %add3A_99 : i32
        %dma_wait3A_101 = arith.constant 0 : i32
        %dma_wait3A_102 = arith.constant 0 : i32
        %dma_wait3A_103 = tpu.memref_slice %arg21[%dma_wait3A_101, %dma_wait3A_102] : memref<10240x128xf32, #tpu.memory_space<vmem_shared>> -> memref<10240x128xf32, #tpu.memory_space<vmem_shared>>
        tpu.wait_indirect_dma semaphore(%arg26 : memref<!tpu.dma_semaphore, #tpu.memory_space<semaphore_mem>>) src(%arg12 : memref<128x128xf32, #tpu.memory_space<vmem>>) dst(%dma_wait3A_103 : memref<10240x128xf32, #tpu.memory_space<vmem_shared>>)
        %add3A_104 = arith.constant 1 : i32
        %add3A_105 = arith.addi %add3A_100, %add3A_104 : i32
        %lt3A = arith.constant 157 : i32
        %lt3A_106 = arith.cmpi slt, %add3A_105, %lt3A : i32
        %convert_element_type3A_107 = arith.extui %lt3A_106 : i1 to i32
        %cond3A_108 = arith.constant 0 : i32
        %cond3A_109 = arith.cmpi ne, %convert_element_type3A_107, %cond3A_108 : i32
        scf.if %cond3A_109 {
          %add3A_248 = arith.constant 1 : i32
          %add3A_249 = arith.addi %add3A_100, %add3A_248 : i32
          %mul3A_250 = arith.constant 128 : i32
          %mul3A_251 = arith.muli %add3A_249, %mul3A_250 : i32
          %add3A_252 = arith.addi %mul3A_35, %mul3A_251 : i32
          %dma_wait3A_253 = tpu.memref_slice %arg3[%add3A_252] : memref<321536xi32, #tpu.memory_space<hbm>> -> memref<128xi32, #tpu.memory_space<hbm>>
          %dma_wait3A_254 = tpu.memref_slice %arg3[%add3A_252] : memref<321536xi32, #tpu.memory_space<hbm>> -> memref<128xi32, #tpu.memory_space<hbm>>
          tpu.wait_dma2 semaphore(%arg25 : memref<!tpu.dma_semaphore, #tpu.memory_space<semaphore_mem>>) src(%dma_wait3A_254 : memref<128xi32, #tpu.memory_space<hbm>>) dst(%arg16 : memref<128xi32, #tpu.memory_space<vmem>>)
          %mul3A_255 = arith.constant 128 : i32
          %mul3A_256 = arith.muli %add3A_249, %mul3A_255 : i32
          %add3A_257 = arith.addi %mul3A_35, %mul3A_256 : i32
          %dma_wait3A_258 = tpu.memref_slice %arg4[%add3A_257] : memref<321536xi32, #tpu.memory_space<hbm>> -> memref<128xi32, #tpu.memory_space<hbm>>
          %dma_wait3A_259 = tpu.memref_slice %arg4[%add3A_257] : memref<321536xi32, #tpu.memory_space<hbm>> -> memref<128xi32, #tpu.memory_space<hbm>>
          tpu.wait_dma2 semaphore(%arg25 : memref<!tpu.dma_semaphore, #tpu.memory_space<semaphore_mem>>) src(%dma_wait3A_259 : memref<128xi32, #tpu.memory_space<hbm>>) dst(%arg20 : memref<128xi32, #tpu.memory_space<vmem>>)
          %dma_start3A_260 = arith.constant 0 : i32
          %dma_start3A_261 = arith.constant 0 : i32
          %dma_start3A_262 = tpu.memref_slice %arg2[%dma_start3A_260, %dma_start3A_261] : memref<10000x128xf32, #tpu.memory_space<hbm>> -> memref<10000x128xf32, #tpu.memory_space<hbm>>
          tpu.enqueue_indirect_dma source(%dma_start3A_262 : memref<10000x128xf32, #tpu.memory_space<hbm>>) target(%arg12 : memref<128x128xf32, #tpu.memory_space<vmem>>) offsets(%arg16 : memref<128xi32, #tpu.memory_space<vmem>>) semaphore(%arg23 : memref<!tpu.dma_semaphore, #tpu.memory_space<semaphore_mem>>)
        } else {
        }
        %dma_wait3A_110 = arith.constant 0 : i32
        %dma_wait3A_111 = arith.constant 0 : i32
        %dma_wait3A_112 = tpu.memref_slice %arg2[%dma_wait3A_110, %dma_wait3A_111] : memref<10000x128xf32, #tpu.memory_space<hbm>> -> memref<10000x128xf32, #tpu.memory_space<hbm>>
        tpu.wait_indirect_dma semaphore(%arg24 : memref<!tpu.dma_semaphore, #tpu.memory_space<semaphore_mem>>) src(%dma_wait3A_112 : memref<10000x128xf32, #tpu.memory_space<hbm>>) dst(%arg13 : memref<128x128xf32, #tpu.memory_space<vmem>>)
        %dma_start3A_113 = arith.constant 0 : i32
        %dma_start3A_114 = arith.constant 0 : i32
        %dma_start3A_115 = tpu.memref_slice %arg21[%dma_start3A_113, %dma_start3A_114] : memref<10240x128xf32, #tpu.memory_space<vmem_shared>> -> memref<10240x128xf32, #tpu.memory_space<vmem_shared>>
        tpu.enqueue_indirect_dma source(%arg13 : memref<128x128xf32, #tpu.memory_space<vmem>>) target(%dma_start3A_115 : memref<10240x128xf32, #tpu.memory_space<vmem_shared>>) offsets(%arg19 : memref<128xi32, #tpu.memory_space<vmem>>) semaphore(%arg27 : memref<!tpu.dma_semaphore, #tpu.memory_space<semaphore_mem>>) {add = true}
        "tpu.region"() ({
          %run_scoped3A = tpu.sem_alloc : memref<!tpu.dma_semaphore, #tpu.memory_space<semaphore_mem>>
          %dma_start3A_248 = arith.constant 0 : i32
          %dma_start3A_249 = tpu.memref_slice %arg22[%dma_start3A_248] : memref<10240xf32, #tpu.memory_space<vmem_shared>> -> memref<10240xf32, #tpu.memory_space<vmem_shared>>
          tpu.enqueue_indirect_dma source(%arg15 : memref<128xf32, #tpu.memory_space<vmem>>) target(%dma_start3A_249 : memref<10240xf32, #tpu.memory_space<vmem_shared>>) offsets(%arg19 : memref<128xi32, #tpu.memory_space<vmem>>) semaphore(%run_scoped3A : memref<!tpu.dma_semaphore, #tpu.memory_space<semaphore_mem>>) {add = true}
          %dma_wait3A_250 = arith.constant 0 : i32
          %dma_wait3A_251 = tpu.memref_slice %arg22[%dma_wait3A_250] : memref<10240xf32, #tpu.memory_space<vmem_shared>> -> memref<10240xf32, #tpu.memory_space<vmem_shared>>
          tpu.wait_indirect_dma semaphore(%run_scoped3A : memref<!tpu.dma_semaphore, #tpu.memory_space<semaphore_mem>>) src(%arg15 : memref<128xf32, #tpu.memory_space<vmem>>) dst(%dma_wait3A_251 : memref<10240xf32, #tpu.memory_space<vmem_shared>>)
          tpu.yield
        }) : () -> ()
        %add3A_116 = arith.constant 2 : i32
        %add3A_117 = arith.addi %add3A_100, %add3A_116 : i32
        %lt3A_118 = arith.constant 157 : i32
        %lt3A_119 = arith.cmpi slt, %add3A_117, %lt3A_118 : i32
        %convert_element_type3A_120 = arith.extui %lt3A_119 : i1 to i32
        %cond3A_121 = arith.constant 0 : i32
        %cond3A_122 = arith.cmpi ne, %convert_element_type3A_120, %cond3A_121 : i32
        scf.if %cond3A_122 {
          %add3A_248 = arith.constant 2 : i32
          %add3A_249 = arith.addi %add3A_100, %add3A_248 : i32
          %mul3A_250 = arith.constant 128 : i32
          %mul3A_251 = arith.muli %add3A_249, %mul3A_250 : i32
          %add3A_252 = arith.addi %mul3A_35, %mul3A_251 : i32
          %dma_start3A_253 = tpu.memref_slice %arg3[%add3A_252] : memref<321536xi32, #tpu.memory_space<hbm>> -> memref<128xi32, #tpu.memory_space<hbm>>
          %dma_start3A_254 = tpu.memref_slice %arg3[%add3A_252] : memref<321536xi32, #tpu.memory_space<hbm>> -> memref<128xi32, #tpu.memory_space<hbm>>
          tpu.enqueue_dma source(%dma_start3A_254 : memref<128xi32, #tpu.memory_space<hbm>>) target(%arg17 : memref<128xi32, #tpu.memory_space<vmem>>) target_semaphore(%arg25 : memref<!tpu.dma_semaphore, #tpu.memory_space<semaphore_mem>>)
          %mul3A_255 = arith.constant 128 : i32
          %mul3A_256 = arith.muli %add3A_249, %mul3A_255 : i32
          %add3A_257 = arith.addi %mul3A_35, %mul3A_256 : i32
          %dma_start3A_258 = tpu.memref_slice %arg4[%add3A_257] : memref<321536xi32, #tpu.memory_space<hbm>> -> memref<128xi32, #tpu.memory_space<hbm>>
          %dma_start3A_259 = tpu.memref_slice %arg4[%add3A_257] : memref<321536xi32, #tpu.memory_space<hbm>> -> memref<128xi32, #tpu.memory_space<hbm>>
          tpu.enqueue_dma source(%dma_start3A_259 : memref<128xi32, #tpu.memory_space<hbm>>) target(%arg18 : memref<128xi32, #tpu.memory_space<vmem>>) target_semaphore(%arg25 : memref<!tpu.dma_semaphore, #tpu.memory_space<semaphore_mem>>)
        } else {
        }
        %add3A_123 = arith.constant 1 : i32
        %add3A_124 = arith.addi %add3A_98, %add3A_123 : i32
        %dma_wait3A_125 = arith.constant 0 : i32
        %dma_wait3A_126 = arith.constant 0 : i32
        %dma_wait3A_127 = tpu.memref_slice %arg21[%dma_wait3A_125, %dma_wait3A_126] : memref<10240x128xf32, #tpu.memory_space<vmem_shared>> -> memref<10240x128xf32, #tpu.memory_space<vmem_shared>>
        tpu.wait_indirect_dma semaphore(%arg27 : memref<!tpu.dma_semaphore, #tpu.memory_space<semaphore_mem>>) src(%arg13 : memref<128x128xf32, #tpu.memory_space<vmem>>) dst(%dma_wait3A_127 : memref<10240x128xf32, #tpu.memory_space<vmem_shared>>)
        %add3A_128 = arith.constant 1 : i32
        %add3A_129 = arith.addi %add3A_124, %add3A_128 : i32
        %lt3A_130 = arith.constant 157 : i32
        %lt3A_131 = arith.cmpi slt, %add3A_129, %lt3A_130 : i32
        %convert_element_type3A_132 = arith.extui %lt3A_131 : i1 to i32
        %cond3A_133 = arith.constant 0 : i32
        %cond3A_134 = arith.cmpi ne, %convert_element_type3A_132, %cond3A_133 : i32
        scf.if %cond3A_134 {
          %add3A_248 = arith.constant 1 : i32
          %add3A_249 = arith.addi %add3A_124, %add3A_248 : i32
          %mul3A_250 = arith.constant 128 : i32
          %mul3A_251 = arith.muli %add3A_249, %mul3A_250 : i32
          %add3A_252 = arith.addi %mul3A_35, %mul3A_251 : i32
          %dma_wait3A_253 = tpu.memref_slice %arg3[%add3A_252] : memref<321536xi32, #tpu.memory_space<hbm>> -> memref<128xi32, #tpu.memory_space<hbm>>
          %dma_wait3A_254 = tpu.memref_slice %arg3[%add3A_252] : memref<321536xi32, #tpu.memory_space<hbm>> -> memref<128xi32, #tpu.memory_space<hbm>>
          tpu.wait_dma2 semaphore(%arg25 : memref<!tpu.dma_semaphore, #tpu.memory_space<semaphore_mem>>) src(%dma_wait3A_254 : memref<128xi32, #tpu.memory_space<hbm>>) dst(%arg17 : memref<128xi32, #tpu.memory_space<vmem>>)
          %mul3A_255 = arith.constant 128 : i32
          %mul3A_256 = arith.muli %add3A_249, %mul3A_255 : i32
          %add3A_257 = arith.addi %mul3A_35, %mul3A_256 : i32
          %dma_wait3A_258 = tpu.memref_slice %arg4[%add3A_257] : memref<321536xi32, #tpu.memory_space<hbm>> -> memref<128xi32, #tpu.memory_space<hbm>>
          %dma_wait3A_259 = tpu.memref_slice %arg4[%add3A_257] : memref<321536xi32, #tpu.memory_space<hbm>> -> memref<128xi32, #tpu.memory_space<hbm>>
          tpu.wait_dma2 semaphore(%arg25 : memref<!tpu.dma_semaphore, #tpu.memory_space<semaphore_mem>>) src(%dma_wait3A_259 : memref<128xi32, #tpu.memory_space<hbm>>) dst(%arg18 : memref<128xi32, #tpu.memory_space<vmem>>)
          %dma_start3A_260 = arith.constant 0 : i32
          %dma_start3A_261 = arith.constant 0 : i32
          %dma_start3A_262 = tpu.memref_slice %arg2[%dma_start3A_260, %dma_start3A_261] : memref<10000x128xf32, #tpu.memory_space<hbm>> -> memref<10000x128xf32, #tpu.memory_space<hbm>>
          tpu.enqueue_indirect_dma source(%dma_start3A_262 : memref<10000x128xf32, #tpu.memory_space<hbm>>) target(%arg13 : memref<128x128xf32, #tpu.memory_space<vmem>>) offsets(%arg17 : memref<128xi32, #tpu.memory_space<vmem>>) semaphore(%arg24 : memref<!tpu.dma_semaphore, #tpu.memory_space<semaphore_mem>>)
        } else {
        }
        %dma_wait3A_135 = arith.constant 0 : i32
        %dma_wait3A_136 = arith.constant 0 : i32
        %dma_wait3A_137 = tpu.memref_slice %arg2[%dma_wait3A_135, %dma_wait3A_136] : memref<10000x128xf32, #tpu.memory_space<hbm>> -> memref<10000x128xf32, #tpu.memory_space<hbm>>
        tpu.wait_indirect_dma semaphore(%arg23 : memref<!tpu.dma_semaphore, #tpu.memory_space<semaphore_mem>>) src(%dma_wait3A_137 : memref<10000x128xf32, #tpu.memory_space<hbm>>) dst(%arg12 : memref<128x128xf32, #tpu.memory_space<vmem>>)
        %dma_start3A_138 = arith.constant 0 : i32
        %dma_start3A_139 = arith.constant 0 : i32
        %dma_start3A_140 = tpu.memref_slice %arg21[%dma_start3A_138, %dma_start3A_139] : memref<10240x128xf32, #tpu.memory_space<vmem_shared>> -> memref<10240x128xf32, #tpu.memory_space<vmem_shared>>
        tpu.enqueue_indirect_dma source(%arg12 : memref<128x128xf32, #tpu.memory_space<vmem>>) target(%dma_start3A_140 : memref<10240x128xf32, #tpu.memory_space<vmem_shared>>) offsets(%arg20 : memref<128xi32, #tpu.memory_space<vmem>>) semaphore(%arg26 : memref<!tpu.dma_semaphore, #tpu.memory_space<semaphore_mem>>) {add = true}
        "tpu.region"() ({
          %run_scoped3A = tpu.sem_alloc : memref<!tpu.dma_semaphore, #tpu.memory_space<semaphore_mem>>
          %dma_start3A_248 = arith.constant 0 : i32
          %dma_start3A_249 = tpu.memref_slice %arg22[%dma_start3A_248] : memref<10240xf32, #tpu.memory_space<vmem_shared>> -> memref<10240xf32, #tpu.memory_space<vmem_shared>>
          tpu.enqueue_indirect_dma source(%arg15 : memref<128xf32, #tpu.memory_space<vmem>>) target(%dma_start3A_249 : memref<10240xf32, #tpu.memory_space<vmem_shared>>) offsets(%arg20 : memref<128xi32, #tpu.memory_space<vmem>>) semaphore(%run_scoped3A : memref<!tpu.dma_semaphore, #tpu.memory_space<semaphore_mem>>) {add = true}
          %dma_wait3A_250 = arith.constant 0 : i32
          %dma_wait3A_251 = tpu.memref_slice %arg22[%dma_wait3A_250] : memref<10240xf32, #tpu.memory_space<vmem_shared>> -> memref<10240xf32, #tpu.memory_space<vmem_shared>>
          tpu.wait_indirect_dma semaphore(%run_scoped3A : memref<!tpu.dma_semaphore, #tpu.memory_space<semaphore_mem>>) src(%arg15 : memref<128xf32, #tpu.memory_space<vmem>>) dst(%dma_wait3A_251 : memref<10240xf32, #tpu.memory_space<vmem_shared>>)
          tpu.yield
        }) : () -> ()
        %add3A_141 = arith.constant 2 : i32
        %add3A_142 = arith.addi %add3A_124, %add3A_141 : i32
        %lt3A_143 = arith.constant 157 : i32
        %lt3A_144 = arith.cmpi slt, %add3A_142, %lt3A_143 : i32
        %convert_element_type3A_145 = arith.extui %lt3A_144 : i1 to i32
        %cond3A_146 = arith.constant 0 : i32
        %cond3A_147 = arith.cmpi ne, %convert_element_type3A_145, %cond3A_146 : i32
        scf.if %cond3A_147 {
          %add3A_248 = arith.constant 2 : i32
          %add3A_249 = arith.addi %add3A_124, %add3A_248 : i32
          %mul3A_250 = arith.constant 128 : i32
          %mul3A_251 = arith.muli %add3A_249, %mul3A_250 : i32
          %add3A_252 = arith.addi %mul3A_35, %mul3A_251 : i32
          %dma_start3A_253 = tpu.memref_slice %arg3[%add3A_252] : memref<321536xi32, #tpu.memory_space<hbm>> -> memref<128xi32, #tpu.memory_space<hbm>>
          %dma_start3A_254 = tpu.memref_slice %arg3[%add3A_252] : memref<321536xi32, #tpu.memory_space<hbm>> -> memref<128xi32, #tpu.memory_space<hbm>>
          tpu.enqueue_dma source(%dma_start3A_254 : memref<128xi32, #tpu.memory_space<hbm>>) target(%arg16 : memref<128xi32, #tpu.memory_space<vmem>>) target_semaphore(%arg25 : memref<!tpu.dma_semaphore, #tpu.memory_space<semaphore_mem>>)
          %mul3A_255 = arith.constant 128 : i32
          %mul3A_256 = arith.muli %add3A_249, %mul3A_255 : i32
          %add3A_257 = arith.addi %mul3A_35, %mul3A_256 : i32
          %dma_start3A_258 = tpu.memref_slice %arg4[%add3A_257] : memref<321536xi32, #tpu.memory_space<hbm>> -> memref<128xi32, #tpu.memory_space<hbm>>
          %dma_start3A_259 = tpu.memref_slice %arg4[%add3A_257] : memref<321536xi32, #tpu.memory_space<hbm>> -> memref<128xi32, #tpu.memory_space<hbm>>
          tpu.enqueue_dma source(%dma_start3A_259 : memref<128xi32, #tpu.memory_space<hbm>>) target(%arg19 : memref<128xi32, #tpu.memory_space<vmem>>) target_semaphore(%arg25 : memref<!tpu.dma_semaphore, #tpu.memory_space<semaphore_mem>>)
        } else {
        }
        %add3A_148 = arith.constant 2 : i32
        %add3A_149 = arith.addi %add3A_98, %add3A_148 : i32
        %dma_wait3A_150 = arith.constant 0 : i32
        %dma_wait3A_151 = arith.constant 0 : i32
        %dma_wait3A_152 = tpu.memref_slice %arg21[%dma_wait3A_150, %dma_wait3A_151] : memref<10240x128xf32, #tpu.memory_space<vmem_shared>> -> memref<10240x128xf32, #tpu.memory_space<vmem_shared>>
        tpu.wait_indirect_dma semaphore(%arg26 : memref<!tpu.dma_semaphore, #tpu.memory_space<semaphore_mem>>) src(%arg12 : memref<128x128xf32, #tpu.memory_space<vmem>>) dst(%dma_wait3A_152 : memref<10240x128xf32, #tpu.memory_space<vmem_shared>>)
        %add3A_153 = arith.constant 1 : i32
        %add3A_154 = arith.addi %add3A_149, %add3A_153 : i32
        %lt3A_155 = arith.constant 157 : i32
        %lt3A_156 = arith.cmpi slt, %add3A_154, %lt3A_155 : i32
        %convert_element_type3A_157 = arith.extui %lt3A_156 : i1 to i32
        %cond3A_158 = arith.constant 0 : i32
        %cond3A_159 = arith.cmpi ne, %convert_element_type3A_157, %cond3A_158 : i32
        scf.if %cond3A_159 {
          %add3A_248 = arith.constant 1 : i32
          %add3A_249 = arith.addi %add3A_149, %add3A_248 : i32
          %mul3A_250 = arith.constant 128 : i32
          %mul3A_251 = arith.muli %add3A_249, %mul3A_250 : i32
          %add3A_252 = arith.addi %mul3A_35, %mul3A_251 : i32
          %dma_wait3A_253 = tpu.memref_slice %arg3[%add3A_252] : memref<321536xi32, #tpu.memory_space<hbm>> -> memref<128xi32, #tpu.memory_space<hbm>>
          %dma_wait3A_254 = tpu.memref_slice %arg3[%add3A_252] : memref<321536xi32, #tpu.memory_space<hbm>> -> memref<128xi32, #tpu.memory_space<hbm>>
          tpu.wait_dma2 semaphore(%arg25 : memref<!tpu.dma_semaphore, #tpu.memory_space<semaphore_mem>>) src(%dma_wait3A_254 : memref<128xi32, #tpu.memory_space<hbm>>) dst(%arg16 : memref<128xi32, #tpu.memory_space<vmem>>)
          %mul3A_255 = arith.constant 128 : i32
          %mul3A_256 = arith.muli %add3A_249, %mul3A_255 : i32
          %add3A_257 = arith.addi %mul3A_35, %mul3A_256 : i32
          %dma_wait3A_258 = tpu.memref_slice %arg4[%add3A_257] : memref<321536xi32, #tpu.memory_space<hbm>> -> memref<128xi32, #tpu.memory_space<hbm>>
          %dma_wait3A_259 = tpu.memref_slice %arg4[%add3A_257] : memref<321536xi32, #tpu.memory_space<hbm>> -> memref<128xi32, #tpu.memory_space<hbm>>
          tpu.wait_dma2 semaphore(%arg25 : memref<!tpu.dma_semaphore, #tpu.memory_space<semaphore_mem>>) src(%dma_wait3A_259 : memref<128xi32, #tpu.memory_space<hbm>>) dst(%arg19 : memref<128xi32, #tpu.memory_space<vmem>>)
          %dma_start3A_260 = arith.constant 0 : i32
          %dma_start3A_261 = arith.constant 0 : i32
          %dma_start3A_262 = tpu.memref_slice %arg2[%dma_start3A_260, %dma_start3A_261] : memref<10000x128xf32, #tpu.memory_space<hbm>> -> memref<10000x128xf32, #tpu.memory_space<hbm>>
          tpu.enqueue_indirect_dma source(%dma_start3A_262 : memref<10000x128xf32, #tpu.memory_space<hbm>>) target(%arg12 : memref<128x128xf32, #tpu.memory_space<vmem>>) offsets(%arg16 : memref<128xi32, #tpu.memory_space<vmem>>) semaphore(%arg23 : memref<!tpu.dma_semaphore, #tpu.memory_space<semaphore_mem>>)
        } else {
        }
        %dma_wait3A_160 = arith.constant 0 : i32
        %dma_wait3A_161 = arith.constant 0 : i32
        %dma_wait3A_162 = tpu.memref_slice %arg2[%dma_wait3A_160, %dma_wait3A_161] : memref<10000x128xf32, #tpu.memory_space<hbm>> -> memref<10000x128xf32, #tpu.memory_space<hbm>>
        tpu.wait_indirect_dma semaphore(%arg24 : memref<!tpu.dma_semaphore, #tpu.memory_space<semaphore_mem>>) src(%dma_wait3A_162 : memref<10000x128xf32, #tpu.memory_space<hbm>>) dst(%arg13 : memref<128x128xf32, #tpu.memory_space<vmem>>)
        %dma_start3A_163 = arith.constant 0 : i32
        %dma_start3A_164 = arith.constant 0 : i32
        %dma_start3A_165 = tpu.memref_slice %arg21[%dma_start3A_163, %dma_start3A_164] : memref<10240x128xf32, #tpu.memory_space<vmem_shared>> -> memref<10240x128xf32, #tpu.memory_space<vmem_shared>>
        tpu.enqueue_indirect_dma source(%arg13 : memref<128x128xf32, #tpu.memory_space<vmem>>) target(%dma_start3A_165 : memref<10240x128xf32, #tpu.memory_space<vmem_shared>>) offsets(%arg18 : memref<128xi32, #tpu.memory_space<vmem>>) semaphore(%arg27 : memref<!tpu.dma_semaphore, #tpu.memory_space<semaphore_mem>>) {add = true}
        "tpu.region"() ({
          %run_scoped3A = tpu.sem_alloc : memref<!tpu.dma_semaphore, #tpu.memory_space<semaphore_mem>>
          %dma_start3A_248 = arith.constant 0 : i32
          %dma_start3A_249 = tpu.memref_slice %arg22[%dma_start3A_248] : memref<10240xf32, #tpu.memory_space<vmem_shared>> -> memref<10240xf32, #tpu.memory_space<vmem_shared>>
          tpu.enqueue_indirect_dma source(%arg15 : memref<128xf32, #tpu.memory_space<vmem>>) target(%dma_start3A_249 : memref<10240xf32, #tpu.memory_space<vmem_shared>>) offsets(%arg18 : memref<128xi32, #tpu.memory_space<vmem>>) semaphore(%run_scoped3A : memref<!tpu.dma_semaphore, #tpu.memory_space<semaphore_mem>>) {add = true}
          %dma_wait3A_250 = arith.constant 0 : i32
          %dma_wait3A_251 = tpu.memref_slice %arg22[%dma_wait3A_250] : memref<10240xf32, #tpu.memory_space<vmem_shared>> -> memref<10240xf32, #tpu.memory_space<vmem_shared>>
          tpu.wait_indirect_dma semaphore(%run_scoped3A : memref<!tpu.dma_semaphore, #tpu.memory_space<semaphore_mem>>) src(%arg15 : memref<128xf32, #tpu.memory_space<vmem>>) dst(%dma_wait3A_251 : memref<10240xf32, #tpu.memory_space<vmem_shared>>)
          tpu.yield
        }) : () -> ()
        %add3A_166 = arith.constant 2 : i32
        %add3A_167 = arith.addi %add3A_149, %add3A_166 : i32
        %lt3A_168 = arith.constant 157 : i32
        %lt3A_169 = arith.cmpi slt, %add3A_167, %lt3A_168 : i32
        %convert_element_type3A_170 = arith.extui %lt3A_169 : i1 to i32
        %cond3A_171 = arith.constant 0 : i32
        %cond3A_172 = arith.cmpi ne, %convert_element_type3A_170, %cond3A_171 : i32
        scf.if %cond3A_172 {
          %add3A_248 = arith.constant 2 : i32
          %add3A_249 = arith.addi %add3A_149, %add3A_248 : i32
          %mul3A_250 = arith.constant 128 : i32
          %mul3A_251 = arith.muli %add3A_249, %mul3A_250 : i32
          %add3A_252 = arith.addi %mul3A_35, %mul3A_251 : i32
          %dma_start3A_253 = tpu.memref_slice %arg3[%add3A_252] : memref<321536xi32, #tpu.memory_space<hbm>> -> memref<128xi32, #tpu.memory_space<hbm>>
          %dma_start3A_254 = tpu.memref_slice %arg3[%add3A_252] : memref<321536xi32, #tpu.memory_space<hbm>> -> memref<128xi32, #tpu.memory_space<hbm>>
          tpu.enqueue_dma source(%dma_start3A_254 : memref<128xi32, #tpu.memory_space<hbm>>) target(%arg17 : memref<128xi32, #tpu.memory_space<vmem>>) target_semaphore(%arg25 : memref<!tpu.dma_semaphore, #tpu.memory_space<semaphore_mem>>)
          %mul3A_255 = arith.constant 128 : i32
          %mul3A_256 = arith.muli %add3A_249, %mul3A_255 : i32
          %add3A_257 = arith.addi %mul3A_35, %mul3A_256 : i32
          %dma_start3A_258 = tpu.memref_slice %arg4[%add3A_257] : memref<321536xi32, #tpu.memory_space<hbm>> -> memref<128xi32, #tpu.memory_space<hbm>>
          %dma_start3A_259 = tpu.memref_slice %arg4[%add3A_257] : memref<321536xi32, #tpu.memory_space<hbm>> -> memref<128xi32, #tpu.memory_space<hbm>>
          tpu.enqueue_dma source(%dma_start3A_259 : memref<128xi32, #tpu.memory_space<hbm>>) target(%arg20 : memref<128xi32, #tpu.memory_space<vmem>>) target_semaphore(%arg25 : memref<!tpu.dma_semaphore, #tpu.memory_space<semaphore_mem>>)
        } else {
        }
        %add3A_173 = arith.constant 3 : i32
        %add3A_174 = arith.addi %add3A_98, %add3A_173 : i32
        %dma_wait3A_175 = arith.constant 0 : i32
        %dma_wait3A_176 = arith.constant 0 : i32
        %dma_wait3A_177 = tpu.memref_slice %arg21[%dma_wait3A_175, %dma_wait3A_176] : memref<10240x128xf32, #tpu.memory_space<vmem_shared>> -> memref<10240x128xf32, #tpu.memory_space<vmem_shared>>
        tpu.wait_indirect_dma semaphore(%arg27 : memref<!tpu.dma_semaphore, #tpu.memory_space<semaphore_mem>>) src(%arg13 : memref<128x128xf32, #tpu.memory_space<vmem>>) dst(%dma_wait3A_177 : memref<10240x128xf32, #tpu.memory_space<vmem_shared>>)
        %add3A_178 = arith.constant 1 : i32
        %add3A_179 = arith.addi %add3A_174, %add3A_178 : i32
        %lt3A_180 = arith.constant 157 : i32
        %lt3A_181 = arith.cmpi slt, %add3A_179, %lt3A_180 : i32
        %convert_element_type3A_182 = arith.extui %lt3A_181 : i1 to i32
        %cond3A_183 = arith.constant 0 : i32
        %cond3A_184 = arith.cmpi ne, %convert_element_type3A_182, %cond3A_183 : i32
        scf.if %cond3A_184 {
          %add3A_248 = arith.constant 1 : i32
          %add3A_249 = arith.addi %add3A_174, %add3A_248 : i32
          %mul3A_250 = arith.constant 128 : i32
          %mul3A_251 = arith.muli %add3A_249, %mul3A_250 : i32
          %add3A_252 = arith.addi %mul3A_35, %mul3A_251 : i32
          %dma_wait3A_253 = tpu.memref_slice %arg3[%add3A_252] : memref<321536xi32, #tpu.memory_space<hbm>> -> memref<128xi32, #tpu.memory_space<hbm>>
          %dma_wait3A_254 = tpu.memref_slice %arg3[%add3A_252] : memref<321536xi32, #tpu.memory_space<hbm>> -> memref<128xi32, #tpu.memory_space<hbm>>
          tpu.wait_dma2 semaphore(%arg25 : memref<!tpu.dma_semaphore, #tpu.memory_space<semaphore_mem>>) src(%dma_wait3A_254 : memref<128xi32, #tpu.memory_space<hbm>>) dst(%arg17 : memref<128xi32, #tpu.memory_space<vmem>>)
          %mul3A_255 = arith.constant 128 : i32
          %mul3A_256 = arith.muli %add3A_249, %mul3A_255 : i32
          %add3A_257 = arith.addi %mul3A_35, %mul3A_256 : i32
          %dma_wait3A_258 = tpu.memref_slice %arg4[%add3A_257] : memref<321536xi32, #tpu.memory_space<hbm>> -> memref<128xi32, #tpu.memory_space<hbm>>
          %dma_wait3A_259 = tpu.memref_slice %arg4[%add3A_257] : memref<321536xi32, #tpu.memory_space<hbm>> -> memref<128xi32, #tpu.memory_space<hbm>>
          tpu.wait_dma2 semaphore(%arg25 : memref<!tpu.dma_semaphore, #tpu.memory_space<semaphore_mem>>) src(%dma_wait3A_259 : memref<128xi32, #tpu.memory_space<hbm>>) dst(%arg20 : memref<128xi32, #tpu.memory_space<vmem>>)
          %dma_start3A_260 = arith.constant 0 : i32
          %dma_start3A_261 = arith.constant 0 : i32
          %dma_start3A_262 = tpu.memref_slice %arg2[%dma_start3A_260, %dma_start3A_261] : memref<10000x128xf32, #tpu.memory_space<hbm>> -> memref<10000x128xf32, #tpu.memory_space<hbm>>
          tpu.enqueue_indirect_dma source(%dma_start3A_262 : memref<10000x128xf32, #tpu.memory_space<hbm>>) target(%arg13 : memref<128x128xf32, #tpu.memory_space<vmem>>) offsets(%arg17 : memref<128xi32, #tpu.memory_space<vmem>>) semaphore(%arg24 : memref<!tpu.dma_semaphore, #tpu.memory_space<semaphore_mem>>)
        } else {
        }
        %dma_wait3A_185 = arith.constant 0 : i32
        %dma_wait3A_186 = arith.constant 0 : i32
        %dma_wait3A_187 = tpu.memref_slice %arg2[%dma_wait3A_185, %dma_wait3A_186] : memref<10000x128xf32, #tpu.memory_space<hbm>> -> memref<10000x128xf32, #tpu.memory_space<hbm>>
        tpu.wait_indirect_dma semaphore(%arg23 : memref<!tpu.dma_semaphore, #tpu.memory_space<semaphore_mem>>) src(%dma_wait3A_187 : memref<10000x128xf32, #tpu.memory_space<hbm>>) dst(%arg12 : memref<128x128xf32, #tpu.memory_space<vmem>>)
        %dma_start3A_188 = arith.constant 0 : i32
        %dma_start3A_189 = arith.constant 0 : i32
        %dma_start3A_190 = tpu.memref_slice %arg21[%dma_start3A_188, %dma_start3A_189] : memref<10240x128xf32, #tpu.memory_space<vmem_shared>> -> memref<10240x128xf32, #tpu.memory_space<vmem_shared>>
        tpu.enqueue_indirect_dma source(%arg12 : memref<128x128xf32, #tpu.memory_space<vmem>>) target(%dma_start3A_190 : memref<10240x128xf32, #tpu.memory_space<vmem_shared>>) offsets(%arg19 : memref<128xi32, #tpu.memory_space<vmem>>) semaphore(%arg26 : memref<!tpu.dma_semaphore, #tpu.memory_space<semaphore_mem>>) {add = true}
        "tpu.region"() ({
          %run_scoped3A = tpu.sem_alloc : memref<!tpu.dma_semaphore, #tpu.memory_space<semaphore_mem>>
          %dma_start3A_248 = arith.constant 0 : i32
          %dma_start3A_249 = tpu.memref_slice %arg22[%dma_start3A_248] : memref<10240xf32, #tpu.memory_space<vmem_shared>> -> memref<10240xf32, #tpu.memory_space<vmem_shared>>
          tpu.enqueue_indirect_dma source(%arg15 : memref<128xf32, #tpu.memory_space<vmem>>) target(%dma_start3A_249 : memref<10240xf32, #tpu.memory_space<vmem_shared>>) offsets(%arg19 : memref<128xi32, #tpu.memory_space<vmem>>) semaphore(%run_scoped3A : memref<!tpu.dma_semaphore, #tpu.memory_space<semaphore_mem>>) {add = true}
          %dma_wait3A_250 = arith.constant 0 : i32
          %dma_wait3A_251 = tpu.memref_slice %arg22[%dma_wait3A_250] : memref<10240xf32, #tpu.memory_space<vmem_shared>> -> memref<10240xf32, #tpu.memory_space<vmem_shared>>
          tpu.wait_indirect_dma semaphore(%run_scoped3A : memref<!tpu.dma_semaphore, #tpu.memory_space<semaphore_mem>>) src(%arg15 : memref<128xf32, #tpu.memory_space<vmem>>) dst(%dma_wait3A_251 : memref<10240xf32, #tpu.memory_space<vmem_shared>>)
          tpu.yield
        }) : () -> ()
        %add3A_191 = arith.constant 2 : i32
        %add3A_192 = arith.addi %add3A_174, %add3A_191 : i32
        %lt3A_193 = arith.constant 157 : i32
        %lt3A_194 = arith.cmpi slt, %add3A_192, %lt3A_193 : i32
        %convert_element_type3A_195 = arith.extui %lt3A_194 : i1 to i32
        %cond3A_196 = arith.constant 0 : i32
        %cond3A_197 = arith.cmpi ne, %convert_element_type3A_195, %cond3A_196 : i32
        scf.if %cond3A_197 {
          %add3A_248 = arith.constant 2 : i32
          %add3A_249 = arith.addi %add3A_174, %add3A_248 : i32
          %mul3A_250 = arith.constant 128 : i32
          %mul3A_251 = arith.muli %add3A_249, %mul3A_250 : i32
          %add3A_252 = arith.addi %mul3A_35, %mul3A_251 : i32
          %dma_start3A_253 = tpu.memref_slice %arg3[%add3A_252] : memref<321536xi32, #tpu.memory_space<hbm>> -> memref<128xi32, #tpu.memory_space<hbm>>
          %dma_start3A_254 = tpu.memref_slice %arg3[%add3A_252] : memref<321536xi32, #tpu.memory_space<hbm>> -> memref<128xi32, #tpu.memory_space<hbm>>
          tpu.enqueue_dma source(%dma_start3A_254 : memref<128xi32, #tpu.memory_space<hbm>>) target(%arg16 : memref<128xi32, #tpu.memory_space<vmem>>) target_semaphore(%arg25 : memref<!tpu.dma_semaphore, #tpu.memory_space<semaphore_mem>>)
          %mul3A_255 = arith.constant 128 : i32
          %mul3A_256 = arith.muli %add3A_249, %mul3A_255 : i32
          %add3A_257 = arith.addi %mul3A_35, %mul3A_256 : i32
          %dma_start3A_258 = tpu.memref_slice %arg4[%add3A_257] : memref<321536xi32, #tpu.memory_space<hbm>> -> memref<128xi32, #tpu.memory_space<hbm>>
          %dma_start3A_259 = tpu.memref_slice %arg4[%add3A_257] : memref<321536xi32, #tpu.memory_space<hbm>> -> memref<128xi32, #tpu.memory_space<hbm>>
          tpu.enqueue_dma source(%dma_start3A_259 : memref<128xi32, #tpu.memory_space<hbm>>) target(%arg18 : memref<128xi32, #tpu.memory_space<vmem>>) target_semaphore(%arg25 : memref<!tpu.dma_semaphore, #tpu.memory_space<semaphore_mem>>)
        } else {
        }
        %add3A_198 = arith.constant 4 : i32
        %add3A_199 = arith.addi %add3A_98, %add3A_198 : i32
        %dma_wait3A_200 = arith.constant 0 : i32
        %dma_wait3A_201 = arith.constant 0 : i32
        %dma_wait3A_202 = tpu.memref_slice %arg21[%dma_wait3A_200, %dma_wait3A_201] : memref<10240x128xf32, #tpu.memory_space<vmem_shared>> -> memref<10240x128xf32, #tpu.memory_space<vmem_shared>>
        tpu.wait_indirect_dma semaphore(%arg26 : memref<!tpu.dma_semaphore, #tpu.memory_space<semaphore_mem>>) src(%arg12 : memref<128x128xf32, #tpu.memory_space<vmem>>) dst(%dma_wait3A_202 : memref<10240x128xf32, #tpu.memory_space<vmem_shared>>)
        %add3A_203 = arith.constant 1 : i32
        %add3A_204 = arith.addi %add3A_199, %add3A_203 : i32
        %lt3A_205 = arith.constant 157 : i32
        %lt3A_206 = arith.cmpi slt, %add3A_204, %lt3A_205 : i32
        %convert_element_type3A_207 = arith.extui %lt3A_206 : i1 to i32
        %cond3A_208 = arith.constant 0 : i32
        %cond3A_209 = arith.cmpi ne, %convert_element_type3A_207, %cond3A_208 : i32
        scf.if %cond3A_209 {
          %add3A_248 = arith.constant 1 : i32
          %add3A_249 = arith.addi %add3A_199, %add3A_248 : i32
          %mul3A_250 = arith.constant 128 : i32
          %mul3A_251 = arith.muli %add3A_249, %mul3A_250 : i32
          %add3A_252 = arith.addi %mul3A_35, %mul3A_251 : i32
          %dma_wait3A_253 = tpu.memref_slice %arg3[%add3A_252] : memref<321536xi32, #tpu.memory_space<hbm>> -> memref<128xi32, #tpu.memory_space<hbm>>
          %dma_wait3A_254 = tpu.memref_slice %arg3[%add3A_252] : memref<321536xi32, #tpu.memory_space<hbm>> -> memref<128xi32, #tpu.memory_space<hbm>>
          tpu.wait_dma2 semaphore(%arg25 : memref<!tpu.dma_semaphore, #tpu.memory_space<semaphore_mem>>) src(%dma_wait3A_254 : memref<128xi32, #tpu.memory_space<hbm>>) dst(%arg16 : memref<128xi32, #tpu.memory_space<vmem>>)
          %mul3A_255 = arith.constant 128 : i32
          %mul3A_256 = arith.muli %add3A_249, %mul3A_255 : i32
          %add3A_257 = arith.addi %mul3A_35, %mul3A_256 : i32
          %dma_wait3A_258 = tpu.memref_slice %arg4[%add3A_257] : memref<321536xi32, #tpu.memory_space<hbm>> -> memref<128xi32, #tpu.memory_space<hbm>>
          %dma_wait3A_259 = tpu.memref_slice %arg4[%add3A_257] : memref<321536xi32, #tpu.memory_space<hbm>> -> memref<128xi32, #tpu.memory_space<hbm>>
          tpu.wait_dma2 semaphore(%arg25 : memref<!tpu.dma_semaphore, #tpu.memory_space<semaphore_mem>>) src(%dma_wait3A_259 : memref<128xi32, #tpu.memory_space<hbm>>) dst(%arg18 : memref<128xi32, #tpu.memory_space<vmem>>)
          %dma_start3A_260 = arith.constant 0 : i32
          %dma_start3A_261 = arith.constant 0 : i32
          %dma_start3A_262 = tpu.memref_slice %arg2[%dma_start3A_260, %dma_start3A_261] : memref<10000x128xf32, #tpu.memory_space<hbm>> -> memref<10000x128xf32, #tpu.memory_space<hbm>>
          tpu.enqueue_indirect_dma source(%dma_start3A_262 : memref<10000x128xf32, #tpu.memory_space<hbm>>) target(%arg12 : memref<128x128xf32, #tpu.memory_space<vmem>>) offsets(%arg16 : memref<128xi32, #tpu.memory_space<vmem>>) semaphore(%arg23 : memref<!tpu.dma_semaphore, #tpu.memory_space<semaphore_mem>>)
        } else {
        }
        %dma_wait3A_210 = arith.constant 0 : i32
        %dma_wait3A_211 = arith.constant 0 : i32
        %dma_wait3A_212 = tpu.memref_slice %arg2[%dma_wait3A_210, %dma_wait3A_211] : memref<10000x128xf32, #tpu.memory_space<hbm>> -> memref<10000x128xf32, #tpu.memory_space<hbm>>
        tpu.wait_indirect_dma semaphore(%arg24 : memref<!tpu.dma_semaphore, #tpu.memory_space<semaphore_mem>>) src(%dma_wait3A_212 : memref<10000x128xf32, #tpu.memory_space<hbm>>) dst(%arg13 : memref<128x128xf32, #tpu.memory_space<vmem>>)
        %dma_start3A_213 = arith.constant 0 : i32
        %dma_start3A_214 = arith.constant 0 : i32
        %dma_start3A_215 = tpu.memref_slice %arg21[%dma_start3A_213, %dma_start3A_214] : memref<10240x128xf32, #tpu.memory_space<vmem_shared>> -> memref<10240x128xf32, #tpu.memory_space<vmem_shared>>
        tpu.enqueue_indirect_dma source(%arg13 : memref<128x128xf32, #tpu.memory_space<vmem>>) target(%dma_start3A_215 : memref<10240x128xf32, #tpu.memory_space<vmem_shared>>) offsets(%arg20 : memref<128xi32, #tpu.memory_space<vmem>>) semaphore(%arg27 : memref<!tpu.dma_semaphore, #tpu.memory_space<semaphore_mem>>) {add = true}
        "tpu.region"() ({
          %run_scoped3A = tpu.sem_alloc : memref<!tpu.dma_semaphore, #tpu.memory_space<semaphore_mem>>
          %dma_start3A_248 = arith.constant 0 : i32
          %dma_start3A_249 = tpu.memref_slice %arg22[%dma_start3A_248] : memref<10240xf32, #tpu.memory_space<vmem_shared>> -> memref<10240xf32, #tpu.memory_space<vmem_shared>>
          tpu.enqueue_indirect_dma source(%arg15 : memref<128xf32, #tpu.memory_space<vmem>>) target(%dma_start3A_249 : memref<10240xf32, #tpu.memory_space<vmem_shared>>) offsets(%arg20 : memref<128xi32, #tpu.memory_space<vmem>>) semaphore(%run_scoped3A : memref<!tpu.dma_semaphore, #tpu.memory_space<semaphore_mem>>) {add = true}
          %dma_wait3A_250 = arith.constant 0 : i32
          %dma_wait3A_251 = tpu.memref_slice %arg22[%dma_wait3A_250] : memref<10240xf32, #tpu.memory_space<vmem_shared>> -> memref<10240xf32, #tpu.memory_space<vmem_shared>>
          tpu.wait_indirect_dma semaphore(%run_scoped3A : memref<!tpu.dma_semaphore, #tpu.memory_space<semaphore_mem>>) src(%arg15 : memref<128xf32, #tpu.memory_space<vmem>>) dst(%dma_wait3A_251 : memref<10240xf32, #tpu.memory_space<vmem_shared>>)
          tpu.yield
        }) : () -> ()
        %add3A_216 = arith.constant 2 : i32
        %add3A_217 = arith.addi %add3A_199, %add3A_216 : i32
        %lt3A_218 = arith.constant 157 : i32
        %lt3A_219 = arith.cmpi slt, %add3A_217, %lt3A_218 : i32
        %convert_element_type3A_220 = arith.extui %lt3A_219 : i1 to i32
        %cond3A_221 = arith.constant 0 : i32
        %cond3A_222 = arith.cmpi ne, %convert_element_type3A_220, %cond3A_221 : i32
        scf.if %cond3A_222 {
          %add3A_248 = arith.constant 2 : i32
          %add3A_249 = arith.addi %add3A_199, %add3A_248 : i32
          %mul3A_250 = arith.constant 128 : i32
          %mul3A_251 = arith.muli %add3A_249, %mul3A_250 : i32
          %add3A_252 = arith.addi %mul3A_35, %mul3A_251 : i32
          %dma_start3A_253 = tpu.memref_slice %arg3[%add3A_252] : memref<321536xi32, #tpu.memory_space<hbm>> -> memref<128xi32, #tpu.memory_space<hbm>>
          %dma_start3A_254 = tpu.memref_slice %arg3[%add3A_252] : memref<321536xi32, #tpu.memory_space<hbm>> -> memref<128xi32, #tpu.memory_space<hbm>>
          tpu.enqueue_dma source(%dma_start3A_254 : memref<128xi32, #tpu.memory_space<hbm>>) target(%arg17 : memref<128xi32, #tpu.memory_space<vmem>>) target_semaphore(%arg25 : memref<!tpu.dma_semaphore, #tpu.memory_space<semaphore_mem>>)
          %mul3A_255 = arith.constant 128 : i32
          %mul3A_256 = arith.muli %add3A_249, %mul3A_255 : i32
          %add3A_257 = arith.addi %mul3A_35, %mul3A_256 : i32
          %dma_start3A_258 = tpu.memref_slice %arg4[%add3A_257] : memref<321536xi32, #tpu.memory_space<hbm>> -> memref<128xi32, #tpu.memory_space<hbm>>
          %dma_start3A_259 = tpu.memref_slice %arg4[%add3A_257] : memref<321536xi32, #tpu.memory_space<hbm>> -> memref<128xi32, #tpu.memory_space<hbm>>
          tpu.enqueue_dma source(%dma_start3A_259 : memref<128xi32, #tpu.memory_space<hbm>>) target(%arg19 : memref<128xi32, #tpu.memory_space<vmem>>) target_semaphore(%arg25 : memref<!tpu.dma_semaphore, #tpu.memory_space<semaphore_mem>>)
        } else {
        }
        %add3A_223 = arith.constant 5 : i32
        %add3A_224 = arith.addi %add3A_98, %add3A_223 : i32
        %dma_wait3A_225 = arith.constant 0 : i32
        %dma_wait3A_226 = arith.constant 0 : i32
        %dma_wait3A_227 = tpu.memref_slice %arg21[%dma_wait3A_225, %dma_wait3A_226] : memref<10240x128xf32, #tpu.memory_space<vmem_shared>> -> memref<10240x128xf32, #tpu.memory_space<vmem_shared>>
        tpu.wait_indirect_dma semaphore(%arg27 : memref<!tpu.dma_semaphore, #tpu.memory_space<semaphore_mem>>) src(%arg13 : memref<128x128xf32, #tpu.memory_space<vmem>>) dst(%dma_wait3A_227 : memref<10240x128xf32, #tpu.memory_space<vmem_shared>>)
        %add3A_228 = arith.constant 1 : i32
        %add3A_229 = arith.addi %add3A_224, %add3A_228 : i32
        %lt3A_230 = arith.constant 157 : i32
        %lt3A_231 = arith.cmpi slt, %add3A_229, %lt3A_230 : i32
        %convert_element_type3A_232 = arith.extui %lt3A_231 : i1 to i32
        %cond3A_233 = arith.constant 0 : i32
        %cond3A_234 = arith.cmpi ne, %convert_element_type3A_232, %cond3A_233 : i32
        scf.if %cond3A_234 {
          %add3A_248 = arith.constant 1 : i32
          %add3A_249 = arith.addi %add3A_224, %add3A_248 : i32
          %mul3A_250 = arith.constant 128 : i32
          %mul3A_251 = arith.muli %add3A_249, %mul3A_250 : i32
          %add3A_252 = arith.addi %mul3A_35, %mul3A_251 : i32
          %dma_wait3A_253 = tpu.memref_slice %arg3[%add3A_252] : memref<321536xi32, #tpu.memory_space<hbm>> -> memref<128xi32, #tpu.memory_space<hbm>>
          %dma_wait3A_254 = tpu.memref_slice %arg3[%add3A_252] : memref<321536xi32, #tpu.memory_space<hbm>> -> memref<128xi32, #tpu.memory_space<hbm>>
          tpu.wait_dma2 semaphore(%arg25 : memref<!tpu.dma_semaphore, #tpu.memory_space<semaphore_mem>>) src(%dma_wait3A_254 : memref<128xi32, #tpu.memory_space<hbm>>) dst(%arg17 : memref<128xi32, #tpu.memory_space<vmem>>)
          %mul3A_255 = arith.constant 128 : i32
          %mul3A_256 = arith.muli %add3A_249, %mul3A_255 : i32
          %add3A_257 = arith.addi %mul3A_35, %mul3A_256 : i32
          %dma_wait3A_258 = tpu.memref_slice %arg4[%add3A_257] : memref<321536xi32, #tpu.memory_space<hbm>> -> memref<128xi32, #tpu.memory_space<hbm>>
          %dma_wait3A_259 = tpu.memref_slice %arg4[%add3A_257] : memref<321536xi32, #tpu.memory_space<hbm>> -> memref<128xi32, #tpu.memory_space<hbm>>
          tpu.wait_dma2 semaphore(%arg25 : memref<!tpu.dma_semaphore, #tpu.memory_space<semaphore_mem>>) src(%dma_wait3A_259 : memref<128xi32, #tpu.memory_space<hbm>>) dst(%arg19 : memref<128xi32, #tpu.memory_space<vmem>>)
          %dma_start3A_260 = arith.constant 0 : i32
          %dma_start3A_261 = arith.constant 0 : i32
          %dma_start3A_262 = tpu.memref_slice %arg2[%dma_start3A_260, %dma_start3A_261] : memref<10000x128xf32, #tpu.memory_space<hbm>> -> memref<10000x128xf32, #tpu.memory_space<hbm>>
          tpu.enqueue_indirect_dma source(%dma_start3A_262 : memref<10000x128xf32, #tpu.memory_space<hbm>>) target(%arg13 : memref<128x128xf32, #tpu.memory_space<vmem>>) offsets(%arg17 : memref<128xi32, #tpu.memory_space<vmem>>) semaphore(%arg24 : memref<!tpu.dma_semaphore, #tpu.memory_space<semaphore_mem>>)
        } else {
        }
        %dma_wait3A_235 = arith.constant 0 : i32
        %dma_wait3A_236 = arith.constant 0 : i32
        %dma_wait3A_237 = tpu.memref_slice %arg2[%dma_wait3A_235, %dma_wait3A_236] : memref<10000x128xf32, #tpu.memory_space<hbm>> -> memref<10000x128xf32, #tpu.memory_space<hbm>>
        tpu.wait_indirect_dma semaphore(%arg23 : memref<!tpu.dma_semaphore, #tpu.memory_space<semaphore_mem>>) src(%dma_wait3A_237 : memref<10000x128xf32, #tpu.memory_space<hbm>>) dst(%arg12 : memref<128x128xf32, #tpu.memory_space<vmem>>)
        %dma_start3A_238 = arith.constant 0 : i32
        %dma_start3A_239 = arith.constant 0 : i32
        %dma_start3A_240 = tpu.memref_slice %arg21[%dma_start3A_238, %dma_start3A_239] : memref<10240x128xf32, #tpu.memory_space<vmem_shared>> -> memref<10240x128xf32, #tpu.memory_space<vmem_shared>>
        tpu.enqueue_indirect_dma source(%arg12 : memref<128x128xf32, #tpu.memory_space<vmem>>) target(%dma_start3A_240 : memref<10240x128xf32, #tpu.memory_space<vmem_shared>>) offsets(%arg18 : memref<128xi32, #tpu.memory_space<vmem>>) semaphore(%arg26 : memref<!tpu.dma_semaphore, #tpu.memory_space<semaphore_mem>>) {add = true}
        "tpu.region"() ({
          %run_scoped3A = tpu.sem_alloc : memref<!tpu.dma_semaphore, #tpu.memory_space<semaphore_mem>>
          %dma_start3A_248 = arith.constant 0 : i32
          %dma_start3A_249 = tpu.memref_slice %arg22[%dma_start3A_248] : memref<10240xf32, #tpu.memory_space<vmem_shared>> -> memref<10240xf32, #tpu.memory_space<vmem_shared>>
          tpu.enqueue_indirect_dma source(%arg15 : memref<128xf32, #tpu.memory_space<vmem>>) target(%dma_start3A_249 : memref<10240xf32, #tpu.memory_space<vmem_shared>>) offsets(%arg18 : memref<128xi32, #tpu.memory_space<vmem>>) semaphore(%run_scoped3A : memref<!tpu.dma_semaphore, #tpu.memory_space<semaphore_mem>>) {add = true}
          %dma_wait3A_250 = arith.constant 0 : i32
          %dma_wait3A_251 = tpu.memref_slice %arg22[%dma_wait3A_250] : memref<10240xf32, #tpu.memory_space<vmem_shared>> -> memref<10240xf32, #tpu.memory_space<vmem_shared>>
          tpu.wait_indirect_dma semaphore(%run_scoped3A : memref<!tpu.dma_semaphore, #tpu.memory_space<semaphore_mem>>) src(%arg15 : memref<128xf32, #tpu.memory_space<vmem>>) dst(%dma_wait3A_251 : memref<10240xf32, #tpu.memory_space<vmem_shared>>)
          tpu.yield
        }) : () -> ()
        %add3A_241 = arith.constant 2 : i32
        %add3A_242 = arith.addi %add3A_224, %add3A_241 : i32
        %lt3A_243 = arith.constant 157 : i32
        %lt3A_244 = arith.cmpi slt, %add3A_242, %lt3A_243 : i32
        %convert_element_type3A_245 = arith.extui %lt3A_244 : i1 to i32
        %cond3A_246 = arith.constant 0 : i32
        %cond3A_247 = arith.cmpi ne, %convert_element_type3A_245, %cond3A_246 : i32
        scf.if %cond3A_247 {
          %add3A_248 = arith.constant 2 : i32
          %add3A_249 = arith.addi %add3A_224, %add3A_248 : i32
          %mul3A_250 = arith.constant 128 : i32
          %mul3A_251 = arith.muli %add3A_249, %mul3A_250 : i32
          %add3A_252 = arith.addi %mul3A_35, %mul3A_251 : i32
          %dma_start3A_253 = tpu.memref_slice %arg3[%add3A_252] : memref<321536xi32, #tpu.memory_space<hbm>> -> memref<128xi32, #tpu.memory_space<hbm>>
          %dma_start3A_254 = tpu.memref_slice %arg3[%add3A_252] : memref<321536xi32, #tpu.memory_space<hbm>> -> memref<128xi32, #tpu.memory_space<hbm>>
          tpu.enqueue_dma source(%dma_start3A_254 : memref<128xi32, #tpu.memory_space<hbm>>) target(%arg16 : memref<128xi32, #tpu.memory_space<vmem>>) target_semaphore(%arg25 : memref<!tpu.dma_semaphore, #tpu.memory_space<semaphore_mem>>)
          %mul3A_255 = arith.constant 128 : i32
          %mul3A_256 = arith.muli %add3A_249, %mul3A_255 : i32
          %add3A_257 = arith.addi %mul3A_35, %mul3A_256 : i32
          %dma_start3A_258 = tpu.memref_slice %arg4[%add3A_257] : memref<321536xi32, #tpu.memory_space<hbm>> -> memref<128xi32, #tpu.memory_space<hbm>>
          %dma_start3A_259 = tpu.memref_slice %arg4[%add3A_257] : memref<321536xi32, #tpu.memory_space<hbm>> -> memref<128xi32, #tpu.memory_space<hbm>>
          tpu.enqueue_dma source(%dma_start3A_259 : memref<128xi32, #tpu.memory_space<hbm>>) target(%arg20 : memref<128xi32, #tpu.memory_space<vmem>>) target_semaphore(%arg25 : memref<!tpu.dma_semaphore, #tpu.memory_space<semaphore_mem>>)
        } else {
        }
      }
      %scan3A_79 = arith.constant 26 : i32
      %dma_wait3A_80 = arith.constant 0 : i32
      %dma_wait3A_81 = arith.constant 0 : i32
      %dma_wait3A_82 = tpu.memref_slice %arg21[%dma_wait3A_80, %dma_wait3A_81] : memref<10240x128xf32, #tpu.memory_space<vmem_shared>> -> memref<10240x128xf32, #tpu.memory_space<vmem_shared>>
      tpu.wait_indirect_dma semaphore(%arg26 : memref<!tpu.dma_semaphore, #tpu.memory_space<semaphore_mem>>) src(%arg12 : memref<128x128xf32, #tpu.memory_space<vmem>>) dst(%dma_wait3A_82 : memref<10240x128xf32, #tpu.memory_space<vmem_shared>>)
      %barrier3A_83 = arith.constant 0 : index
      tpu.barrier barrier_id(%barrier3A_83)
      %add3A_84 = arith.constant 0 : i32
      %add3A_85 = arith.addi %mul3A_7, %add3A_84 : i32
      "tpu.region"() ({
        %run_scoped3A = tpu.sem_alloc : memref<!tpu.dma_semaphore, #tpu.memory_space<semaphore_mem>>
        %dma_start3A_94 = arith.constant 0 : i32
        %dma_start3A_95 = tpu.memref_slice %arg21[%add3A_85, %dma_start3A_94] : memref<10240x128xf32, #tpu.memory_space<vmem_shared>> -> memref<128x128xf32, #tpu.memory_space<vmem_shared>>
        %dma_start3A_96 = arith.constant 0 : i32
        %dma_start3A_97 = tpu.memref_slice %arg21[%add3A_85, %dma_start3A_96] : memref<10240x128xf32, #tpu.memory_space<vmem_shared>> -> memref<128x128xf32, #tpu.memory_space<vmem_shared>>
        tpu.enqueue_dma source(%dma_start3A_97 : memref<128x128xf32, #tpu.memory_space<vmem_shared>>) target(%arg12 : memref<128x128xf32, #tpu.memory_space<vmem>>) target_semaphore(%run_scoped3A : memref<!tpu.dma_semaphore, #tpu.memory_space<semaphore_mem>>)
        %dma_wait3A_98 = arith.constant 0 : i32
        %dma_wait3A_99 = tpu.memref_slice %arg21[%add3A_85, %dma_wait3A_98] : memref<10240x128xf32, #tpu.memory_space<vmem_shared>> -> memref<128x128xf32, #tpu.memory_space<vmem_shared>>
        %dma_wait3A_100 = arith.constant 0 : i32
        %dma_wait3A_101 = tpu.memref_slice %arg21[%add3A_85, %dma_wait3A_100] : memref<10240x128xf32, #tpu.memory_space<vmem_shared>> -> memref<128x128xf32, #tpu.memory_space<vmem_shared>>
        tpu.wait_dma2 semaphore(%run_scoped3A : memref<!tpu.dma_semaphore, #tpu.memory_space<semaphore_mem>>) src(%dma_wait3A_101 : memref<128x128xf32, #tpu.memory_space<vmem_shared>>) dst(%arg12 : memref<128x128xf32, #tpu.memory_space<vmem>>)
        tpu.yield
      }) : () -> ()
      "tpu.region"() ({
        %run_scoped3A = tpu.sem_alloc : memref<!tpu.dma_semaphore, #tpu.memory_space<semaphore_mem>>
        %dma_start3A_94 = arith.constant 0 : i32
        %dma_start3A_95 = tpu.memref_slice %arg8[%add3A_85, %dma_start3A_94] : memref<10240x128xf32, #tpu.memory_space<hbm>> -> memref<128x128xf32, #tpu.memory_space<hbm>>
        %dma_start3A_96 = arith.constant 0 : i32
        %dma_start3A_97 = tpu.memref_slice %arg8[%add3A_85, %dma_start3A_96] : memref<10240x128xf32, #tpu.memory_space<hbm>> -> memref<128x128xf32, #tpu.memory_space<hbm>>
        tpu.enqueue_dma source(%arg12 : memref<128x128xf32, #tpu.memory_space<vmem>>) target(%dma_start3A_97 : memref<128x128xf32, #tpu.memory_space<hbm>>) target_semaphore(%run_scoped3A : memref<!tpu.dma_semaphore, #tpu.memory_space<semaphore_mem>>)
        %dma_wait3A_98 = arith.constant 0 : i32
        %dma_wait3A_99 = tpu.memref_slice %arg8[%add3A_85, %dma_wait3A_98] : memref<10240x128xf32, #tpu.memory_space<hbm>> -> memref<128x128xf32, #tpu.memory_space<hbm>>
        %dma_wait3A_100 = arith.constant 0 : i32
        %dma_wait3A_101 = tpu.memref_slice %arg8[%add3A_85, %dma_wait3A_100] : memref<10240x128xf32, #tpu.memory_space<hbm>> -> memref<128x128xf32, #tpu.memory_space<hbm>>
        tpu.wait_dma2 semaphore(%run_scoped3A : memref<!tpu.dma_semaphore, #tpu.memory_space<semaphore_mem>>) src(%arg12 : memref<128x128xf32, #tpu.memory_space<vmem>>) dst(%dma_wait3A_101 : memref<128x128xf32, #tpu.memory_space<hbm>>)
        tpu.yield
      }) : () -> ()
      %add3A_86 = arith.constant 128 : i32
      %add3A_87 = arith.addi %mul3A_7, %add3A_86 : i32
      "tpu.region"() ({
        %run_scoped3A = tpu.sem_alloc : memref<!tpu.dma_semaphore, #tpu.memory_space<semaphore_mem>>
        %dma_start3A_94 = arith.constant 0 : i32
        %dma_start3A_95 = tpu.memref_slice %arg21[%add3A_87, %dma_start3A_94] : memref<10240x128xf32, #tpu.memory_space<vmem_shared>> -> memref<128x128xf32, #tpu.memory_space<vmem_shared>>
        %dma_start3A_96 = arith.constant 0 : i32
        %dma_start3A_97 = tpu.memref_slice %arg21[%add3A_87, %dma_start3A_96] : memref<10240x128xf32, #tpu.memory_space<vmem_shared>> -> memref<128x128xf32, #tpu.memory_space<vmem_shared>>
        tpu.enqueue_dma source(%dma_start3A_97 : memref<128x128xf32, #tpu.memory_space<vmem_shared>>) target(%arg12 : memref<128x128xf32, #tpu.memory_space<vmem>>) target_semaphore(%run_scoped3A : memref<!tpu.dma_semaphore, #tpu.memory_space<semaphore_mem>>)
        %dma_wait3A_98 = arith.constant 0 : i32
        %dma_wait3A_99 = tpu.memref_slice %arg21[%add3A_87, %dma_wait3A_98] : memref<10240x128xf32, #tpu.memory_space<vmem_shared>> -> memref<128x128xf32, #tpu.memory_space<vmem_shared>>
        %dma_wait3A_100 = arith.constant 0 : i32
        %dma_wait3A_101 = tpu.memref_slice %arg21[%add3A_87, %dma_wait3A_100] : memref<10240x128xf32, #tpu.memory_space<vmem_shared>> -> memref<128x128xf32, #tpu.memory_space<vmem_shared>>
        tpu.wait_dma2 semaphore(%run_scoped3A : memref<!tpu.dma_semaphore, #tpu.memory_space<semaphore_mem>>) src(%dma_wait3A_101 : memref<128x128xf32, #tpu.memory_space<vmem_shared>>) dst(%arg12 : memref<128x128xf32, #tpu.memory_space<vmem>>)
        tpu.yield
      }) : () -> ()
      "tpu.region"() ({
        %run_scoped3A = tpu.sem_alloc : memref<!tpu.dma_semaphore, #tpu.memory_space<semaphore_mem>>
        %dma_start3A_94 = arith.constant 0 : i32
        %dma_start3A_95 = tpu.memref_slice %arg8[%add3A_87, %dma_start3A_94] : memref<10240x128xf32, #tpu.memory_space<hbm>> -> memref<128x128xf32, #tpu.memory_space<hbm>>
        %dma_start3A_96 = arith.constant 0 : i32
        %dma_start3A_97 = tpu.memref_slice %arg8[%add3A_87, %dma_start3A_96] : memref<10240x128xf32, #tpu.memory_space<hbm>> -> memref<128x128xf32, #tpu.memory_space<hbm>>
        tpu.enqueue_dma source(%arg12 : memref<128x128xf32, #tpu.memory_space<vmem>>) target(%dma_start3A_97 : memref<128x128xf32, #tpu.memory_space<hbm>>) target_semaphore(%run_scoped3A : memref<!tpu.dma_semaphore, #tpu.memory_space<semaphore_mem>>)
        %dma_wait3A_98 = arith.constant 0 : i32
        %dma_wait3A_99 = tpu.memref_slice %arg8[%add3A_87, %dma_wait3A_98] : memref<10240x128xf32, #tpu.memory_space<hbm>> -> memref<128x128xf32, #tpu.memory_space<hbm>>
        %dma_wait3A_100 = arith.constant 0 : i32
        %dma_wait3A_101 = tpu.memref_slice %arg8[%add3A_87, %dma_wait3A_100] : memref<10240x128xf32, #tpu.memory_space<hbm>> -> memref<128x128xf32, #tpu.memory_space<hbm>>
        tpu.wait_dma2 semaphore(%run_scoped3A : memref<!tpu.dma_semaphore, #tpu.memory_space<semaphore_mem>>) src(%arg12 : memref<128x128xf32, #tpu.memory_space<vmem>>) dst(%dma_wait3A_101 : memref<128x128xf32, #tpu.memory_space<hbm>>)
        tpu.yield
      }) : () -> ()
      %add3A_88 = arith.constant 256 : i32
      %add3A_89 = arith.addi %mul3A_7, %add3A_88 : i32
      "tpu.region"() ({
        %run_scoped3A = tpu.sem_alloc : memref<!tpu.dma_semaphore, #tpu.memory_space<semaphore_mem>>
        %dma_start3A_94 = arith.constant 0 : i32
        %dma_start3A_95 = tpu.memref_slice %arg21[%add3A_89, %dma_start3A_94] : memref<10240x128xf32, #tpu.memory_space<vmem_shared>> -> memref<128x128xf32, #tpu.memory_space<vmem_shared>>
        %dma_start3A_96 = arith.constant 0 : i32
        %dma_start3A_97 = tpu.memref_slice %arg21[%add3A_89, %dma_start3A_96] : memref<10240x128xf32, #tpu.memory_space<vmem_shared>> -> memref<128x128xf32, #tpu.memory_space<vmem_shared>>
        tpu.enqueue_dma source(%dma_start3A_97 : memref<128x128xf32, #tpu.memory_space<vmem_shared>>) target(%arg12 : memref<128x128xf32, #tpu.memory_space<vmem>>) target_semaphore(%run_scoped3A : memref<!tpu.dma_semaphore, #tpu.memory_space<semaphore_mem>>)
        %dma_wait3A_98 = arith.constant 0 : i32
        %dma_wait3A_99 = tpu.memref_slice %arg21[%add3A_89, %dma_wait3A_98] : memref<10240x128xf32, #tpu.memory_space<vmem_shared>> -> memref<128x128xf32, #tpu.memory_space<vmem_shared>>
        %dma_wait3A_100 = arith.constant 0 : i32
        %dma_wait3A_101 = tpu.memref_slice %arg21[%add3A_89, %dma_wait3A_100] : memref<10240x128xf32, #tpu.memory_space<vmem_shared>> -> memref<128x128xf32, #tpu.memory_space<vmem_shared>>
        tpu.wait_dma2 semaphore(%run_scoped3A : memref<!tpu.dma_semaphore, #tpu.memory_space<semaphore_mem>>) src(%dma_wait3A_101 : memref<128x128xf32, #tpu.memory_space<vmem_shared>>) dst(%arg12 : memref<128x128xf32, #tpu.memory_space<vmem>>)
        tpu.yield
      }) : () -> ()
      "tpu.region"() ({
        %run_scoped3A = tpu.sem_alloc : memref<!tpu.dma_semaphore, #tpu.memory_space<semaphore_mem>>
        %dma_start3A_94 = arith.constant 0 : i32
        %dma_start3A_95 = tpu.memref_slice %arg8[%add3A_89, %dma_start3A_94] : memref<10240x128xf32, #tpu.memory_space<hbm>> -> memref<128x128xf32, #tpu.memory_space<hbm>>
        %dma_start3A_96 = arith.constant 0 : i32
        %dma_start3A_97 = tpu.memref_slice %arg8[%add3A_89, %dma_start3A_96] : memref<10240x128xf32, #tpu.memory_space<hbm>> -> memref<128x128xf32, #tpu.memory_space<hbm>>
        tpu.enqueue_dma source(%arg12 : memref<128x128xf32, #tpu.memory_space<vmem>>) target(%dma_start3A_97 : memref<128x128xf32, #tpu.memory_space<hbm>>) target_semaphore(%run_scoped3A : memref<!tpu.dma_semaphore, #tpu.memory_space<semaphore_mem>>)
        %dma_wait3A_98 = arith.constant 0 : i32
        %dma_wait3A_99 = tpu.memref_slice %arg8[%add3A_89, %dma_wait3A_98] : memref<10240x128xf32, #tpu.memory_space<hbm>> -> memref<128x128xf32, #tpu.memory_space<hbm>>
        %dma_wait3A_100 = arith.constant 0 : i32
        %dma_wait3A_101 = tpu.memref_slice %arg8[%add3A_89, %dma_wait3A_100] : memref<10240x128xf32, #tpu.memory_space<hbm>> -> memref<128x128xf32, #tpu.memory_space<hbm>>
        tpu.wait_dma2 semaphore(%run_scoped3A : memref<!tpu.dma_semaphore, #tpu.memory_space<semaphore_mem>>) src(%arg12 : memref<128x128xf32, #tpu.memory_space<vmem>>) dst(%dma_wait3A_101 : memref<128x128xf32, #tpu.memory_space<hbm>>)
        tpu.yield
      }) : () -> ()
      %add3A_90 = arith.constant 384 : i32
      %add3A_91 = arith.addi %mul3A_7, %add3A_90 : i32
      "tpu.region"() ({
        %run_scoped3A = tpu.sem_alloc : memref<!tpu.dma_semaphore, #tpu.memory_space<semaphore_mem>>
        %dma_start3A_94 = arith.constant 0 : i32
        %dma_start3A_95 = tpu.memref_slice %arg21[%add3A_91, %dma_start3A_94] : memref<10240x128xf32, #tpu.memory_space<vmem_shared>> -> memref<128x128xf32, #tpu.memory_space<vmem_shared>>
        %dma_start3A_96 = arith.constant 0 : i32
        %dma_start3A_97 = tpu.memref_slice %arg21[%add3A_91, %dma_start3A_96] : memref<10240x128xf32, #tpu.memory_space<vmem_shared>> -> memref<128x128xf32, #tpu.memory_space<vmem_shared>>
        tpu.enqueue_dma source(%dma_start3A_97 : memref<128x128xf32, #tpu.memory_space<vmem_shared>>) target(%arg12 : memref<128x128xf32, #tpu.memory_space<vmem>>) target_semaphore(%run_scoped3A : memref<!tpu.dma_semaphore, #tpu.memory_space<semaphore_mem>>)
        %dma_wait3A_98 = arith.constant 0 : i32
        %dma_wait3A_99 = tpu.memref_slice %arg21[%add3A_91, %dma_wait3A_98] : memref<10240x128xf32, #tpu.memory_space<vmem_shared>> -> memref<128x128xf32, #tpu.memory_space<vmem_shared>>
        %dma_wait3A_100 = arith.constant 0 : i32
        %dma_wait3A_101 = tpu.memref_slice %arg21[%add3A_91, %dma_wait3A_100] : memref<10240x128xf32, #tpu.memory_space<vmem_shared>> -> memref<128x128xf32, #tpu.memory_space<vmem_shared>>
        tpu.wait_dma2 semaphore(%run_scoped3A : memref<!tpu.dma_semaphore, #tpu.memory_space<semaphore_mem>>) src(%dma_wait3A_101 : memref<128x128xf32, #tpu.memory_space<vmem_shared>>) dst(%arg12 : memref<128x128xf32, #tpu.memory_space<vmem>>)
        tpu.yield
      }) : () -> ()
      "tpu.region"() ({
        %run_scoped3A = tpu.sem_alloc : memref<!tpu.dma_semaphore, #tpu.memory_space<semaphore_mem>>
        %dma_start3A_94 = arith.constant 0 : i32
        %dma_start3A_95 = tpu.memref_slice %arg8[%add3A_91, %dma_start3A_94] : memref<10240x128xf32, #tpu.memory_space<hbm>> -> memref<128x128xf32, #tpu.memory_space<hbm>>
        %dma_start3A_96 = arith.constant 0 : i32
        %dma_start3A_97 = tpu.memref_slice %arg8[%add3A_91, %dma_start3A_96] : memref<10240x128xf32, #tpu.memory_space<hbm>> -> memref<128x128xf32, #tpu.memory_space<hbm>>
        tpu.enqueue_dma source(%arg12 : memref<128x128xf32, #tpu.memory_space<vmem>>) target(%dma_start3A_97 : memref<128x128xf32, #tpu.memory_space<hbm>>) target_semaphore(%run_scoped3A : memref<!tpu.dma_semaphore, #tpu.memory_space<semaphore_mem>>)
        %dma_wait3A_98 = arith.constant 0 : i32
        %dma_wait3A_99 = tpu.memref_slice %arg8[%add3A_91, %dma_wait3A_98] : memref<10240x128xf32, #tpu.memory_space<hbm>> -> memref<128x128xf32, #tpu.memory_space<hbm>>
        %dma_wait3A_100 = arith.constant 0 : i32
        %dma_wait3A_101 = tpu.memref_slice %arg8[%add3A_91, %dma_wait3A_100] : memref<10240x128xf32, #tpu.memory_space<hbm>> -> memref<128x128xf32, #tpu.memory_space<hbm>>
        tpu.wait_dma2 semaphore(%run_scoped3A : memref<!tpu.dma_semaphore, #tpu.memory_space<semaphore_mem>>) src(%arg12 : memref<128x128xf32, #tpu.memory_space<vmem>>) dst(%dma_wait3A_101 : memref<128x128xf32, #tpu.memory_space<hbm>>)
        tpu.yield
      }) : () -> ()
      %add3A_92 = arith.constant 512 : i32
      %add3A_93 = arith.addi %mul3A_7, %add3A_92 : i32
      "tpu.region"() ({
        %run_scoped3A = tpu.sem_alloc : memref<!tpu.dma_semaphore, #tpu.memory_space<semaphore_mem>>
        %dma_start3A_94 = arith.constant 0 : i32
        %dma_start3A_95 = tpu.memref_slice %arg21[%add3A_93, %dma_start3A_94] : memref<10240x128xf32, #tpu.memory_space<vmem_shared>> -> memref<128x128xf32, #tpu.memory_space<vmem_shared>>
        %dma_start3A_96 = arith.constant 0 : i32
        %dma_start3A_97 = tpu.memref_slice %arg21[%add3A_93, %dma_start3A_96] : memref<10240x128xf32, #tpu.memory_space<vmem_shared>> -> memref<128x128xf32, #tpu.memory_space<vmem_shared>>
        tpu.enqueue_dma source(%dma_start3A_97 : memref<128x128xf32, #tpu.memory_space<vmem_shared>>) target(%arg12 : memref<128x128xf32, #tpu.memory_space<vmem>>) target_semaphore(%run_scoped3A : memref<!tpu.dma_semaphore, #tpu.memory_space<semaphore_mem>>)
        %dma_wait3A_98 = arith.constant 0 : i32
        %dma_wait3A_99 = tpu.memref_slice %arg21[%add3A_93, %dma_wait3A_98] : memref<10240x128xf32, #tpu.memory_space<vmem_shared>> -> memref<128x128xf32, #tpu.memory_space<vmem_shared>>
        %dma_wait3A_100 = arith.constant 0 : i32
        %dma_wait3A_101 = tpu.memref_slice %arg21[%add3A_93, %dma_wait3A_100] : memref<10240x128xf32, #tpu.memory_space<vmem_shared>> -> memref<128x128xf32, #tpu.memory_space<vmem_shared>>
        tpu.wait_dma2 semaphore(%run_scoped3A : memref<!tpu.dma_semaphore, #tpu.memory_space<semaphore_mem>>) src(%dma_wait3A_101 : memref<128x128xf32, #tpu.memory_space<vmem_shared>>) dst(%arg12 : memref<128x128xf32, #tpu.memory_space<vmem>>)
        tpu.yield
      }) : () -> ()
      "tpu.region"() ({
        %run_scoped3A = tpu.sem_alloc : memref<!tpu.dma_semaphore, #tpu.memory_space<semaphore_mem>>
        %dma_start3A_94 = arith.constant 0 : i32
        %dma_start3A_95 = tpu.memref_slice %arg8[%add3A_93, %dma_start3A_94] : memref<10240x128xf32, #tpu.memory_space<hbm>> -> memref<128x128xf32, #tpu.memory_space<hbm>>
        %dma_start3A_96 = arith.constant 0 : i32
        %dma_start3A_97 = tpu.memref_slice %arg8[%add3A_93, %dma_start3A_96] : memref<10240x128xf32, #tpu.memory_space<hbm>> -> memref<128x128xf32, #tpu.memory_space<hbm>>
        tpu.enqueue_dma source(%arg12 : memref<128x128xf32, #tpu.memory_space<vmem>>) target(%dma_start3A_97 : memref<128x128xf32, #tpu.memory_space<hbm>>) target_semaphore(%run_scoped3A : memref<!tpu.dma_semaphore, #tpu.memory_space<semaphore_mem>>)
        %dma_wait3A_98 = arith.constant 0 : i32
        %dma_wait3A_99 = tpu.memref_slice %arg8[%add3A_93, %dma_wait3A_98] : memref<10240x128xf32, #tpu.memory_space<hbm>> -> memref<128x128xf32, #tpu.memory_space<hbm>>
        %dma_wait3A_100 = arith.constant 0 : i32
        %dma_wait3A_101 = tpu.memref_slice %arg8[%add3A_93, %dma_wait3A_100] : memref<10240x128xf32, #tpu.memory_space<hbm>> -> memref<128x128xf32, #tpu.memory_space<hbm>>
        tpu.wait_dma2 semaphore(%run_scoped3A : memref<!tpu.dma_semaphore, #tpu.memory_space<semaphore_mem>>) src(%arg12 : memref<128x128xf32, #tpu.memory_space<vmem>>) dst(%dma_wait3A_101 : memref<128x128xf32, #tpu.memory_space<hbm>>)
        tpu.yield
      }) : () -> ()
      "tpu.region"() ({
        %run_scoped3A = tpu.sem_alloc : memref<!tpu.dma_semaphore, #tpu.memory_space<semaphore_mem>>
        %dma_start3A_94 = tpu.memref_slice %arg22[%mul3A_7] : memref<10240xf32, #tpu.memory_space<vmem_shared>> -> memref<640xf32, #tpu.memory_space<vmem_shared>>
        %dma_start3A_95 = tpu.memref_slice %arg22[%mul3A_7] : memref<10240xf32, #tpu.memory_space<vmem_shared>> -> memref<640xf32, #tpu.memory_space<vmem_shared>>
        tpu.enqueue_dma source(%dma_start3A_95 : memref<640xf32, #tpu.memory_space<vmem_shared>>) target(%arg14 : memref<640xf32, #tpu.memory_space<vmem>>) target_semaphore(%run_scoped3A : memref<!tpu.dma_semaphore, #tpu.memory_space<semaphore_mem>>)
        %dma_wait3A_96 = tpu.memref_slice %arg22[%mul3A_7] : memref<10240xf32, #tpu.memory_space<vmem_shared>> -> memref<640xf32, #tpu.memory_space<vmem_shared>>
        %dma_wait3A_97 = tpu.memref_slice %arg22[%mul3A_7] : memref<10240xf32, #tpu.memory_space<vmem_shared>> -> memref<640xf32, #tpu.memory_space<vmem_shared>>
        tpu.wait_dma2 semaphore(%run_scoped3A : memref<!tpu.dma_semaphore, #tpu.memory_space<semaphore_mem>>) src(%dma_wait3A_97 : memref<640xf32, #tpu.memory_space<vmem_shared>>) dst(%arg14 : memref<640xf32, #tpu.memory_space<vmem>>)
        tpu.yield
      }) : () -> ()
      "tpu.region"() ({
        %run_scoped3A = tpu.sem_alloc : memref<!tpu.dma_semaphore, #tpu.memory_space<semaphore_mem>>
        %dma_start3A_94 = tpu.memref_slice %arg9[%mul3A_7] : memref<10240xf32, #tpu.memory_space<hbm>> -> memref<640xf32, #tpu.memory_space<hbm>>
        %dma_start3A_95 = tpu.memref_slice %arg9[%mul3A_7] : memref<10240xf32, #tpu.memory_space<hbm>> -> memref<640xf32, #tpu.memory_space<hbm>>
        tpu.enqueue_dma source(%arg14 : memref<640xf32, #tpu.memory_space<vmem>>) target(%dma_start3A_95 : memref<640xf32, #tpu.memory_space<hbm>>) target_semaphore(%run_scoped3A : memref<!tpu.dma_semaphore, #tpu.memory_space<semaphore_mem>>)
        %dma_wait3A_96 = tpu.memref_slice %arg9[%mul3A_7] : memref<10240xf32, #tpu.memory_space<hbm>> -> memref<640xf32, #tpu.memory_space<hbm>>
        %dma_wait3A_97 = tpu.memref_slice %arg9[%mul3A_7] : memref<10240xf32, #tpu.memory_space<hbm>> -> memref<640xf32, #tpu.memory_space<hbm>>
        tpu.wait_dma2 semaphore(%run_scoped3A : memref<!tpu.dma_semaphore, #tpu.memory_space<semaphore_mem>>) src(%arg14 : memref<640xf32, #tpu.memory_space<vmem>>) dst(%dma_wait3A_97 : memref<640xf32, #tpu.memory_space<hbm>>)
        tpu.yield
      }) : () -> ()
    } else {
    }
    %eq3A_2 = arith.constant 1 : i32
    %eq3A_3 = arith.cmpi eq, %arg0, %eq3A_2 : i32
    %convert_element_type3A_4 = arith.extui %eq3A_3 : i1 to i32
    %cond3A_5 = arith.constant 0 : i32
    %cond3A_6 = arith.cmpi ne, %convert_element_type3A_4, %cond3A_5 : i32
    scf.if %cond3A_6 {
      %mul3A = arith.constant 640 : i32
      %mul3A_7 = arith.muli %arg1, %mul3A : i32
      %scan3A = arith.constant 0 : i32
      %scan3A_8 = arith.constant 0 : i32
      %scan3A_9 = arith.constant 128 : i32
      %scan3A_10 = arith.addi %scan3A_8, %scan3A_9 : i32
      %scan3A_11 = arith.constant 1 : i32
      scf.for %scan3A_94 = %scan3A_8 to %scan3A_10 step %scan3A_11  : i32 {
        %broadcast_in_dim3A = arith.constant 0.000000e+00 : f32
        %broadcast_in_dim3A_95 = vector.broadcast %broadcast_in_dim3A : f32 to vector<16xf32>
        %swap3A = arith.index_cast %scan3A_94 : i32 to index
        %swap3A_96 = arith.constant 0 : index
        %swap3A_97 = tpu.vector_load %arg12[%swap3A, %swap3A_96] {strides = array<i32>} : memref<128x128xf32, #tpu.memory_space<vmem>>, vector<1x16xf32>,
        %swap3A_98 = vector.shape_cast %swap3A_97 : vector<1x16xf32> to vector<16xf32>
        %swap3A_99 = vector.shape_cast %broadcast_in_dim3A_95 : vector<16xf32> to vector<1x16xf32>
        tpu.vector_store %arg12[%swap3A, %swap3A_96], %swap3A_99 {strides = array<i32>} : memref<128x128xf32, #tpu.memory_space<vmem>>, vector<1x16xf32>,
        %broadcast_in_dim3A_100 = arith.constant 0.000000e+00 : f32
        %broadcast_in_dim3A_101 = vector.broadcast %broadcast_in_dim3A_100 : f32 to vector<16xf32>
        %swap3A_102 = arith.index_cast %scan3A_94 : i32 to index
        %swap3A_103 = arith.constant 16 : index
        %swap3A_104 = tpu.vector_load %arg12[%swap3A_102, %swap3A_103] {strides = array<i32>} : memref<128x128xf32, #tpu.memory_space<vmem>>, vector<1x16xf32>,
        %swap3A_105 = vector.shape_cast %swap3A_104 : vector<1x16xf32> to vector<16xf32>
        %swap3A_106 = vector.shape_cast %broadcast_in_dim3A_101 : vector<16xf32> to vector<1x16xf32>
        tpu.vector_store %arg12[%swap3A_102, %swap3A_103], %swap3A_106 {strides = array<i32>} : memref<128x128xf32, #tpu.memory_space<vmem>>, vector<1x16xf32>,
        %broadcast_in_dim3A_107 = arith.constant 0.000000e+00 : f32
        %broadcast_in_dim3A_108 = vector.broadcast %broadcast_in_dim3A_107 : f32 to vector<16xf32>
        %swap3A_109 = arith.index_cast %scan3A_94 : i32 to index
        %swap3A_110 = arith.constant 32 : index
        %swap3A_111 = tpu.vector_load %arg12[%swap3A_109, %swap3A_110] {strides = array<i32>} : memref<128x128xf32, #tpu.memory_space<vmem>>, vector<1x16xf32>,
        %swap3A_112 = vector.shape_cast %swap3A_111 : vector<1x16xf32> to vector<16xf32>
        %swap3A_113 = vector.shape_cast %broadcast_in_dim3A_108 : vector<16xf32> to vector<1x16xf32>
        tpu.vector_store %arg12[%swap3A_109, %swap3A_110], %swap3A_113 {strides = array<i32>} : memref<128x128xf32, #tpu.memory_space<vmem>>, vector<1x16xf32>,
        %broadcast_in_dim3A_114 = arith.constant 0.000000e+00 : f32
        %broadcast_in_dim3A_115 = vector.broadcast %broadcast_in_dim3A_114 : f32 to vector<16xf32>
        %swap3A_116 = arith.index_cast %scan3A_94 : i32 to index
        %swap3A_117 = arith.constant 48 : index
        %swap3A_118 = tpu.vector_load %arg12[%swap3A_116, %swap3A_117] {strides = array<i32>} : memref<128x128xf32, #tpu.memory_space<vmem>>, vector<1x16xf32>,
        %swap3A_119 = vector.shape_cast %swap3A_118 : vector<1x16xf32> to vector<16xf32>
        %swap3A_120 = vector.shape_cast %broadcast_in_dim3A_115 : vector<16xf32> to vector<1x16xf32>
        tpu.vector_store %arg12[%swap3A_116, %swap3A_117], %swap3A_120 {strides = array<i32>} : memref<128x128xf32, #tpu.memory_space<vmem>>, vector<1x16xf32>,
        %broadcast_in_dim3A_121 = arith.constant 0.000000e+00 : f32
        %broadcast_in_dim3A_122 = vector.broadcast %broadcast_in_dim3A_121 : f32 to vector<16xf32>
        %swap3A_123 = arith.index_cast %scan3A_94 : i32 to index
        %swap3A_124 = arith.constant 64 : index
        %swap3A_125 = tpu.vector_load %arg12[%swap3A_123, %swap3A_124] {strides = array<i32>} : memref<128x128xf32, #tpu.memory_space<vmem>>, vector<1x16xf32>,
        %swap3A_126 = vector.shape_cast %swap3A_125 : vector<1x16xf32> to vector<16xf32>
        %swap3A_127 = vector.shape_cast %broadcast_in_dim3A_122 : vector<16xf32> to vector<1x16xf32>
        tpu.vector_store %arg12[%swap3A_123, %swap3A_124], %swap3A_127 {strides = array<i32>} : memref<128x128xf32, #tpu.memory_space<vmem>>, vector<1x16xf32>,
        %broadcast_in_dim3A_128 = arith.constant 0.000000e+00 : f32
        %broadcast_in_dim3A_129 = vector.broadcast %broadcast_in_dim3A_128 : f32 to vector<16xf32>
        %swap3A_130 = arith.index_cast %scan3A_94 : i32 to index
        %swap3A_131 = arith.constant 80 : index
        %swap3A_132 = tpu.vector_load %arg12[%swap3A_130, %swap3A_131] {strides = array<i32>} : memref<128x128xf32, #tpu.memory_space<vmem>>, vector<1x16xf32>,
        %swap3A_133 = vector.shape_cast %swap3A_132 : vector<1x16xf32> to vector<16xf32>
        %swap3A_134 = vector.shape_cast %broadcast_in_dim3A_129 : vector<16xf32> to vector<1x16xf32>
        tpu.vector_store %arg12[%swap3A_130, %swap3A_131], %swap3A_134 {strides = array<i32>} : memref<128x128xf32, #tpu.memory_space<vmem>>, vector<1x16xf32>,
        %broadcast_in_dim3A_135 = arith.constant 0.000000e+00 : f32
        %broadcast_in_dim3A_136 = vector.broadcast %broadcast_in_dim3A_135 : f32 to vector<16xf32>
        %swap3A_137 = arith.index_cast %scan3A_94 : i32 to index
        %swap3A_138 = arith.constant 96 : index
        %swap3A_139 = tpu.vector_load %arg12[%swap3A_137, %swap3A_138] {strides = array<i32>} : memref<128x128xf32, #tpu.memory_space<vmem>>, vector<1x16xf32>,
        %swap3A_140 = vector.shape_cast %swap3A_139 : vector<1x16xf32> to vector<16xf32>
        %swap3A_141 = vector.shape_cast %broadcast_in_dim3A_136 : vector<16xf32> to vector<1x16xf32>
        tpu.vector_store %arg12[%swap3A_137, %swap3A_138], %swap3A_141 {strides = array<i32>} : memref<128x128xf32, #tpu.memory_space<vmem>>, vector<1x16xf32>,
        %broadcast_in_dim3A_142 = arith.constant 0.000000e+00 : f32
        %broadcast_in_dim3A_143 = vector.broadcast %broadcast_in_dim3A_142 : f32 to vector<16xf32>
        %swap3A_144 = arith.index_cast %scan3A_94 : i32 to index
        %swap3A_145 = arith.constant 112 : index
        %swap3A_146 = tpu.vector_load %arg12[%swap3A_144, %swap3A_145] {strides = array<i32>} : memref<128x128xf32, #tpu.memory_space<vmem>>, vector<1x16xf32>,
        %swap3A_147 = vector.shape_cast %swap3A_146 : vector<1x16xf32> to vector<16xf32>
        %swap3A_148 = vector.shape_cast %broadcast_in_dim3A_143 : vector<16xf32> to vector<1x16xf32>
        tpu.vector_store %arg12[%swap3A_144, %swap3A_145], %swap3A_148 {strides = array<i32>} : memref<128x128xf32, #tpu.memory_space<vmem>>, vector<1x16xf32>,
      }
      %scan3A_12 = arith.constant 128 : i32
      %scan3A_13 = arith.constant 0 : i32
      %scan3A_14 = arith.constant 0 : i32
      %scan3A_15 = arith.constant 40 : i32
      %scan3A_16 = arith.addi %scan3A_14, %scan3A_15 : i32
      %scan3A_17 = arith.constant 1 : i32
      scf.for %scan3A_94 = %scan3A_14 to %scan3A_16 step %scan3A_17  : i32 {
        %broadcast_in_dim3A = arith.constant 0.000000e+00 : f32
        %broadcast_in_dim3A_95 = vector.broadcast %broadcast_in_dim3A : f32 to vector<16xf32>
        %mul3A_96 = arith.constant 16 : i32
        %mul3A_97 = arith.muli %scan3A_94, %mul3A_96 : i32
        %swap3A = arith.index_cast %mul3A_97 : i32 to index
        %swap3A_98 = tpu.vector_load %arg14[%swap3A] {strides = array<i32>} : memref<640xf32, #tpu.memory_space<vmem>>, vector<16xf32>,
        %swap3A_99 = vector.shape_cast %swap3A_98 : vector<16xf32> to vector<16xf32>
        %swap3A_100 = vector.shape_cast %broadcast_in_dim3A_95 : vector<16xf32> to vector<16xf32>
        tpu.vector_store %arg14[%swap3A], %swap3A_100 {strides = array<i32>} : memref<640xf32, #tpu.memory_space<vmem>>, vector<16xf32>,
      }
      %scan3A_18 = arith.constant 40 : i32
      %scan3A_19 = arith.constant 0 : i32
      %scan3A_20 = arith.constant 0 : i32
      %scan3A_21 = arith.constant 8 : i32
      %scan3A_22 = arith.addi %scan3A_20, %scan3A_21 : i32
      %scan3A_23 = arith.constant 1 : i32
      scf.for %scan3A_94 = %scan3A_20 to %scan3A_22 step %scan3A_23  : i32 {
        %broadcast_in_dim3A = arith.constant 1.000000e+00 : f32
        %broadcast_in_dim3A_95 = vector.broadcast %broadcast_in_dim3A : f32 to vector<16xf32>
        %mul3A_96 = arith.constant 16 : i32
        %mul3A_97 = arith.muli %scan3A_94, %mul3A_96 : i32
        %swap3A = arith.index_cast %mul3A_97 : i32 to index
        %swap3A_98 = tpu.vector_load %arg15[%swap3A] {strides = array<i32>} : memref<128xf32, #tpu.memory_space<vmem>>, vector<16xf32>,
        %swap3A_99 = vector.shape_cast %swap3A_98 : vector<16xf32> to vector<16xf32>
        %swap3A_100 = vector.shape_cast %broadcast_in_dim3A_95 : vector<16xf32> to vector<16xf32>
        tpu.vector_store %arg15[%swap3A], %swap3A_100 {strides = array<i32>} : memref<128xf32, #tpu.memory_space<vmem>>, vector<16xf32>,
      }
      %scan3A_24 = arith.constant 8 : i32
      %add3A = arith.constant 0 : i32
      %add3A_25 = arith.addi %mul3A_7, %add3A : i32
      "tpu.region"() ({
        %run_scoped3A = tpu.sem_alloc : memref<!tpu.dma_semaphore, #tpu.memory_space<semaphore_mem>>
        %dma_start3A_94 = arith.constant 0 : i32
        %dma_start3A_95 = tpu.memref_slice %arg21[%add3A_25, %dma_start3A_94] : memref<10240x128xf32, #tpu.memory_space<vmem_shared>> -> memref<128x128xf32, #tpu.memory_space<vmem_shared>>
        %dma_start3A_96 = arith.constant 0 : i32
        %dma_start3A_97 = tpu.memref_slice %arg21[%add3A_25, %dma_start3A_96] : memref<10240x128xf32, #tpu.memory_space<vmem_shared>> -> memref<128x128xf32, #tpu.memory_space<vmem_shared>>
        tpu.enqueue_dma source(%arg12 : memref<128x128xf32, #tpu.memory_space<vmem>>) target(%dma_start3A_97 : memref<128x128xf32, #tpu.memory_space<vmem_shared>>) target_semaphore(%run_scoped3A : memref<!tpu.dma_semaphore, #tpu.memory_space<semaphore_mem>>)
        %dma_wait3A_98 = arith.constant 0 : i32
        %dma_wait3A_99 = tpu.memref_slice %arg21[%add3A_25, %dma_wait3A_98] : memref<10240x128xf32, #tpu.memory_space<vmem_shared>> -> memref<128x128xf32, #tpu.memory_space<vmem_shared>>
        %dma_wait3A_100 = arith.constant 0 : i32
        %dma_wait3A_101 = tpu.memref_slice %arg21[%add3A_25, %dma_wait3A_100] : memref<10240x128xf32, #tpu.memory_space<vmem_shared>> -> memref<128x128xf32, #tpu.memory_space<vmem_shared>>
        tpu.wait_dma2 semaphore(%run_scoped3A : memref<!tpu.dma_semaphore, #tpu.memory_space<semaphore_mem>>) src(%arg12 : memref<128x128xf32, #tpu.memory_space<vmem>>) dst(%dma_wait3A_101 : memref<128x128xf32, #tpu.memory_space<vmem_shared>>)
        tpu.yield
      }) : () -> ()
      %add3A_26 = arith.constant 128 : i32
      %add3A_27 = arith.addi %mul3A_7, %add3A_26 : i32
      "tpu.region"() ({
        %run_scoped3A = tpu.sem_alloc : memref<!tpu.dma_semaphore, #tpu.memory_space<semaphore_mem>>
        %dma_start3A_94 = arith.constant 0 : i32
        %dma_start3A_95 = tpu.memref_slice %arg21[%add3A_27, %dma_start3A_94] : memref<10240x128xf32, #tpu.memory_space<vmem_shared>> -> memref<128x128xf32, #tpu.memory_space<vmem_shared>>
        %dma_start3A_96 = arith.constant 0 : i32
        %dma_start3A_97 = tpu.memref_slice %arg21[%add3A_27, %dma_start3A_96] : memref<10240x128xf32, #tpu.memory_space<vmem_shared>> -> memref<128x128xf32, #tpu.memory_space<vmem_shared>>
        tpu.enqueue_dma source(%arg12 : memref<128x128xf32, #tpu.memory_space<vmem>>) target(%dma_start3A_97 : memref<128x128xf32, #tpu.memory_space<vmem_shared>>) target_semaphore(%run_scoped3A : memref<!tpu.dma_semaphore, #tpu.memory_space<semaphore_mem>>)
        %dma_wait3A_98 = arith.constant 0 : i32
        %dma_wait3A_99 = tpu.memref_slice %arg21[%add3A_27, %dma_wait3A_98] : memref<10240x128xf32, #tpu.memory_space<vmem_shared>> -> memref<128x128xf32, #tpu.memory_space<vmem_shared>>
        %dma_wait3A_100 = arith.constant 0 : i32
        %dma_wait3A_101 = tpu.memref_slice %arg21[%add3A_27, %dma_wait3A_100] : memref<10240x128xf32, #tpu.memory_space<vmem_shared>> -> memref<128x128xf32, #tpu.memory_space<vmem_shared>>
        tpu.wait_dma2 semaphore(%run_scoped3A : memref<!tpu.dma_semaphore, #tpu.memory_space<semaphore_mem>>) src(%arg12 : memref<128x128xf32, #tpu.memory_space<vmem>>) dst(%dma_wait3A_101 : memref<128x128xf32, #tpu.memory_space<vmem_shared>>)
        tpu.yield
      }) : () -> ()
      %add3A_28 = arith.constant 256 : i32
      %add3A_29 = arith.addi %mul3A_7, %add3A_28 : i32
      "tpu.region"() ({
        %run_scoped3A = tpu.sem_alloc : memref<!tpu.dma_semaphore, #tpu.memory_space<semaphore_mem>>
        %dma_start3A_94 = arith.constant 0 : i32
        %dma_start3A_95 = tpu.memref_slice %arg21[%add3A_29, %dma_start3A_94] : memref<10240x128xf32, #tpu.memory_space<vmem_shared>> -> memref<128x128xf32, #tpu.memory_space<vmem_shared>>
        %dma_start3A_96 = arith.constant 0 : i32
        %dma_start3A_97 = tpu.memref_slice %arg21[%add3A_29, %dma_start3A_96] : memref<10240x128xf32, #tpu.memory_space<vmem_shared>> -> memref<128x128xf32, #tpu.memory_space<vmem_shared>>
        tpu.enqueue_dma source(%arg12 : memref<128x128xf32, #tpu.memory_space<vmem>>) target(%dma_start3A_97 : memref<128x128xf32, #tpu.memory_space<vmem_shared>>) target_semaphore(%run_scoped3A : memref<!tpu.dma_semaphore, #tpu.memory_space<semaphore_mem>>)
        %dma_wait3A_98 = arith.constant 0 : i32
        %dma_wait3A_99 = tpu.memref_slice %arg21[%add3A_29, %dma_wait3A_98] : memref<10240x128xf32, #tpu.memory_space<vmem_shared>> -> memref<128x128xf32, #tpu.memory_space<vmem_shared>>
        %dma_wait3A_100 = arith.constant 0 : i32
        %dma_wait3A_101 = tpu.memref_slice %arg21[%add3A_29, %dma_wait3A_100] : memref<10240x128xf32, #tpu.memory_space<vmem_shared>> -> memref<128x128xf32, #tpu.memory_space<vmem_shared>>
        tpu.wait_dma2 semaphore(%run_scoped3A : memref<!tpu.dma_semaphore, #tpu.memory_space<semaphore_mem>>) src(%arg12 : memref<128x128xf32, #tpu.memory_space<vmem>>) dst(%dma_wait3A_101 : memref<128x128xf32, #tpu.memory_space<vmem_shared>>)
        tpu.yield
      }) : () -> ()
      %add3A_30 = arith.constant 384 : i32
      %add3A_31 = arith.addi %mul3A_7, %add3A_30 : i32
      "tpu.region"() ({
        %run_scoped3A = tpu.sem_alloc : memref<!tpu.dma_semaphore, #tpu.memory_space<semaphore_mem>>
        %dma_start3A_94 = arith.constant 0 : i32
        %dma_start3A_95 = tpu.memref_slice %arg21[%add3A_31, %dma_start3A_94] : memref<10240x128xf32, #tpu.memory_space<vmem_shared>> -> memref<128x128xf32, #tpu.memory_space<vmem_shared>>
        %dma_start3A_96 = arith.constant 0 : i32
        %dma_start3A_97 = tpu.memref_slice %arg21[%add3A_31, %dma_start3A_96] : memref<10240x128xf32, #tpu.memory_space<vmem_shared>> -> memref<128x128xf32, #tpu.memory_space<vmem_shared>>
        tpu.enqueue_dma source(%arg12 : memref<128x128xf32, #tpu.memory_space<vmem>>) target(%dma_start3A_97 : memref<128x128xf32, #tpu.memory_space<vmem_shared>>) target_semaphore(%run_scoped3A : memref<!tpu.dma_semaphore, #tpu.memory_space<semaphore_mem>>)
        %dma_wait3A_98 = arith.constant 0 : i32
        %dma_wait3A_99 = tpu.memref_slice %arg21[%add3A_31, %dma_wait3A_98] : memref<10240x128xf32, #tpu.memory_space<vmem_shared>> -> memref<128x128xf32, #tpu.memory_space<vmem_shared>>
        %dma_wait3A_100 = arith.constant 0 : i32
        %dma_wait3A_101 = tpu.memref_slice %arg21[%add3A_31, %dma_wait3A_100] : memref<10240x128xf32, #tpu.memory_space<vmem_shared>> -> memref<128x128xf32, #tpu.memory_space<vmem_shared>>
        tpu.wait_dma2 semaphore(%run_scoped3A : memref<!tpu.dma_semaphore, #tpu.memory_space<semaphore_mem>>) src(%arg12 : memref<128x128xf32, #tpu.memory_space<vmem>>) dst(%dma_wait3A_101 : memref<128x128xf32, #tpu.memory_space<vmem_shared>>)
        tpu.yield
      }) : () -> ()
      %add3A_32 = arith.constant 512 : i32
      %add3A_33 = arith.addi %mul3A_7, %add3A_32 : i32
      "tpu.region"() ({
        %run_scoped3A = tpu.sem_alloc : memref<!tpu.dma_semaphore, #tpu.memory_space<semaphore_mem>>
        %dma_start3A_94 = arith.constant 0 : i32
        %dma_start3A_95 = tpu.memref_slice %arg21[%add3A_33, %dma_start3A_94] : memref<10240x128xf32, #tpu.memory_space<vmem_shared>> -> memref<128x128xf32, #tpu.memory_space<vmem_shared>>
        %dma_start3A_96 = arith.constant 0 : i32
        %dma_start3A_97 = tpu.memref_slice %arg21[%add3A_33, %dma_start3A_96] : memref<10240x128xf32, #tpu.memory_space<vmem_shared>> -> memref<128x128xf32, #tpu.memory_space<vmem_shared>>
        tpu.enqueue_dma source(%arg12 : memref<128x128xf32, #tpu.memory_space<vmem>>) target(%dma_start3A_97 : memref<128x128xf32, #tpu.memory_space<vmem_shared>>) target_semaphore(%run_scoped3A : memref<!tpu.dma_semaphore, #tpu.memory_space<semaphore_mem>>)
        %dma_wait3A_98 = arith.constant 0 : i32
        %dma_wait3A_99 = tpu.memref_slice %arg21[%add3A_33, %dma_wait3A_98] : memref<10240x128xf32, #tpu.memory_space<vmem_shared>> -> memref<128x128xf32, #tpu.memory_space<vmem_shared>>
        %dma_wait3A_100 = arith.constant 0 : i32
        %dma_wait3A_101 = tpu.memref_slice %arg21[%add3A_33, %dma_wait3A_100] : memref<10240x128xf32, #tpu.memory_space<vmem_shared>> -> memref<128x128xf32, #tpu.memory_space<vmem_shared>>
        tpu.wait_dma2 semaphore(%run_scoped3A : memref<!tpu.dma_semaphore, #tpu.memory_space<semaphore_mem>>) src(%arg12 : memref<128x128xf32, #tpu.memory_space<vmem>>) dst(%dma_wait3A_101 : memref<128x128xf32, #tpu.memory_space<vmem_shared>>)
        tpu.yield
      }) : () -> ()
      "tpu.region"() ({
        %run_scoped3A = tpu.sem_alloc : memref<!tpu.dma_semaphore, #tpu.memory_space<semaphore_mem>>
        %dma_start3A_94 = tpu.memref_slice %arg22[%mul3A_7] : memref<10240xf32, #tpu.memory_space<vmem_shared>> -> memref<640xf32, #tpu.memory_space<vmem_shared>>
        %dma_start3A_95 = tpu.memref_slice %arg22[%mul3A_7] : memref<10240xf32, #tpu.memory_space<vmem_shared>> -> memref<640xf32, #tpu.memory_space<vmem_shared>>
        tpu.enqueue_dma source(%arg14 : memref<640xf32, #tpu.memory_space<vmem>>) target(%dma_start3A_95 : memref<640xf32, #tpu.memory_space<vmem_shared>>) target_semaphore(%run_scoped3A : memref<!tpu.dma_semaphore, #tpu.memory_space<semaphore_mem>>)
        %dma_wait3A_96 = tpu.memref_slice %arg22[%mul3A_7] : memref<10240xf32, #tpu.memory_space<vmem_shared>> -> memref<640xf32, #tpu.memory_space<vmem_shared>>
        %dma_wait3A_97 = tpu.memref_slice %arg22[%mul3A_7] : memref<10240xf32, #tpu.memory_space<vmem_shared>> -> memref<640xf32, #tpu.memory_space<vmem_shared>>
        tpu.wait_dma2 semaphore(%run_scoped3A : memref<!tpu.dma_semaphore, #tpu.memory_space<semaphore_mem>>) src(%arg14 : memref<640xf32, #tpu.memory_space<vmem>>) dst(%dma_wait3A_97 : memref<640xf32, #tpu.memory_space<vmem_shared>>)
        tpu.yield
      }) : () -> ()
      %barrier3A = arith.constant 0 : index
      tpu.barrier barrier_id(%barrier3A)
      %mul3A_34 = arith.constant 20096 : i32
      %mul3A_35 = arith.muli %arg1, %mul3A_34 : i32
      %add3A_36 = arith.constant 0 : i32
      %add3A_37 = arith.addi %mul3A_35, %add3A_36 : i32
      "tpu.region"() ({
        %run_scoped3A = tpu.sem_alloc : memref<!tpu.dma_semaphore, #tpu.memory_space<semaphore_mem>>
        %dma_start3A_94 = tpu.memref_slice %arg6[%add3A_37] : memref<321536xi32, #tpu.memory_space<hbm>> -> memref<128xi32, #tpu.memory_space<hbm>>
        %dma_start3A_95 = tpu.memref_slice %arg6[%add3A_37] : memref<321536xi32, #tpu.memory_space<hbm>> -> memref<128xi32, #tpu.memory_space<hbm>>
        tpu.enqueue_dma source(%dma_start3A_95 : memref<128xi32, #tpu.memory_space<hbm>>) target(%arg16 : memref<128xi32, #tpu.memory_space<vmem>>) target_semaphore(%run_scoped3A : memref<!tpu.dma_semaphore, #tpu.memory_space<semaphore_mem>>)
        %dma_wait3A_96 = tpu.memref_slice %arg6[%add3A_37] : memref<321536xi32, #tpu.memory_space<hbm>> -> memref<128xi32, #tpu.memory_space<hbm>>
        %dma_wait3A_97 = tpu.memref_slice %arg6[%add3A_37] : memref<321536xi32, #tpu.memory_space<hbm>> -> memref<128xi32, #tpu.memory_space<hbm>>
        tpu.wait_dma2 semaphore(%run_scoped3A : memref<!tpu.dma_semaphore, #tpu.memory_space<semaphore_mem>>) src(%dma_wait3A_97 : memref<128xi32, #tpu.memory_space<hbm>>) dst(%arg16 : memref<128xi32, #tpu.memory_space<vmem>>)
        tpu.yield
      }) : () -> ()
      %add3A_38 = arith.constant 0 : i32
      %add3A_39 = arith.addi %mul3A_35, %add3A_38 : i32
      "tpu.region"() ({
        %run_scoped3A = tpu.sem_alloc : memref<!tpu.dma_semaphore, #tpu.memory_space<semaphore_mem>>
        %dma_start3A_94 = tpu.memref_slice %arg7[%add3A_39] : memref<321536xi32, #tpu.memory_space<hbm>> -> memref<128xi32, #tpu.memory_space<hbm>>
        %dma_start3A_95 = tpu.memref_slice %arg7[%add3A_39] : memref<321536xi32, #tpu.memory_space<hbm>> -> memref<128xi32, #tpu.memory_space<hbm>>
        tpu.enqueue_dma source(%dma_start3A_95 : memref<128xi32, #tpu.memory_space<hbm>>) target(%arg18 : memref<128xi32, #tpu.memory_space<vmem>>) target_semaphore(%run_scoped3A : memref<!tpu.dma_semaphore, #tpu.memory_space<semaphore_mem>>)
        %dma_wait3A_96 = tpu.memref_slice %arg7[%add3A_39] : memref<321536xi32, #tpu.memory_space<hbm>> -> memref<128xi32, #tpu.memory_space<hbm>>
        %dma_wait3A_97 = tpu.memref_slice %arg7[%add3A_39] : memref<321536xi32, #tpu.memory_space<hbm>> -> memref<128xi32, #tpu.memory_space<hbm>>
        tpu.wait_dma2 semaphore(%run_scoped3A : memref<!tpu.dma_semaphore, #tpu.memory_space<semaphore_mem>>) src(%dma_wait3A_97 : memref<128xi32, #tpu.memory_space<hbm>>) dst(%arg18 : memref<128xi32, #tpu.memory_space<vmem>>)
        tpu.yield
      }) : () -> ()
      %dma_start3A = arith.constant 0 : i32
      %dma_start3A_40 = arith.constant 0 : i32
      %dma_start3A_41 = tpu.memref_slice %arg5[%dma_start3A, %dma_start3A_40] : memref<10000x128xf32, #tpu.memory_space<hbm>> -> memref<10000x128xf32, #tpu.memory_space<hbm>>
      tpu.enqueue_indirect_dma source(%dma_start3A_41 : memref<10000x128xf32, #tpu.memory_space<hbm>>) target(%arg12 : memref<128x128xf32, #tpu.memory_space<vmem>>) offsets(%arg16 : memref<128xi32, #tpu.memory_space<vmem>>) semaphore(%arg23 : memref<!tpu.dma_semaphore, #tpu.memory_space<semaphore_mem>>)
      %add3A_42 = arith.constant 128 : i32
      %add3A_43 = arith.addi %mul3A_35, %add3A_42 : i32
      %dma_start3A_44 = tpu.memref_slice %arg6[%add3A_43] : memref<321536xi32, #tpu.memory_space<hbm>> -> memref<128xi32, #tpu.memory_space<hbm>>
      %dma_start3A_45 = tpu.memref_slice %arg6[%add3A_43] : memref<321536xi32, #tpu.memory_space<hbm>> -> memref<128xi32, #tpu.memory_space<hbm>>
      tpu.enqueue_dma source(%dma_start3A_45 : memref<128xi32, #tpu.memory_space<hbm>>) target(%arg17 : memref<128xi32, #tpu.memory_space<vmem>>) target_semaphore(%arg25 : memref<!tpu.dma_semaphore, #tpu.memory_space<semaphore_mem>>)
      %add3A_46 = arith.constant 128 : i32
      %add3A_47 = arith.addi %mul3A_35, %add3A_46 : i32
      %dma_start3A_48 = tpu.memref_slice %arg7[%add3A_47] : memref<321536xi32, #tpu.memory_space<hbm>> -> memref<128xi32, #tpu.memory_space<hbm>>
      %dma_start3A_49 = tpu.memref_slice %arg7[%add3A_47] : memref<321536xi32, #tpu.memory_space<hbm>> -> memref<128xi32, #tpu.memory_space<hbm>>
      tpu.enqueue_dma source(%dma_start3A_49 : memref<128xi32, #tpu.memory_space<hbm>>) target(%arg19 : memref<128xi32, #tpu.memory_space<vmem>>) target_semaphore(%arg25 : memref<!tpu.dma_semaphore, #tpu.memory_space<semaphore_mem>>)
      %add3A_50 = arith.constant 128 : i32
      %add3A_51 = arith.addi %mul3A_35, %add3A_50 : i32
      %dma_wait3A = tpu.memref_slice %arg6[%add3A_51] : memref<321536xi32, #tpu.memory_space<hbm>> -> memref<128xi32, #tpu.memory_space<hbm>>
      %dma_wait3A_52 = tpu.memref_slice %arg6[%add3A_51] : memref<321536xi32, #tpu.memory_space<hbm>> -> memref<128xi32, #tpu.memory_space<hbm>>
      tpu.wait_dma2 semaphore(%arg25 : memref<!tpu.dma_semaphore, #tpu.memory_space<semaphore_mem>>) src(%dma_wait3A_52 : memref<128xi32, #tpu.memory_space<hbm>>) dst(%arg17 : memref<128xi32, #tpu.memory_space<vmem>>)
      %add3A_53 = arith.constant 128 : i32
      %add3A_54 = arith.addi %mul3A_35, %add3A_53 : i32
      %dma_wait3A_55 = tpu.memref_slice %arg7[%add3A_54] : memref<321536xi32, #tpu.memory_space<hbm>> -> memref<128xi32, #tpu.memory_space<hbm>>
      %dma_wait3A_56 = tpu.memref_slice %arg7[%add3A_54] : memref<321536xi32, #tpu.memory_space<hbm>> -> memref<128xi32, #tpu.memory_space<hbm>>
      tpu.wait_dma2 semaphore(%arg25 : memref<!tpu.dma_semaphore, #tpu.memory_space<semaphore_mem>>) src(%dma_wait3A_56 : memref<128xi32, #tpu.memory_space<hbm>>) dst(%arg19 : memref<128xi32, #tpu.memory_space<vmem>>)
      %dma_start3A_57 = arith.constant 0 : i32
      %dma_start3A_58 = arith.constant 0 : i32
      %dma_start3A_59 = tpu.memref_slice %arg5[%dma_start3A_57, %dma_start3A_58] : memref<10000x128xf32, #tpu.memory_space<hbm>> -> memref<10000x128xf32, #tpu.memory_space<hbm>>
      tpu.enqueue_indirect_dma source(%dma_start3A_59 : memref<10000x128xf32, #tpu.memory_space<hbm>>) target(%arg13 : memref<128x128xf32, #tpu.memory_space<vmem>>) offsets(%arg17 : memref<128xi32, #tpu.memory_space<vmem>>) semaphore(%arg24 : memref<!tpu.dma_semaphore, #tpu.memory_space<semaphore_mem>>)
      %dma_wait3A_60 = arith.constant 0 : i32
      %dma_wait3A_61 = arith.constant 0 : i32
      %dma_wait3A_62 = tpu.memref_slice %arg5[%dma_wait3A_60, %dma_wait3A_61] : memref<10000x128xf32, #tpu.memory_space<hbm>> -> memref<10000x128xf32, #tpu.memory_space<hbm>>
      tpu.wait_indirect_dma semaphore(%arg23 : memref<!tpu.dma_semaphore, #tpu.memory_space<semaphore_mem>>) src(%dma_wait3A_62 : memref<10000x128xf32, #tpu.memory_space<hbm>>) dst(%arg12 : memref<128x128xf32, #tpu.memory_space<vmem>>)
      %dma_start3A_63 = arith.constant 0 : i32
      %dma_start3A_64 = arith.constant 0 : i32
      %dma_start3A_65 = tpu.memref_slice %arg21[%dma_start3A_63, %dma_start3A_64] : memref<10240x128xf32, #tpu.memory_space<vmem_shared>> -> memref<10240x128xf32, #tpu.memory_space<vmem_shared>>
      tpu.enqueue_indirect_dma source(%arg12 : memref<128x128xf32, #tpu.memory_space<vmem>>) target(%dma_start3A_65 : memref<10240x128xf32, #tpu.memory_space<vmem_shared>>) offsets(%arg18 : memref<128xi32, #tpu.memory_space<vmem>>) semaphore(%arg26 : memref<!tpu.dma_semaphore, #tpu.memory_space<semaphore_mem>>) {add = true}
      "tpu.region"() ({
        %run_scoped3A = tpu.sem_alloc : memref<!tpu.dma_semaphore, #tpu.memory_space<semaphore_mem>>
        %dma_start3A_94 = arith.constant 0 : i32
        %dma_start3A_95 = tpu.memref_slice %arg22[%dma_start3A_94] : memref<10240xf32, #tpu.memory_space<vmem_shared>> -> memref<10240xf32, #tpu.memory_space<vmem_shared>>
        tpu.enqueue_indirect_dma source(%arg15 : memref<128xf32, #tpu.memory_space<vmem>>) target(%dma_start3A_95 : memref<10240xf32, #tpu.memory_space<vmem_shared>>) offsets(%arg18 : memref<128xi32, #tpu.memory_space<vmem>>) semaphore(%run_scoped3A : memref<!tpu.dma_semaphore, #tpu.memory_space<semaphore_mem>>) {add = true}
        %dma_wait3A_96 = arith.constant 0 : i32
        %dma_wait3A_97 = tpu.memref_slice %arg22[%dma_wait3A_96] : memref<10240xf32, #tpu.memory_space<vmem_shared>> -> memref<10240xf32, #tpu.memory_space<vmem_shared>>
        tpu.wait_indirect_dma semaphore(%run_scoped3A : memref<!tpu.dma_semaphore, #tpu.memory_space<semaphore_mem>>) src(%arg15 : memref<128xf32, #tpu.memory_space<vmem>>) dst(%dma_wait3A_97 : memref<10240xf32, #tpu.memory_space<vmem_shared>>)
        tpu.yield
      }) : () -> ()
      %add3A_66 = arith.constant 256 : i32
      %add3A_67 = arith.addi %mul3A_35, %add3A_66 : i32
      %dma_start3A_68 = tpu.memref_slice %arg6[%add3A_67] : memref<321536xi32, #tpu.memory_space<hbm>> -> memref<128xi32, #tpu.memory_space<hbm>>
      %dma_start3A_69 = tpu.memref_slice %arg6[%add3A_67] : memref<321536xi32, #tpu.memory_space<hbm>> -> memref<128xi32, #tpu.memory_space<hbm>>
      tpu.enqueue_dma source(%dma_start3A_69 : memref<128xi32, #tpu.memory_space<hbm>>) target(%arg16 : memref<128xi32, #tpu.memory_space<vmem>>) target_semaphore(%arg25 : memref<!tpu.dma_semaphore, #tpu.memory_space<semaphore_mem>>)
      %add3A_70 = arith.constant 256 : i32
      %add3A_71 = arith.addi %mul3A_35, %add3A_70 : i32
      %dma_start3A_72 = tpu.memref_slice %arg7[%add3A_71] : memref<321536xi32, #tpu.memory_space<hbm>> -> memref<128xi32, #tpu.memory_space<hbm>>
      %dma_start3A_73 = tpu.memref_slice %arg7[%add3A_71] : memref<321536xi32, #tpu.memory_space<hbm>> -> memref<128xi32, #tpu.memory_space<hbm>>
      tpu.enqueue_dma source(%dma_start3A_73 : memref<128xi32, #tpu.memory_space<hbm>>) target(%arg20 : memref<128xi32, #tpu.memory_space<vmem>>) target_semaphore(%arg25 : memref<!tpu.dma_semaphore, #tpu.memory_space<semaphore_mem>>)
      %scan3A_74 = arith.constant 0 : i32
      %scan3A_75 = arith.constant 0 : i32
      %scan3A_76 = arith.constant 26 : i32
      %scan3A_77 = arith.addi %scan3A_75, %scan3A_76 : i32
      %scan3A_78 = arith.constant 1 : i32
      scf.for %scan3A_94 = %scan3A_75 to %scan3A_77 step %scan3A_78  : i32 {
        %mul3A_95 = arith.constant 6 : i32
        %mul3A_96 = arith.muli %mul3A_95, %scan3A_94 : i32
        %add3A_97 = arith.constant 1 : i32
        %add3A_98 = arith.addi %mul3A_96, %add3A_97 : i32
        %add3A_99 = arith.constant 0 : i32
        %add3A_100 = arith.addi %add3A_98, %add3A_99 : i32
        %dma_wait3A_101 = arith.constant 0 : i32
        %dma_wait3A_102 = arith.constant 0 : i32
        %dma_wait3A_103 = tpu.memref_slice %arg21[%dma_wait3A_101, %dma_wait3A_102] : memref<10240x128xf32, #tpu.memory_space<vmem_shared>> -> memref<10240x128xf32, #tpu.memory_space<vmem_shared>>
        tpu.wait_indirect_dma semaphore(%arg26 : memref<!tpu.dma_semaphore, #tpu.memory_space<semaphore_mem>>) src(%arg12 : memref<128x128xf32, #tpu.memory_space<vmem>>) dst(%dma_wait3A_103 : memref<10240x128xf32, #tpu.memory_space<vmem_shared>>)
        %add3A_104 = arith.constant 1 : i32
        %add3A_105 = arith.addi %add3A_100, %add3A_104 : i32
        %lt3A = arith.constant 157 : i32
        %lt3A_106 = arith.cmpi slt, %add3A_105, %lt3A : i32
        %convert_element_type3A_107 = arith.extui %lt3A_106 : i1 to i32
        %cond3A_108 = arith.constant 0 : i32
        %cond3A_109 = arith.cmpi ne, %convert_element_type3A_107, %cond3A_108 : i32
        scf.if %cond3A_109 {
          %add3A_248 = arith.constant 1 : i32
          %add3A_249 = arith.addi %add3A_100, %add3A_248 : i32
          %mul3A_250 = arith.constant 128 : i32
          %mul3A_251 = arith.muli %add3A_249, %mul3A_250 : i32
          %add3A_252 = arith.addi %mul3A_35, %mul3A_251 : i32
          %dma_wait3A_253 = tpu.memref_slice %arg6[%add3A_252] : memref<321536xi32, #tpu.memory_space<hbm>> -> memref<128xi32, #tpu.memory_space<hbm>>
          %dma_wait3A_254 = tpu.memref_slice %arg6[%add3A_252] : memref<321536xi32, #tpu.memory_space<hbm>> -> memref<128xi32, #tpu.memory_space<hbm>>
          tpu.wait_dma2 semaphore(%arg25 : memref<!tpu.dma_semaphore, #tpu.memory_space<semaphore_mem>>) src(%dma_wait3A_254 : memref<128xi32, #tpu.memory_space<hbm>>) dst(%arg16 : memref<128xi32, #tpu.memory_space<vmem>>)
          %mul3A_255 = arith.constant 128 : i32
          %mul3A_256 = arith.muli %add3A_249, %mul3A_255 : i32
          %add3A_257 = arith.addi %mul3A_35, %mul3A_256 : i32
          %dma_wait3A_258 = tpu.memref_slice %arg7[%add3A_257] : memref<321536xi32, #tpu.memory_space<hbm>> -> memref<128xi32, #tpu.memory_space<hbm>>
          %dma_wait3A_259 = tpu.memref_slice %arg7[%add3A_257] : memref<321536xi32, #tpu.memory_space<hbm>> -> memref<128xi32, #tpu.memory_space<hbm>>
          tpu.wait_dma2 semaphore(%arg25 : memref<!tpu.dma_semaphore, #tpu.memory_space<semaphore_mem>>) src(%dma_wait3A_259 : memref<128xi32, #tpu.memory_space<hbm>>) dst(%arg20 : memref<128xi32, #tpu.memory_space<vmem>>)
          %dma_start3A_260 = arith.constant 0 : i32
          %dma_start3A_261 = arith.constant 0 : i32
          %dma_start3A_262 = tpu.memref_slice %arg5[%dma_start3A_260, %dma_start3A_261] : memref<10000x128xf32, #tpu.memory_space<hbm>> -> memref<10000x128xf32, #tpu.memory_space<hbm>>
          tpu.enqueue_indirect_dma source(%dma_start3A_262 : memref<10000x128xf32, #tpu.memory_space<hbm>>) target(%arg12 : memref<128x128xf32, #tpu.memory_space<vmem>>) offsets(%arg16 : memref<128xi32, #tpu.memory_space<vmem>>) semaphore(%arg23 : memref<!tpu.dma_semaphore, #tpu.memory_space<semaphore_mem>>)
        } else {
        }
        %dma_wait3A_110 = arith.constant 0 : i32
        %dma_wait3A_111 = arith.constant 0 : i32
        %dma_wait3A_112 = tpu.memref_slice %arg5[%dma_wait3A_110, %dma_wait3A_111] : memref<10000x128xf32, #tpu.memory_space<hbm>> -> memref<10000x128xf32, #tpu.memory_space<hbm>>
        tpu.wait_indirect_dma semaphore(%arg24 : memref<!tpu.dma_semaphore, #tpu.memory_space<semaphore_mem>>) src(%dma_wait3A_112 : memref<10000x128xf32, #tpu.memory_space<hbm>>) dst(%arg13 : memref<128x128xf32, #tpu.memory_space<vmem>>)
        %dma_start3A_113 = arith.constant 0 : i32
        %dma_start3A_114 = arith.constant 0 : i32
        %dma_start3A_115 = tpu.memref_slice %arg21[%dma_start3A_113, %dma_start3A_114] : memref<10240x128xf32, #tpu.memory_space<vmem_shared>> -> memref<10240x128xf32, #tpu.memory_space<vmem_shared>>
        tpu.enqueue_indirect_dma source(%arg13 : memref<128x128xf32, #tpu.memory_space<vmem>>) target(%dma_start3A_115 : memref<10240x128xf32, #tpu.memory_space<vmem_shared>>) offsets(%arg19 : memref<128xi32, #tpu.memory_space<vmem>>) semaphore(%arg27 : memref<!tpu.dma_semaphore, #tpu.memory_space<semaphore_mem>>) {add = true}
        "tpu.region"() ({
          %run_scoped3A = tpu.sem_alloc : memref<!tpu.dma_semaphore, #tpu.memory_space<semaphore_mem>>
          %dma_start3A_248 = arith.constant 0 : i32
          %dma_start3A_249 = tpu.memref_slice %arg22[%dma_start3A_248] : memref<10240xf32, #tpu.memory_space<vmem_shared>> -> memref<10240xf32, #tpu.memory_space<vmem_shared>>
          tpu.enqueue_indirect_dma source(%arg15 : memref<128xf32, #tpu.memory_space<vmem>>) target(%dma_start3A_249 : memref<10240xf32, #tpu.memory_space<vmem_shared>>) offsets(%arg19 : memref<128xi32, #tpu.memory_space<vmem>>) semaphore(%run_scoped3A : memref<!tpu.dma_semaphore, #tpu.memory_space<semaphore_mem>>) {add = true}
          %dma_wait3A_250 = arith.constant 0 : i32
          %dma_wait3A_251 = tpu.memref_slice %arg22[%dma_wait3A_250] : memref<10240xf32, #tpu.memory_space<vmem_shared>> -> memref<10240xf32, #tpu.memory_space<vmem_shared>>
          tpu.wait_indirect_dma semaphore(%run_scoped3A : memref<!tpu.dma_semaphore, #tpu.memory_space<semaphore_mem>>) src(%arg15 : memref<128xf32, #tpu.memory_space<vmem>>) dst(%dma_wait3A_251 : memref<10240xf32, #tpu.memory_space<vmem_shared>>)
          tpu.yield
        }) : () -> ()
        %add3A_116 = arith.constant 2 : i32
        %add3A_117 = arith.addi %add3A_100, %add3A_116 : i32
        %lt3A_118 = arith.constant 157 : i32
        %lt3A_119 = arith.cmpi slt, %add3A_117, %lt3A_118 : i32
        %convert_element_type3A_120 = arith.extui %lt3A_119 : i1 to i32
        %cond3A_121 = arith.constant 0 : i32
        %cond3A_122 = arith.cmpi ne, %convert_element_type3A_120, %cond3A_121 : i32
        scf.if %cond3A_122 {
          %add3A_248 = arith.constant 2 : i32
          %add3A_249 = arith.addi %add3A_100, %add3A_248 : i32
          %mul3A_250 = arith.constant 128 : i32
          %mul3A_251 = arith.muli %add3A_249, %mul3A_250 : i32
          %add3A_252 = arith.addi %mul3A_35, %mul3A_251 : i32
          %dma_start3A_253 = tpu.memref_slice %arg6[%add3A_252] : memref<321536xi32, #tpu.memory_space<hbm>> -> memref<128xi32, #tpu.memory_space<hbm>>
          %dma_start3A_254 = tpu.memref_slice %arg6[%add3A_252] : memref<321536xi32, #tpu.memory_space<hbm>> -> memref<128xi32, #tpu.memory_space<hbm>>
          tpu.enqueue_dma source(%dma_start3A_254 : memref<128xi32, #tpu.memory_space<hbm>>) target(%arg17 : memref<128xi32, #tpu.memory_space<vmem>>) target_semaphore(%arg25 : memref<!tpu.dma_semaphore, #tpu.memory_space<semaphore_mem>>)
          %mul3A_255 = arith.constant 128 : i32
          %mul3A_256 = arith.muli %add3A_249, %mul3A_255 : i32
          %add3A_257 = arith.addi %mul3A_35, %mul3A_256 : i32
          %dma_start3A_258 = tpu.memref_slice %arg7[%add3A_257] : memref<321536xi32, #tpu.memory_space<hbm>> -> memref<128xi32, #tpu.memory_space<hbm>>
          %dma_start3A_259 = tpu.memref_slice %arg7[%add3A_257] : memref<321536xi32, #tpu.memory_space<hbm>> -> memref<128xi32, #tpu.memory_space<hbm>>
          tpu.enqueue_dma source(%dma_start3A_259 : memref<128xi32, #tpu.memory_space<hbm>>) target(%arg18 : memref<128xi32, #tpu.memory_space<vmem>>) target_semaphore(%arg25 : memref<!tpu.dma_semaphore, #tpu.memory_space<semaphore_mem>>)
        } else {
        }
        %add3A_123 = arith.constant 1 : i32
        %add3A_124 = arith.addi %add3A_98, %add3A_123 : i32
        %dma_wait3A_125 = arith.constant 0 : i32
        %dma_wait3A_126 = arith.constant 0 : i32
        %dma_wait3A_127 = tpu.memref_slice %arg21[%dma_wait3A_125, %dma_wait3A_126] : memref<10240x128xf32, #tpu.memory_space<vmem_shared>> -> memref<10240x128xf32, #tpu.memory_space<vmem_shared>>
        tpu.wait_indirect_dma semaphore(%arg27 : memref<!tpu.dma_semaphore, #tpu.memory_space<semaphore_mem>>) src(%arg13 : memref<128x128xf32, #tpu.memory_space<vmem>>) dst(%dma_wait3A_127 : memref<10240x128xf32, #tpu.memory_space<vmem_shared>>)
        %add3A_128 = arith.constant 1 : i32
        %add3A_129 = arith.addi %add3A_124, %add3A_128 : i32
        %lt3A_130 = arith.constant 157 : i32
        %lt3A_131 = arith.cmpi slt, %add3A_129, %lt3A_130 : i32
        %convert_element_type3A_132 = arith.extui %lt3A_131 : i1 to i32
        %cond3A_133 = arith.constant 0 : i32
        %cond3A_134 = arith.cmpi ne, %convert_element_type3A_132, %cond3A_133 : i32
        scf.if %cond3A_134 {
          %add3A_248 = arith.constant 1 : i32
          %add3A_249 = arith.addi %add3A_124, %add3A_248 : i32
          %mul3A_250 = arith.constant 128 : i32
          %mul3A_251 = arith.muli %add3A_249, %mul3A_250 : i32
          %add3A_252 = arith.addi %mul3A_35, %mul3A_251 : i32
          %dma_wait3A_253 = tpu.memref_slice %arg6[%add3A_252] : memref<321536xi32, #tpu.memory_space<hbm>> -> memref<128xi32, #tpu.memory_space<hbm>>
          %dma_wait3A_254 = tpu.memref_slice %arg6[%add3A_252] : memref<321536xi32, #tpu.memory_space<hbm>> -> memref<128xi32, #tpu.memory_space<hbm>>
          tpu.wait_dma2 semaphore(%arg25 : memref<!tpu.dma_semaphore, #tpu.memory_space<semaphore_mem>>) src(%dma_wait3A_254 : memref<128xi32, #tpu.memory_space<hbm>>) dst(%arg17 : memref<128xi32, #tpu.memory_space<vmem>>)
          %mul3A_255 = arith.constant 128 : i32
          %mul3A_256 = arith.muli %add3A_249, %mul3A_255 : i32
          %add3A_257 = arith.addi %mul3A_35, %mul3A_256 : i32
          %dma_wait3A_258 = tpu.memref_slice %arg7[%add3A_257] : memref<321536xi32, #tpu.memory_space<hbm>> -> memref<128xi32, #tpu.memory_space<hbm>>
          %dma_wait3A_259 = tpu.memref_slice %arg7[%add3A_257] : memref<321536xi32, #tpu.memory_space<hbm>> -> memref<128xi32, #tpu.memory_space<hbm>>
          tpu.wait_dma2 semaphore(%arg25 : memref<!tpu.dma_semaphore, #tpu.memory_space<semaphore_mem>>) src(%dma_wait3A_259 : memref<128xi32, #tpu.memory_space<hbm>>) dst(%arg18 : memref<128xi32, #tpu.memory_space<vmem>>)
          %dma_start3A_260 = arith.constant 0 : i32
          %dma_start3A_261 = arith.constant 0 : i32
          %dma_start3A_262 = tpu.memref_slice %arg5[%dma_start3A_260, %dma_start3A_261] : memref<10000x128xf32, #tpu.memory_space<hbm>> -> memref<10000x128xf32, #tpu.memory_space<hbm>>
          tpu.enqueue_indirect_dma source(%dma_start3A_262 : memref<10000x128xf32, #tpu.memory_space<hbm>>) target(%arg13 : memref<128x128xf32, #tpu.memory_space<vmem>>) offsets(%arg17 : memref<128xi32, #tpu.memory_space<vmem>>) semaphore(%arg24 : memref<!tpu.dma_semaphore, #tpu.memory_space<semaphore_mem>>)
        } else {
        }
        %dma_wait3A_135 = arith.constant 0 : i32
        %dma_wait3A_136 = arith.constant 0 : i32
        %dma_wait3A_137 = tpu.memref_slice %arg5[%dma_wait3A_135, %dma_wait3A_136] : memref<10000x128xf32, #tpu.memory_space<hbm>> -> memref<10000x128xf32, #tpu.memory_space<hbm>>
        tpu.wait_indirect_dma semaphore(%arg23 : memref<!tpu.dma_semaphore, #tpu.memory_space<semaphore_mem>>) src(%dma_wait3A_137 : memref<10000x128xf32, #tpu.memory_space<hbm>>) dst(%arg12 : memref<128x128xf32, #tpu.memory_space<vmem>>)
        %dma_start3A_138 = arith.constant 0 : i32
        %dma_start3A_139 = arith.constant 0 : i32
        %dma_start3A_140 = tpu.memref_slice %arg21[%dma_start3A_138, %dma_start3A_139] : memref<10240x128xf32, #tpu.memory_space<vmem_shared>> -> memref<10240x128xf32, #tpu.memory_space<vmem_shared>>
        tpu.enqueue_indirect_dma source(%arg12 : memref<128x128xf32, #tpu.memory_space<vmem>>) target(%dma_start3A_140 : memref<10240x128xf32, #tpu.memory_space<vmem_shared>>) offsets(%arg20 : memref<128xi32, #tpu.memory_space<vmem>>) semaphore(%arg26 : memref<!tpu.dma_semaphore, #tpu.memory_space<semaphore_mem>>) {add = true}
        "tpu.region"() ({
          %run_scoped3A = tpu.sem_alloc : memref<!tpu.dma_semaphore, #tpu.memory_space<semaphore_mem>>
          %dma_start3A_248 = arith.constant 0 : i32
          %dma_start3A_249 = tpu.memref_slice %arg22[%dma_start3A_248] : memref<10240xf32, #tpu.memory_space<vmem_shared>> -> memref<10240xf32, #tpu.memory_space<vmem_shared>>
          tpu.enqueue_indirect_dma source(%arg15 : memref<128xf32, #tpu.memory_space<vmem>>) target(%dma_start3A_249 : memref<10240xf32, #tpu.memory_space<vmem_shared>>) offsets(%arg20 : memref<128xi32, #tpu.memory_space<vmem>>) semaphore(%run_scoped3A : memref<!tpu.dma_semaphore, #tpu.memory_space<semaphore_mem>>) {add = true}
          %dma_wait3A_250 = arith.constant 0 : i32
          %dma_wait3A_251 = tpu.memref_slice %arg22[%dma_wait3A_250] : memref<10240xf32, #tpu.memory_space<vmem_shared>> -> memref<10240xf32, #tpu.memory_space<vmem_shared>>
          tpu.wait_indirect_dma semaphore(%run_scoped3A : memref<!tpu.dma_semaphore, #tpu.memory_space<semaphore_mem>>) src(%arg15 : memref<128xf32, #tpu.memory_space<vmem>>) dst(%dma_wait3A_251 : memref<10240xf32, #tpu.memory_space<vmem_shared>>)
          tpu.yield
        }) : () -> ()
        %add3A_141 = arith.constant 2 : i32
        %add3A_142 = arith.addi %add3A_124, %add3A_141 : i32
        %lt3A_143 = arith.constant 157 : i32
        %lt3A_144 = arith.cmpi slt, %add3A_142, %lt3A_143 : i32
        %convert_element_type3A_145 = arith.extui %lt3A_144 : i1 to i32
        %cond3A_146 = arith.constant 0 : i32
        %cond3A_147 = arith.cmpi ne, %convert_element_type3A_145, %cond3A_146 : i32
        scf.if %cond3A_147 {
          %add3A_248 = arith.constant 2 : i32
          %add3A_249 = arith.addi %add3A_124, %add3A_248 : i32
          %mul3A_250 = arith.constant 128 : i32
          %mul3A_251 = arith.muli %add3A_249, %mul3A_250 : i32
          %add3A_252 = arith.addi %mul3A_35, %mul3A_251 : i32
          %dma_start3A_253 = tpu.memref_slice %arg6[%add3A_252] : memref<321536xi32, #tpu.memory_space<hbm>> -> memref<128xi32, #tpu.memory_space<hbm>>
          %dma_start3A_254 = tpu.memref_slice %arg6[%add3A_252] : memref<321536xi32, #tpu.memory_space<hbm>> -> memref<128xi32, #tpu.memory_space<hbm>>
          tpu.enqueue_dma source(%dma_start3A_254 : memref<128xi32, #tpu.memory_space<hbm>>) target(%arg16 : memref<128xi32, #tpu.memory_space<vmem>>) target_semaphore(%arg25 : memref<!tpu.dma_semaphore, #tpu.memory_space<semaphore_mem>>)
          %mul3A_255 = arith.constant 128 : i32
          %mul3A_256 = arith.muli %add3A_249, %mul3A_255 : i32
          %add3A_257 = arith.addi %mul3A_35, %mul3A_256 : i32
          %dma_start3A_258 = tpu.memref_slice %arg7[%add3A_257] : memref<321536xi32, #tpu.memory_space<hbm>> -> memref<128xi32, #tpu.memory_space<hbm>>
          %dma_start3A_259 = tpu.memref_slice %arg7[%add3A_257] : memref<321536xi32, #tpu.memory_space<hbm>> -> memref<128xi32, #tpu.memory_space<hbm>>
          tpu.enqueue_dma source(%dma_start3A_259 : memref<128xi32, #tpu.memory_space<hbm>>) target(%arg19 : memref<128xi32, #tpu.memory_space<vmem>>) target_semaphore(%arg25 : memref<!tpu.dma_semaphore, #tpu.memory_space<semaphore_mem>>)
        } else {
        }
        %add3A_148 = arith.constant 2 : i32
        %add3A_149 = arith.addi %add3A_98, %add3A_148 : i32
        %dma_wait3A_150 = arith.constant 0 : i32
        %dma_wait3A_151 = arith.constant 0 : i32
        %dma_wait3A_152 = tpu.memref_slice %arg21[%dma_wait3A_150, %dma_wait3A_151] : memref<10240x128xf32, #tpu.memory_space<vmem_shared>> -> memref<10240x128xf32, #tpu.memory_space<vmem_shared>>
        tpu.wait_indirect_dma semaphore(%arg26 : memref<!tpu.dma_semaphore, #tpu.memory_space<semaphore_mem>>) src(%arg12 : memref<128x128xf32, #tpu.memory_space<vmem>>) dst(%dma_wait3A_152 : memref<10240x128xf32, #tpu.memory_space<vmem_shared>>)
        %add3A_153 = arith.constant 1 : i32
        %add3A_154 = arith.addi %add3A_149, %add3A_153 : i32
        %lt3A_155 = arith.constant 157 : i32
        %lt3A_156 = arith.cmpi slt, %add3A_154, %lt3A_155 : i32
        %convert_element_type3A_157 = arith.extui %lt3A_156 : i1 to i32
        %cond3A_158 = arith.constant 0 : i32
        %cond3A_159 = arith.cmpi ne, %convert_element_type3A_157, %cond3A_158 : i32
        scf.if %cond3A_159 {
          %add3A_248 = arith.constant 1 : i32
          %add3A_249 = arith.addi %add3A_149, %add3A_248 : i32
          %mul3A_250 = arith.constant 128 : i32
          %mul3A_251 = arith.muli %add3A_249, %mul3A_250 : i32
          %add3A_252 = arith.addi %mul3A_35, %mul3A_251 : i32
          %dma_wait3A_253 = tpu.memref_slice %arg6[%add3A_252] : memref<321536xi32, #tpu.memory_space<hbm>> -> memref<128xi32, #tpu.memory_space<hbm>>
          %dma_wait3A_254 = tpu.memref_slice %arg6[%add3A_252] : memref<321536xi32, #tpu.memory_space<hbm>> -> memref<128xi32, #tpu.memory_space<hbm>>
          tpu.wait_dma2 semaphore(%arg25 : memref<!tpu.dma_semaphore, #tpu.memory_space<semaphore_mem>>) src(%dma_wait3A_254 : memref<128xi32, #tpu.memory_space<hbm>>) dst(%arg16 : memref<128xi32, #tpu.memory_space<vmem>>)
          %mul3A_255 = arith.constant 128 : i32
          %mul3A_256 = arith.muli %add3A_249, %mul3A_255 : i32
          %add3A_257 = arith.addi %mul3A_35, %mul3A_256 : i32
          %dma_wait3A_258 = tpu.memref_slice %arg7[%add3A_257] : memref<321536xi32, #tpu.memory_space<hbm>> -> memref<128xi32, #tpu.memory_space<hbm>>
          %dma_wait3A_259 = tpu.memref_slice %arg7[%add3A_257] : memref<321536xi32, #tpu.memory_space<hbm>> -> memref<128xi32, #tpu.memory_space<hbm>>
          tpu.wait_dma2 semaphore(%arg25 : memref<!tpu.dma_semaphore, #tpu.memory_space<semaphore_mem>>) src(%dma_wait3A_259 : memref<128xi32, #tpu.memory_space<hbm>>) dst(%arg19 : memref<128xi32, #tpu.memory_space<vmem>>)
          %dma_start3A_260 = arith.constant 0 : i32
          %dma_start3A_261 = arith.constant 0 : i32
          %dma_start3A_262 = tpu.memref_slice %arg5[%dma_start3A_260, %dma_start3A_261] : memref<10000x128xf32, #tpu.memory_space<hbm>> -> memref<10000x128xf32, #tpu.memory_space<hbm>>
          tpu.enqueue_indirect_dma source(%dma_start3A_262 : memref<10000x128xf32, #tpu.memory_space<hbm>>) target(%arg12 : memref<128x128xf32, #tpu.memory_space<vmem>>) offsets(%arg16 : memref<128xi32, #tpu.memory_space<vmem>>) semaphore(%arg23 : memref<!tpu.dma_semaphore, #tpu.memory_space<semaphore_mem>>)
        } else {
        }
        %dma_wait3A_160 = arith.constant 0 : i32
        %dma_wait3A_161 = arith.constant 0 : i32
        %dma_wait3A_162 = tpu.memref_slice %arg5[%dma_wait3A_160, %dma_wait3A_161] : memref<10000x128xf32, #tpu.memory_space<hbm>> -> memref<10000x128xf32, #tpu.memory_space<hbm>>
        tpu.wait_indirect_dma semaphore(%arg24 : memref<!tpu.dma_semaphore, #tpu.memory_space<semaphore_mem>>) src(%dma_wait3A_162 : memref<10000x128xf32, #tpu.memory_space<hbm>>) dst(%arg13 : memref<128x128xf32, #tpu.memory_space<vmem>>)
        %dma_start3A_163 = arith.constant 0 : i32
        %dma_start3A_164 = arith.constant 0 : i32
        %dma_start3A_165 = tpu.memref_slice %arg21[%dma_start3A_163, %dma_start3A_164] : memref<10240x128xf32, #tpu.memory_space<vmem_shared>> -> memref<10240x128xf32, #tpu.memory_space<vmem_shared>>
        tpu.enqueue_indirect_dma source(%arg13 : memref<128x128xf32, #tpu.memory_space<vmem>>) target(%dma_start3A_165 : memref<10240x128xf32, #tpu.memory_space<vmem_shared>>) offsets(%arg18 : memref<128xi32, #tpu.memory_space<vmem>>) semaphore(%arg27 : memref<!tpu.dma_semaphore, #tpu.memory_space<semaphore_mem>>) {add = true}
        "tpu.region"() ({
          %run_scoped3A = tpu.sem_alloc : memref<!tpu.dma_semaphore, #tpu.memory_space<semaphore_mem>>
          %dma_start3A_248 = arith.constant 0 : i32
          %dma_start3A_249 = tpu.memref_slice %arg22[%dma_start3A_248] : memref<10240xf32, #tpu.memory_space<vmem_shared>> -> memref<10240xf32, #tpu.memory_space<vmem_shared>>
          tpu.enqueue_indirect_dma source(%arg15 : memref<128xf32, #tpu.memory_space<vmem>>) target(%dma_start3A_249 : memref<10240xf32, #tpu.memory_space<vmem_shared>>) offsets(%arg18 : memref<128xi32, #tpu.memory_space<vmem>>) semaphore(%run_scoped3A : memref<!tpu.dma_semaphore, #tpu.memory_space<semaphore_mem>>) {add = true}
          %dma_wait3A_250 = arith.constant 0 : i32
          %dma_wait3A_251 = tpu.memref_slice %arg22[%dma_wait3A_250] : memref<10240xf32, #tpu.memory_space<vmem_shared>> -> memref<10240xf32, #tpu.memory_space<vmem_shared>>
          tpu.wait_indirect_dma semaphore(%run_scoped3A : memref<!tpu.dma_semaphore, #tpu.memory_space<semaphore_mem>>) src(%arg15 : memref<128xf32, #tpu.memory_space<vmem>>) dst(%dma_wait3A_251 : memref<10240xf32, #tpu.memory_space<vmem_shared>>)
          tpu.yield
        }) : () -> ()
        %add3A_166 = arith.constant 2 : i32
        %add3A_167 = arith.addi %add3A_149, %add3A_166 : i32
        %lt3A_168 = arith.constant 157 : i32
        %lt3A_169 = arith.cmpi slt, %add3A_167, %lt3A_168 : i32
        %convert_element_type3A_170 = arith.extui %lt3A_169 : i1 to i32
        %cond3A_171 = arith.constant 0 : i32
        %cond3A_172 = arith.cmpi ne, %convert_element_type3A_170, %cond3A_171 : i32
        scf.if %cond3A_172 {
          %add3A_248 = arith.constant 2 : i32
          %add3A_249 = arith.addi %add3A_149, %add3A_248 : i32
          %mul3A_250 = arith.constant 128 : i32
          %mul3A_251 = arith.muli %add3A_249, %mul3A_250 : i32
          %add3A_252 = arith.addi %mul3A_35, %mul3A_251 : i32
          %dma_start3A_253 = tpu.memref_slice %arg6[%add3A_252] : memref<321536xi32, #tpu.memory_space<hbm>> -> memref<128xi32, #tpu.memory_space<hbm>>
          %dma_start3A_254 = tpu.memref_slice %arg6[%add3A_252] : memref<321536xi32, #tpu.memory_space<hbm>> -> memref<128xi32, #tpu.memory_space<hbm>>
          tpu.enqueue_dma source(%dma_start3A_254 : memref<128xi32, #tpu.memory_space<hbm>>) target(%arg17 : memref<128xi32, #tpu.memory_space<vmem>>) target_semaphore(%arg25 : memref<!tpu.dma_semaphore, #tpu.memory_space<semaphore_mem>>)
          %mul3A_255 = arith.constant 128 : i32
          %mul3A_256 = arith.muli %add3A_249, %mul3A_255 : i32
          %add3A_257 = arith.addi %mul3A_35, %mul3A_256 : i32
          %dma_start3A_258 = tpu.memref_slice %arg7[%add3A_257] : memref<321536xi32, #tpu.memory_space<hbm>> -> memref<128xi32, #tpu.memory_space<hbm>>
          %dma_start3A_259 = tpu.memref_slice %arg7[%add3A_257] : memref<321536xi32, #tpu.memory_space<hbm>> -> memref<128xi32, #tpu.memory_space<hbm>>
          tpu.enqueue_dma source(%dma_start3A_259 : memref<128xi32, #tpu.memory_space<hbm>>) target(%arg20 : memref<128xi32, #tpu.memory_space<vmem>>) target_semaphore(%arg25 : memref<!tpu.dma_semaphore, #tpu.memory_space<semaphore_mem>>)
        } else {
        }
        %add3A_173 = arith.constant 3 : i32
        %add3A_174 = arith.addi %add3A_98, %add3A_173 : i32
        %dma_wait3A_175 = arith.constant 0 : i32
        %dma_wait3A_176 = arith.constant 0 : i32
        %dma_wait3A_177 = tpu.memref_slice %arg21[%dma_wait3A_175, %dma_wait3A_176] : memref<10240x128xf32, #tpu.memory_space<vmem_shared>> -> memref<10240x128xf32, #tpu.memory_space<vmem_shared>>
        tpu.wait_indirect_dma semaphore(%arg27 : memref<!tpu.dma_semaphore, #tpu.memory_space<semaphore_mem>>) src(%arg13 : memref<128x128xf32, #tpu.memory_space<vmem>>) dst(%dma_wait3A_177 : memref<10240x128xf32, #tpu.memory_space<vmem_shared>>)
        %add3A_178 = arith.constant 1 : i32
        %add3A_179 = arith.addi %add3A_174, %add3A_178 : i32
        %lt3A_180 = arith.constant 157 : i32
        %lt3A_181 = arith.cmpi slt, %add3A_179, %lt3A_180 : i32
        %convert_element_type3A_182 = arith.extui %lt3A_181 : i1 to i32
        %cond3A_183 = arith.constant 0 : i32
        %cond3A_184 = arith.cmpi ne, %convert_element_type3A_182, %cond3A_183 : i32
        scf.if %cond3A_184 {
          %add3A_248 = arith.constant 1 : i32
          %add3A_249 = arith.addi %add3A_174, %add3A_248 : i32
          %mul3A_250 = arith.constant 128 : i32
          %mul3A_251 = arith.muli %add3A_249, %mul3A_250 : i32
          %add3A_252 = arith.addi %mul3A_35, %mul3A_251 : i32
          %dma_wait3A_253 = tpu.memref_slice %arg6[%add3A_252] : memref<321536xi32, #tpu.memory_space<hbm>> -> memref<128xi32, #tpu.memory_space<hbm>>
          %dma_wait3A_254 = tpu.memref_slice %arg6[%add3A_252] : memref<321536xi32, #tpu.memory_space<hbm>> -> memref<128xi32, #tpu.memory_space<hbm>>
          tpu.wait_dma2 semaphore(%arg25 : memref<!tpu.dma_semaphore, #tpu.memory_space<semaphore_mem>>) src(%dma_wait3A_254 : memref<128xi32, #tpu.memory_space<hbm>>) dst(%arg17 : memref<128xi32, #tpu.memory_space<vmem>>)
          %mul3A_255 = arith.constant 128 : i32
          %mul3A_256 = arith.muli %add3A_249, %mul3A_255 : i32
          %add3A_257 = arith.addi %mul3A_35, %mul3A_256 : i32
          %dma_wait3A_258 = tpu.memref_slice %arg7[%add3A_257] : memref<321536xi32, #tpu.memory_space<hbm>> -> memref<128xi32, #tpu.memory_space<hbm>>
          %dma_wait3A_259 = tpu.memref_slice %arg7[%add3A_257] : memref<321536xi32, #tpu.memory_space<hbm>> -> memref<128xi32, #tpu.memory_space<hbm>>
          tpu.wait_dma2 semaphore(%arg25 : memref<!tpu.dma_semaphore, #tpu.memory_space<semaphore_mem>>) src(%dma_wait3A_259 : memref<128xi32, #tpu.memory_space<hbm>>) dst(%arg20 : memref<128xi32, #tpu.memory_space<vmem>>)
          %dma_start3A_260 = arith.constant 0 : i32
          %dma_start3A_261 = arith.constant 0 : i32
          %dma_start3A_262 = tpu.memref_slice %arg5[%dma_start3A_260, %dma_start3A_261] : memref<10000x128xf32, #tpu.memory_space<hbm>> -> memref<10000x128xf32, #tpu.memory_space<hbm>>
          tpu.enqueue_indirect_dma source(%dma_start3A_262 : memref<10000x128xf32, #tpu.memory_space<hbm>>) target(%arg13 : memref<128x128xf32, #tpu.memory_space<vmem>>) offsets(%arg17 : memref<128xi32, #tpu.memory_space<vmem>>) semaphore(%arg24 : memref<!tpu.dma_semaphore, #tpu.memory_space<semaphore_mem>>)
        } else {
        }
        %dma_wait3A_185 = arith.constant 0 : i32
        %dma_wait3A_186 = arith.constant 0 : i32
        %dma_wait3A_187 = tpu.memref_slice %arg5[%dma_wait3A_185, %dma_wait3A_186] : memref<10000x128xf32, #tpu.memory_space<hbm>> -> memref<10000x128xf32, #tpu.memory_space<hbm>>
        tpu.wait_indirect_dma semaphore(%arg23 : memref<!tpu.dma_semaphore, #tpu.memory_space<semaphore_mem>>) src(%dma_wait3A_187 : memref<10000x128xf32, #tpu.memory_space<hbm>>) dst(%arg12 : memref<128x128xf32, #tpu.memory_space<vmem>>)
        %dma_start3A_188 = arith.constant 0 : i32
        %dma_start3A_189 = arith.constant 0 : i32
        %dma_start3A_190 = tpu.memref_slice %arg21[%dma_start3A_188, %dma_start3A_189] : memref<10240x128xf32, #tpu.memory_space<vmem_shared>> -> memref<10240x128xf32, #tpu.memory_space<vmem_shared>>
        tpu.enqueue_indirect_dma source(%arg12 : memref<128x128xf32, #tpu.memory_space<vmem>>) target(%dma_start3A_190 : memref<10240x128xf32, #tpu.memory_space<vmem_shared>>) offsets(%arg19 : memref<128xi32, #tpu.memory_space<vmem>>) semaphore(%arg26 : memref<!tpu.dma_semaphore, #tpu.memory_space<semaphore_mem>>) {add = true}
        "tpu.region"() ({
          %run_scoped3A = tpu.sem_alloc : memref<!tpu.dma_semaphore, #tpu.memory_space<semaphore_mem>>
          %dma_start3A_248 = arith.constant 0 : i32
          %dma_start3A_249 = tpu.memref_slice %arg22[%dma_start3A_248] : memref<10240xf32, #tpu.memory_space<vmem_shared>> -> memref<10240xf32, #tpu.memory_space<vmem_shared>>
          tpu.enqueue_indirect_dma source(%arg15 : memref<128xf32, #tpu.memory_space<vmem>>) target(%dma_start3A_249 : memref<10240xf32, #tpu.memory_space<vmem_shared>>) offsets(%arg19 : memref<128xi32, #tpu.memory_space<vmem>>) semaphore(%run_scoped3A : memref<!tpu.dma_semaphore, #tpu.memory_space<semaphore_mem>>) {add = true}
          %dma_wait3A_250 = arith.constant 0 : i32
          %dma_wait3A_251 = tpu.memref_slice %arg22[%dma_wait3A_250] : memref<10240xf32, #tpu.memory_space<vmem_shared>> -> memref<10240xf32, #tpu.memory_space<vmem_shared>>
          tpu.wait_indirect_dma semaphore(%run_scoped3A : memref<!tpu.dma_semaphore, #tpu.memory_space<semaphore_mem>>) src(%arg15 : memref<128xf32, #tpu.memory_space<vmem>>) dst(%dma_wait3A_251 : memref<10240xf32, #tpu.memory_space<vmem_shared>>)
          tpu.yield
        }) : () -> ()
        %add3A_191 = arith.constant 2 : i32
        %add3A_192 = arith.addi %add3A_174, %add3A_191 : i32
        %lt3A_193 = arith.constant 157 : i32
        %lt3A_194 = arith.cmpi slt, %add3A_192, %lt3A_193 : i32
        %convert_element_type3A_195 = arith.extui %lt3A_194 : i1 to i32
        %cond3A_196 = arith.constant 0 : i32
        %cond3A_197 = arith.cmpi ne, %convert_element_type3A_195, %cond3A_196 : i32
        scf.if %cond3A_197 {
          %add3A_248 = arith.constant 2 : i32
          %add3A_249 = arith.addi %add3A_174, %add3A_248 : i32
          %mul3A_250 = arith.constant 128 : i32
          %mul3A_251 = arith.muli %add3A_249, %mul3A_250 : i32
          %add3A_252 = arith.addi %mul3A_35, %mul3A_251 : i32
          %dma_start3A_253 = tpu.memref_slice %arg6[%add3A_252] : memref<321536xi32, #tpu.memory_space<hbm>> -> memref<128xi32, #tpu.memory_space<hbm>>
          %dma_start3A_254 = tpu.memref_slice %arg6[%add3A_252] : memref<321536xi32, #tpu.memory_space<hbm>> -> memref<128xi32, #tpu.memory_space<hbm>>
          tpu.enqueue_dma source(%dma_start3A_254 : memref<128xi32, #tpu.memory_space<hbm>>) target(%arg16 : memref<128xi32, #tpu.memory_space<vmem>>) target_semaphore(%arg25 : memref<!tpu.dma_semaphore, #tpu.memory_space<semaphore_mem>>)
          %mul3A_255 = arith.constant 128 : i32
          %mul3A_256 = arith.muli %add3A_249, %mul3A_255 : i32
          %add3A_257 = arith.addi %mul3A_35, %mul3A_256 : i32
          %dma_start3A_258 = tpu.memref_slice %arg7[%add3A_257] : memref<321536xi32, #tpu.memory_space<hbm>> -> memref<128xi32, #tpu.memory_space<hbm>>
          %dma_start3A_259 = tpu.memref_slice %arg7[%add3A_257] : memref<321536xi32, #tpu.memory_space<hbm>> -> memref<128xi32, #tpu.memory_space<hbm>>
          tpu.enqueue_dma source(%dma_start3A_259 : memref<128xi32, #tpu.memory_space<hbm>>) target(%arg18 : memref<128xi32, #tpu.memory_space<vmem>>) target_semaphore(%arg25 : memref<!tpu.dma_semaphore, #tpu.memory_space<semaphore_mem>>)
        } else {
        }
        %add3A_198 = arith.constant 4 : i32
        %add3A_199 = arith.addi %add3A_98, %add3A_198 : i32
        %dma_wait3A_200 = arith.constant 0 : i32
        %dma_wait3A_201 = arith.constant 0 : i32
        %dma_wait3A_202 = tpu.memref_slice %arg21[%dma_wait3A_200, %dma_wait3A_201] : memref<10240x128xf32, #tpu.memory_space<vmem_shared>> -> memref<10240x128xf32, #tpu.memory_space<vmem_shared>>
        tpu.wait_indirect_dma semaphore(%arg26 : memref<!tpu.dma_semaphore, #tpu.memory_space<semaphore_mem>>) src(%arg12 : memref<128x128xf32, #tpu.memory_space<vmem>>) dst(%dma_wait3A_202 : memref<10240x128xf32, #tpu.memory_space<vmem_shared>>)
        %add3A_203 = arith.constant 1 : i32
        %add3A_204 = arith.addi %add3A_199, %add3A_203 : i32
        %lt3A_205 = arith.constant 157 : i32
        %lt3A_206 = arith.cmpi slt, %add3A_204, %lt3A_205 : i32
        %convert_element_type3A_207 = arith.extui %lt3A_206 : i1 to i32
        %cond3A_208 = arith.constant 0 : i32
        %cond3A_209 = arith.cmpi ne, %convert_element_type3A_207, %cond3A_208 : i32
        scf.if %cond3A_209 {
          %add3A_248 = arith.constant 1 : i32
          %add3A_249 = arith.addi %add3A_199, %add3A_248 : i32
          %mul3A_250 = arith.constant 128 : i32
          %mul3A_251 = arith.muli %add3A_249, %mul3A_250 : i32
          %add3A_252 = arith.addi %mul3A_35, %mul3A_251 : i32
          %dma_wait3A_253 = tpu.memref_slice %arg6[%add3A_252] : memref<321536xi32, #tpu.memory_space<hbm>> -> memref<128xi32, #tpu.memory_space<hbm>>
          %dma_wait3A_254 = tpu.memref_slice %arg6[%add3A_252] : memref<321536xi32, #tpu.memory_space<hbm>> -> memref<128xi32, #tpu.memory_space<hbm>>
          tpu.wait_dma2 semaphore(%arg25 : memref<!tpu.dma_semaphore, #tpu.memory_space<semaphore_mem>>) src(%dma_wait3A_254 : memref<128xi32, #tpu.memory_space<hbm>>) dst(%arg16 : memref<128xi32, #tpu.memory_space<vmem>>)
          %mul3A_255 = arith.constant 128 : i32
          %mul3A_256 = arith.muli %add3A_249, %mul3A_255 : i32
          %add3A_257 = arith.addi %mul3A_35, %mul3A_256 : i32
          %dma_wait3A_258 = tpu.memref_slice %arg7[%add3A_257] : memref<321536xi32, #tpu.memory_space<hbm>> -> memref<128xi32, #tpu.memory_space<hbm>>
          %dma_wait3A_259 = tpu.memref_slice %arg7[%add3A_257] : memref<321536xi32, #tpu.memory_space<hbm>> -> memref<128xi32, #tpu.memory_space<hbm>>
          tpu.wait_dma2 semaphore(%arg25 : memref<!tpu.dma_semaphore, #tpu.memory_space<semaphore_mem>>) src(%dma_wait3A_259 : memref<128xi32, #tpu.memory_space<hbm>>) dst(%arg18 : memref<128xi32, #tpu.memory_space<vmem>>)
          %dma_start3A_260 = arith.constant 0 : i32
          %dma_start3A_261 = arith.constant 0 : i32
          %dma_start3A_262 = tpu.memref_slice %arg5[%dma_start3A_260, %dma_start3A_261] : memref<10000x128xf32, #tpu.memory_space<hbm>> -> memref<10000x128xf32, #tpu.memory_space<hbm>>
          tpu.enqueue_indirect_dma source(%dma_start3A_262 : memref<10000x128xf32, #tpu.memory_space<hbm>>) target(%arg12 : memref<128x128xf32, #tpu.memory_space<vmem>>) offsets(%arg16 : memref<128xi32, #tpu.memory_space<vmem>>) semaphore(%arg23 : memref<!tpu.dma_semaphore, #tpu.memory_space<semaphore_mem>>)
        } else {
        }
        %dma_wait3A_210 = arith.constant 0 : i32
        %dma_wait3A_211 = arith.constant 0 : i32
        %dma_wait3A_212 = tpu.memref_slice %arg5[%dma_wait3A_210, %dma_wait3A_211] : memref<10000x128xf32, #tpu.memory_space<hbm>> -> memref<10000x128xf32, #tpu.memory_space<hbm>>
        tpu.wait_indirect_dma semaphore(%arg24 : memref<!tpu.dma_semaphore, #tpu.memory_space<semaphore_mem>>) src(%dma_wait3A_212 : memref<10000x128xf32, #tpu.memory_space<hbm>>) dst(%arg13 : memref<128x128xf32, #tpu.memory_space<vmem>>)
        %dma_start3A_213 = arith.constant 0 : i32
        %dma_start3A_214 = arith.constant 0 : i32
        %dma_start3A_215 = tpu.memref_slice %arg21[%dma_start3A_213, %dma_start3A_214] : memref<10240x128xf32, #tpu.memory_space<vmem_shared>> -> memref<10240x128xf32, #tpu.memory_space<vmem_shared>>
        tpu.enqueue_indirect_dma source(%arg13 : memref<128x128xf32, #tpu.memory_space<vmem>>) target(%dma_start3A_215 : memref<10240x128xf32, #tpu.memory_space<vmem_shared>>) offsets(%arg20 : memref<128xi32, #tpu.memory_space<vmem>>) semaphore(%arg27 : memref<!tpu.dma_semaphore, #tpu.memory_space<semaphore_mem>>) {add = true}
        "tpu.region"() ({
          %run_scoped3A = tpu.sem_alloc : memref<!tpu.dma_semaphore, #tpu.memory_space<semaphore_mem>>
          %dma_start3A_248 = arith.constant 0 : i32
          %dma_start3A_249 = tpu.memref_slice %arg22[%dma_start3A_248] : memref<10240xf32, #tpu.memory_space<vmem_shared>> -> memref<10240xf32, #tpu.memory_space<vmem_shared>>
          tpu.enqueue_indirect_dma source(%arg15 : memref<128xf32, #tpu.memory_space<vmem>>) target(%dma_start3A_249 : memref<10240xf32, #tpu.memory_space<vmem_shared>>) offsets(%arg20 : memref<128xi32, #tpu.memory_space<vmem>>) semaphore(%run_scoped3A : memref<!tpu.dma_semaphore, #tpu.memory_space<semaphore_mem>>) {add = true}
          %dma_wait3A_250 = arith.constant 0 : i32
          %dma_wait3A_251 = tpu.memref_slice %arg22[%dma_wait3A_250] : memref<10240xf32, #tpu.memory_space<vmem_shared>> -> memref<10240xf32, #tpu.memory_space<vmem_shared>>
          tpu.wait_indirect_dma semaphore(%run_scoped3A : memref<!tpu.dma_semaphore, #tpu.memory_space<semaphore_mem>>) src(%arg15 : memref<128xf32, #tpu.memory_space<vmem>>) dst(%dma_wait3A_251 : memref<10240xf32, #tpu.memory_space<vmem_shared>>)
          tpu.yield
        }) : () -> ()
        %add3A_216 = arith.constant 2 : i32
        %add3A_217 = arith.addi %add3A_199, %add3A_216 : i32
        %lt3A_218 = arith.constant 157 : i32
        %lt3A_219 = arith.cmpi slt, %add3A_217, %lt3A_218 : i32
        %convert_element_type3A_220 = arith.extui %lt3A_219 : i1 to i32
        %cond3A_221 = arith.constant 0 : i32
        %cond3A_222 = arith.cmpi ne, %convert_element_type3A_220, %cond3A_221 : i32
        scf.if %cond3A_222 {
          %add3A_248 = arith.constant 2 : i32
          %add3A_249 = arith.addi %add3A_199, %add3A_248 : i32
          %mul3A_250 = arith.constant 128 : i32
          %mul3A_251 = arith.muli %add3A_249, %mul3A_250 : i32
          %add3A_252 = arith.addi %mul3A_35, %mul3A_251 : i32
          %dma_start3A_253 = tpu.memref_slice %arg6[%add3A_252] : memref<321536xi32, #tpu.memory_space<hbm>> -> memref<128xi32, #tpu.memory_space<hbm>>
          %dma_start3A_254 = tpu.memref_slice %arg6[%add3A_252] : memref<321536xi32, #tpu.memory_space<hbm>> -> memref<128xi32, #tpu.memory_space<hbm>>
          tpu.enqueue_dma source(%dma_start3A_254 : memref<128xi32, #tpu.memory_space<hbm>>) target(%arg17 : memref<128xi32, #tpu.memory_space<vmem>>) target_semaphore(%arg25 : memref<!tpu.dma_semaphore, #tpu.memory_space<semaphore_mem>>)
          %mul3A_255 = arith.constant 128 : i32
          %mul3A_256 = arith.muli %add3A_249, %mul3A_255 : i32
          %add3A_257 = arith.addi %mul3A_35, %mul3A_256 : i32
          %dma_start3A_258 = tpu.memref_slice %arg7[%add3A_257] : memref<321536xi32, #tpu.memory_space<hbm>> -> memref<128xi32, #tpu.memory_space<hbm>>
          %dma_start3A_259 = tpu.memref_slice %arg7[%add3A_257] : memref<321536xi32, #tpu.memory_space<hbm>> -> memref<128xi32, #tpu.memory_space<hbm>>
          tpu.enqueue_dma source(%dma_start3A_259 : memref<128xi32, #tpu.memory_space<hbm>>) target(%arg19 : memref<128xi32, #tpu.memory_space<vmem>>) target_semaphore(%arg25 : memref<!tpu.dma_semaphore, #tpu.memory_space<semaphore_mem>>)
        } else {
        }
        %add3A_223 = arith.constant 5 : i32
        %add3A_224 = arith.addi %add3A_98, %add3A_223 : i32
        %dma_wait3A_225 = arith.constant 0 : i32
        %dma_wait3A_226 = arith.constant 0 : i32
        %dma_wait3A_227 = tpu.memref_slice %arg21[%dma_wait3A_225, %dma_wait3A_226] : memref<10240x128xf32, #tpu.memory_space<vmem_shared>> -> memref<10240x128xf32, #tpu.memory_space<vmem_shared>>
        tpu.wait_indirect_dma semaphore(%arg27 : memref<!tpu.dma_semaphore, #tpu.memory_space<semaphore_mem>>) src(%arg13 : memref<128x128xf32, #tpu.memory_space<vmem>>) dst(%dma_wait3A_227 : memref<10240x128xf32, #tpu.memory_space<vmem_shared>>)
        %add3A_228 = arith.constant 1 : i32
        %add3A_229 = arith.addi %add3A_224, %add3A_228 : i32
        %lt3A_230 = arith.constant 157 : i32
        %lt3A_231 = arith.cmpi slt, %add3A_229, %lt3A_230 : i32
        %convert_element_type3A_232 = arith.extui %lt3A_231 : i1 to i32
        %cond3A_233 = arith.constant 0 : i32
        %cond3A_234 = arith.cmpi ne, %convert_element_type3A_232, %cond3A_233 : i32
        scf.if %cond3A_234 {
          %add3A_248 = arith.constant 1 : i32
          %add3A_249 = arith.addi %add3A_224, %add3A_248 : i32
          %mul3A_250 = arith.constant 128 : i32
          %mul3A_251 = arith.muli %add3A_249, %mul3A_250 : i32
          %add3A_252 = arith.addi %mul3A_35, %mul3A_251 : i32
          %dma_wait3A_253 = tpu.memref_slice %arg6[%add3A_252] : memref<321536xi32, #tpu.memory_space<hbm>> -> memref<128xi32, #tpu.memory_space<hbm>>
          %dma_wait3A_254 = tpu.memref_slice %arg6[%add3A_252] : memref<321536xi32, #tpu.memory_space<hbm>> -> memref<128xi32, #tpu.memory_space<hbm>>
          tpu.wait_dma2 semaphore(%arg25 : memref<!tpu.dma_semaphore, #tpu.memory_space<semaphore_mem>>) src(%dma_wait3A_254 : memref<128xi32, #tpu.memory_space<hbm>>) dst(%arg17 : memref<128xi32, #tpu.memory_space<vmem>>)
          %mul3A_255 = arith.constant 128 : i32
          %mul3A_256 = arith.muli %add3A_249, %mul3A_255 : i32
          %add3A_257 = arith.addi %mul3A_35, %mul3A_256 : i32
          %dma_wait3A_258 = tpu.memref_slice %arg7[%add3A_257] : memref<321536xi32, #tpu.memory_space<hbm>> -> memref<128xi32, #tpu.memory_space<hbm>>
          %dma_wait3A_259 = tpu.memref_slice %arg7[%add3A_257] : memref<321536xi32, #tpu.memory_space<hbm>> -> memref<128xi32, #tpu.memory_space<hbm>>
          tpu.wait_dma2 semaphore(%arg25 : memref<!tpu.dma_semaphore, #tpu.memory_space<semaphore_mem>>) src(%dma_wait3A_259 : memref<128xi32, #tpu.memory_space<hbm>>) dst(%arg19 : memref<128xi32, #tpu.memory_space<vmem>>)
          %dma_start3A_260 = arith.constant 0 : i32
          %dma_start3A_261 = arith.constant 0 : i32
          %dma_start3A_262 = tpu.memref_slice %arg5[%dma_start3A_260, %dma_start3A_261] : memref<10000x128xf32, #tpu.memory_space<hbm>> -> memref<10000x128xf32, #tpu.memory_space<hbm>>
          tpu.enqueue_indirect_dma source(%dma_start3A_262 : memref<10000x128xf32, #tpu.memory_space<hbm>>) target(%arg13 : memref<128x128xf32, #tpu.memory_space<vmem>>) offsets(%arg17 : memref<128xi32, #tpu.memory_space<vmem>>) semaphore(%arg24 : memref<!tpu.dma_semaphore, #tpu.memory_space<semaphore_mem>>)
        } else {
        }
        %dma_wait3A_235 = arith.constant 0 : i32
        %dma_wait3A_236 = arith.constant 0 : i32
        %dma_wait3A_237 = tpu.memref_slice %arg5[%dma_wait3A_235, %dma_wait3A_236] : memref<10000x128xf32, #tpu.memory_space<hbm>> -> memref<10000x128xf32, #tpu.memory_space<hbm>>
        tpu.wait_indirect_dma semaphore(%arg23 : memref<!tpu.dma_semaphore, #tpu.memory_space<semaphore_mem>>) src(%dma_wait3A_237 : memref<10000x128xf32, #tpu.memory_space<hbm>>) dst(%arg12 : memref<128x128xf32, #tpu.memory_space<vmem>>)
        %dma_start3A_238 = arith.constant 0 : i32
        %dma_start3A_239 = arith.constant 0 : i32
        %dma_start3A_240 = tpu.memref_slice %arg21[%dma_start3A_238, %dma_start3A_239] : memref<10240x128xf32, #tpu.memory_space<vmem_shared>> -> memref<10240x128xf32, #tpu.memory_space<vmem_shared>>
        tpu.enqueue_indirect_dma source(%arg12 : memref<128x128xf32, #tpu.memory_space<vmem>>) target(%dma_start3A_240 : memref<10240x128xf32, #tpu.memory_space<vmem_shared>>) offsets(%arg18 : memref<128xi32, #tpu.memory_space<vmem>>) semaphore(%arg26 : memref<!tpu.dma_semaphore, #tpu.memory_space<semaphore_mem>>) {add = true}
        "tpu.region"() ({
          %run_scoped3A = tpu.sem_alloc : memref<!tpu.dma_semaphore, #tpu.memory_space<semaphore_mem>>
          %dma_start3A_248 = arith.constant 0 : i32
          %dma_start3A_249 = tpu.memref_slice %arg22[%dma_start3A_248] : memref<10240xf32, #tpu.memory_space<vmem_shared>> -> memref<10240xf32, #tpu.memory_space<vmem_shared>>
          tpu.enqueue_indirect_dma source(%arg15 : memref<128xf32, #tpu.memory_space<vmem>>) target(%dma_start3A_249 : memref<10240xf32, #tpu.memory_space<vmem_shared>>) offsets(%arg18 : memref<128xi32, #tpu.memory_space<vmem>>) semaphore(%run_scoped3A : memref<!tpu.dma_semaphore, #tpu.memory_space<semaphore_mem>>) {add = true}
          %dma_wait3A_250 = arith.constant 0 : i32
          %dma_wait3A_251 = tpu.memref_slice %arg22[%dma_wait3A_250] : memref<10240xf32, #tpu.memory_space<vmem_shared>> -> memref<10240xf32, #tpu.memory_space<vmem_shared>>
          tpu.wait_indirect_dma semaphore(%run_scoped3A : memref<!tpu.dma_semaphore, #tpu.memory_space<semaphore_mem>>) src(%arg15 : memref<128xf32, #tpu.memory_space<vmem>>) dst(%dma_wait3A_251 : memref<10240xf32, #tpu.memory_space<vmem_shared>>)
          tpu.yield
        }) : () -> ()
        %add3A_241 = arith.constant 2 : i32
        %add3A_242 = arith.addi %add3A_224, %add3A_241 : i32
        %lt3A_243 = arith.constant 157 : i32
        %lt3A_244 = arith.cmpi slt, %add3A_242, %lt3A_243 : i32
        %convert_element_type3A_245 = arith.extui %lt3A_244 : i1 to i32
        %cond3A_246 = arith.constant 0 : i32
        %cond3A_247 = arith.cmpi ne, %convert_element_type3A_245, %cond3A_246 : i32
        scf.if %cond3A_247 {
          %add3A_248 = arith.constant 2 : i32
          %add3A_249 = arith.addi %add3A_224, %add3A_248 : i32
          %mul3A_250 = arith.constant 128 : i32
          %mul3A_251 = arith.muli %add3A_249, %mul3A_250 : i32
          %add3A_252 = arith.addi %mul3A_35, %mul3A_251 : i32
          %dma_start3A_253 = tpu.memref_slice %arg6[%add3A_252] : memref<321536xi32, #tpu.memory_space<hbm>> -> memref<128xi32, #tpu.memory_space<hbm>>
          %dma_start3A_254 = tpu.memref_slice %arg6[%add3A_252] : memref<321536xi32, #tpu.memory_space<hbm>> -> memref<128xi32, #tpu.memory_space<hbm>>
          tpu.enqueue_dma source(%dma_start3A_254 : memref<128xi32, #tpu.memory_space<hbm>>) target(%arg16 : memref<128xi32, #tpu.memory_space<vmem>>) target_semaphore(%arg25 : memref<!tpu.dma_semaphore, #tpu.memory_space<semaphore_mem>>)
          %mul3A_255 = arith.constant 128 : i32
          %mul3A_256 = arith.muli %add3A_249, %mul3A_255 : i32
          %add3A_257 = arith.addi %mul3A_35, %mul3A_256 : i32
          %dma_start3A_258 = tpu.memref_slice %arg7[%add3A_257] : memref<321536xi32, #tpu.memory_space<hbm>> -> memref<128xi32, #tpu.memory_space<hbm>>
          %dma_start3A_259 = tpu.memref_slice %arg7[%add3A_257] : memref<321536xi32, #tpu.memory_space<hbm>> -> memref<128xi32, #tpu.memory_space<hbm>>
          tpu.enqueue_dma source(%dma_start3A_259 : memref<128xi32, #tpu.memory_space<hbm>>) target(%arg20 : memref<128xi32, #tpu.memory_space<vmem>>) target_semaphore(%arg25 : memref<!tpu.dma_semaphore, #tpu.memory_space<semaphore_mem>>)
        } else {
        }
      }
      %scan3A_79 = arith.constant 26 : i32
      %dma_wait3A_80 = arith.constant 0 : i32
      %dma_wait3A_81 = arith.constant 0 : i32
      %dma_wait3A_82 = tpu.memref_slice %arg21[%dma_wait3A_80, %dma_wait3A_81] : memref<10240x128xf32, #tpu.memory_space<vmem_shared>> -> memref<10240x128xf32, #tpu.memory_space<vmem_shared>>
      tpu.wait_indirect_dma semaphore(%arg26 : memref<!tpu.dma_semaphore, #tpu.memory_space<semaphore_mem>>) src(%arg12 : memref<128x128xf32, #tpu.memory_space<vmem>>) dst(%dma_wait3A_82 : memref<10240x128xf32, #tpu.memory_space<vmem_shared>>)
      %barrier3A_83 = arith.constant 0 : index
      tpu.barrier barrier_id(%barrier3A_83)
      %add3A_84 = arith.constant 0 : i32
      %add3A_85 = arith.addi %mul3A_7, %add3A_84 : i32
      "tpu.region"() ({
        %run_scoped3A = tpu.sem_alloc : memref<!tpu.dma_semaphore, #tpu.memory_space<semaphore_mem>>
        %dma_start3A_94 = arith.constant 0 : i32
        %dma_start3A_95 = tpu.memref_slice %arg21[%add3A_85, %dma_start3A_94] : memref<10240x128xf32, #tpu.memory_space<vmem_shared>> -> memref<128x128xf32, #tpu.memory_space<vmem_shared>>
        %dma_start3A_96 = arith.constant 0 : i32
        %dma_start3A_97 = tpu.memref_slice %arg21[%add3A_85, %dma_start3A_96] : memref<10240x128xf32, #tpu.memory_space<vmem_shared>> -> memref<128x128xf32, #tpu.memory_space<vmem_shared>>
        tpu.enqueue_dma source(%dma_start3A_97 : memref<128x128xf32, #tpu.memory_space<vmem_shared>>) target(%arg12 : memref<128x128xf32, #tpu.memory_space<vmem>>) target_semaphore(%run_scoped3A : memref<!tpu.dma_semaphore, #tpu.memory_space<semaphore_mem>>)
        %dma_wait3A_98 = arith.constant 0 : i32
        %dma_wait3A_99 = tpu.memref_slice %arg21[%add3A_85, %dma_wait3A_98] : memref<10240x128xf32, #tpu.memory_space<vmem_shared>> -> memref<128x128xf32, #tpu.memory_space<vmem_shared>>
        %dma_wait3A_100 = arith.constant 0 : i32
        %dma_wait3A_101 = tpu.memref_slice %arg21[%add3A_85, %dma_wait3A_100] : memref<10240x128xf32, #tpu.memory_space<vmem_shared>> -> memref<128x128xf32, #tpu.memory_space<vmem_shared>>
        tpu.wait_dma2 semaphore(%run_scoped3A : memref<!tpu.dma_semaphore, #tpu.memory_space<semaphore_mem>>) src(%dma_wait3A_101 : memref<128x128xf32, #tpu.memory_space<vmem_shared>>) dst(%arg12 : memref<128x128xf32, #tpu.memory_space<vmem>>)
        tpu.yield
      }) : () -> ()
      "tpu.region"() ({
        %run_scoped3A = tpu.sem_alloc : memref<!tpu.dma_semaphore, #tpu.memory_space<semaphore_mem>>
        %dma_start3A_94 = arith.constant 0 : i32
        %dma_start3A_95 = tpu.memref_slice %arg10[%add3A_85, %dma_start3A_94] : memref<10240x128xf32, #tpu.memory_space<hbm>> -> memref<128x128xf32, #tpu.memory_space<hbm>>
        %dma_start3A_96 = arith.constant 0 : i32
        %dma_start3A_97 = tpu.memref_slice %arg10[%add3A_85, %dma_start3A_96] : memref<10240x128xf32, #tpu.memory_space<hbm>> -> memref<128x128xf32, #tpu.memory_space<hbm>>
        tpu.enqueue_dma source(%arg12 : memref<128x128xf32, #tpu.memory_space<vmem>>) target(%dma_start3A_97 : memref<128x128xf32, #tpu.memory_space<hbm>>) target_semaphore(%run_scoped3A : memref<!tpu.dma_semaphore, #tpu.memory_space<semaphore_mem>>)
        %dma_wait3A_98 = arith.constant 0 : i32
        %dma_wait3A_99 = tpu.memref_slice %arg10[%add3A_85, %dma_wait3A_98] : memref<10240x128xf32, #tpu.memory_space<hbm>> -> memref<128x128xf32, #tpu.memory_space<hbm>>
        %dma_wait3A_100 = arith.constant 0 : i32
        %dma_wait3A_101 = tpu.memref_slice %arg10[%add3A_85, %dma_wait3A_100] : memref<10240x128xf32, #tpu.memory_space<hbm>> -> memref<128x128xf32, #tpu.memory_space<hbm>>
        tpu.wait_dma2 semaphore(%run_scoped3A : memref<!tpu.dma_semaphore, #tpu.memory_space<semaphore_mem>>) src(%arg12 : memref<128x128xf32, #tpu.memory_space<vmem>>) dst(%dma_wait3A_101 : memref<128x128xf32, #tpu.memory_space<hbm>>)
        tpu.yield
      }) : () -> ()
      %add3A_86 = arith.constant 128 : i32
      %add3A_87 = arith.addi %mul3A_7, %add3A_86 : i32
      "tpu.region"() ({
        %run_scoped3A = tpu.sem_alloc : memref<!tpu.dma_semaphore, #tpu.memory_space<semaphore_mem>>
        %dma_start3A_94 = arith.constant 0 : i32
        %dma_start3A_95 = tpu.memref_slice %arg21[%add3A_87, %dma_start3A_94] : memref<10240x128xf32, #tpu.memory_space<vmem_shared>> -> memref<128x128xf32, #tpu.memory_space<vmem_shared>>
        %dma_start3A_96 = arith.constant 0 : i32
        %dma_start3A_97 = tpu.memref_slice %arg21[%add3A_87, %dma_start3A_96] : memref<10240x128xf32, #tpu.memory_space<vmem_shared>> -> memref<128x128xf32, #tpu.memory_space<vmem_shared>>
        tpu.enqueue_dma source(%dma_start3A_97 : memref<128x128xf32, #tpu.memory_space<vmem_shared>>) target(%arg12 : memref<128x128xf32, #tpu.memory_space<vmem>>) target_semaphore(%run_scoped3A : memref<!tpu.dma_semaphore, #tpu.memory_space<semaphore_mem>>)
        %dma_wait3A_98 = arith.constant 0 : i32
        %dma_wait3A_99 = tpu.memref_slice %arg21[%add3A_87, %dma_wait3A_98] : memref<10240x128xf32, #tpu.memory_space<vmem_shared>> -> memref<128x128xf32, #tpu.memory_space<vmem_shared>>
        %dma_wait3A_100 = arith.constant 0 : i32
        %dma_wait3A_101 = tpu.memref_slice %arg21[%add3A_87, %dma_wait3A_100] : memref<10240x128xf32, #tpu.memory_space<vmem_shared>> -> memref<128x128xf32, #tpu.memory_space<vmem_shared>>
        tpu.wait_dma2 semaphore(%run_scoped3A : memref<!tpu.dma_semaphore, #tpu.memory_space<semaphore_mem>>) src(%dma_wait3A_101 : memref<128x128xf32, #tpu.memory_space<vmem_shared>>) dst(%arg12 : memref<128x128xf32, #tpu.memory_space<vmem>>)
        tpu.yield
      }) : () -> ()
      "tpu.region"() ({
        %run_scoped3A = tpu.sem_alloc : memref<!tpu.dma_semaphore, #tpu.memory_space<semaphore_mem>>
        %dma_start3A_94 = arith.constant 0 : i32
        %dma_start3A_95 = tpu.memref_slice %arg10[%add3A_87, %dma_start3A_94] : memref<10240x128xf32, #tpu.memory_space<hbm>> -> memref<128x128xf32, #tpu.memory_space<hbm>>
        %dma_start3A_96 = arith.constant 0 : i32
        %dma_start3A_97 = tpu.memref_slice %arg10[%add3A_87, %dma_start3A_96] : memref<10240x128xf32, #tpu.memory_space<hbm>> -> memref<128x128xf32, #tpu.memory_space<hbm>>
        tpu.enqueue_dma source(%arg12 : memref<128x128xf32, #tpu.memory_space<vmem>>) target(%dma_start3A_97 : memref<128x128xf32, #tpu.memory_space<hbm>>) target_semaphore(%run_scoped3A : memref<!tpu.dma_semaphore, #tpu.memory_space<semaphore_mem>>)
        %dma_wait3A_98 = arith.constant 0 : i32
        %dma_wait3A_99 = tpu.memref_slice %arg10[%add3A_87, %dma_wait3A_98] : memref<10240x128xf32, #tpu.memory_space<hbm>> -> memref<128x128xf32, #tpu.memory_space<hbm>>
        %dma_wait3A_100 = arith.constant 0 : i32
        %dma_wait3A_101 = tpu.memref_slice %arg10[%add3A_87, %dma_wait3A_100] : memref<10240x128xf32, #tpu.memory_space<hbm>> -> memref<128x128xf32, #tpu.memory_space<hbm>>
        tpu.wait_dma2 semaphore(%run_scoped3A : memref<!tpu.dma_semaphore, #tpu.memory_space<semaphore_mem>>) src(%arg12 : memref<128x128xf32, #tpu.memory_space<vmem>>) dst(%dma_wait3A_101 : memref<128x128xf32, #tpu.memory_space<hbm>>)
        tpu.yield
      }) : () -> ()
      %add3A_88 = arith.constant 256 : i32
      %add3A_89 = arith.addi %mul3A_7, %add3A_88 : i32
      "tpu.region"() ({
        %run_scoped3A = tpu.sem_alloc : memref<!tpu.dma_semaphore, #tpu.memory_space<semaphore_mem>>
        %dma_start3A_94 = arith.constant 0 : i32
        %dma_start3A_95 = tpu.memref_slice %arg21[%add3A_89, %dma_start3A_94] : memref<10240x128xf32, #tpu.memory_space<vmem_shared>> -> memref<128x128xf32, #tpu.memory_space<vmem_shared>>
        %dma_start3A_96 = arith.constant 0 : i32
        %dma_start3A_97 = tpu.memref_slice %arg21[%add3A_89, %dma_start3A_96] : memref<10240x128xf32, #tpu.memory_space<vmem_shared>> -> memref<128x128xf32, #tpu.memory_space<vmem_shared>>
        tpu.enqueue_dma source(%dma_start3A_97 : memref<128x128xf32, #tpu.memory_space<vmem_shared>>) target(%arg12 : memref<128x128xf32, #tpu.memory_space<vmem>>) target_semaphore(%run_scoped3A : memref<!tpu.dma_semaphore, #tpu.memory_space<semaphore_mem>>)
        %dma_wait3A_98 = arith.constant 0 : i32
        %dma_wait3A_99 = tpu.memref_slice %arg21[%add3A_89, %dma_wait3A_98] : memref<10240x128xf32, #tpu.memory_space<vmem_shared>> -> memref<128x128xf32, #tpu.memory_space<vmem_shared>>
        %dma_wait3A_100 = arith.constant 0 : i32
        %dma_wait3A_101 = tpu.memref_slice %arg21[%add3A_89, %dma_wait3A_100] : memref<10240x128xf32, #tpu.memory_space<vmem_shared>> -> memref<128x128xf32, #tpu.memory_space<vmem_shared>>
        tpu.wait_dma2 semaphore(%run_scoped3A : memref<!tpu.dma_semaphore, #tpu.memory_space<semaphore_mem>>) src(%dma_wait3A_101 : memref<128x128xf32, #tpu.memory_space<vmem_shared>>) dst(%arg12 : memref<128x128xf32, #tpu.memory_space<vmem>>)
        tpu.yield
      }) : () -> ()
      "tpu.region"() ({
        %run_scoped3A = tpu.sem_alloc : memref<!tpu.dma_semaphore, #tpu.memory_space<semaphore_mem>>
        %dma_start3A_94 = arith.constant 0 : i32
        %dma_start3A_95 = tpu.memref_slice %arg10[%add3A_89, %dma_start3A_94] : memref<10240x128xf32, #tpu.memory_space<hbm>> -> memref<128x128xf32, #tpu.memory_space<hbm>>
        %dma_start3A_96 = arith.constant 0 : i32
        %dma_start3A_97 = tpu.memref_slice %arg10[%add3A_89, %dma_start3A_96] : memref<10240x128xf32, #tpu.memory_space<hbm>> -> memref<128x128xf32, #tpu.memory_space<hbm>>
        tpu.enqueue_dma source(%arg12 : memref<128x128xf32, #tpu.memory_space<vmem>>) target(%dma_start3A_97 : memref<128x128xf32, #tpu.memory_space<hbm>>) target_semaphore(%run_scoped3A : memref<!tpu.dma_semaphore, #tpu.memory_space<semaphore_mem>>)
        %dma_wait3A_98 = arith.constant 0 : i32
        %dma_wait3A_99 = tpu.memref_slice %arg10[%add3A_89, %dma_wait3A_98] : memref<10240x128xf32, #tpu.memory_space<hbm>> -> memref<128x128xf32, #tpu.memory_space<hbm>>
        %dma_wait3A_100 = arith.constant 0 : i32
        %dma_wait3A_101 = tpu.memref_slice %arg10[%add3A_89, %dma_wait3A_100] : memref<10240x128xf32, #tpu.memory_space<hbm>> -> memref<128x128xf32, #tpu.memory_space<hbm>>
        tpu.wait_dma2 semaphore(%run_scoped3A : memref<!tpu.dma_semaphore, #tpu.memory_space<semaphore_mem>>) src(%arg12 : memref<128x128xf32, #tpu.memory_space<vmem>>) dst(%dma_wait3A_101 : memref<128x128xf32, #tpu.memory_space<hbm>>)
        tpu.yield
      }) : () -> ()
      %add3A_90 = arith.constant 384 : i32
      %add3A_91 = arith.addi %mul3A_7, %add3A_90 : i32
      "tpu.region"() ({
        %run_scoped3A = tpu.sem_alloc : memref<!tpu.dma_semaphore, #tpu.memory_space<semaphore_mem>>
        %dma_start3A_94 = arith.constant 0 : i32
        %dma_start3A_95 = tpu.memref_slice %arg21[%add3A_91, %dma_start3A_94] : memref<10240x128xf32, #tpu.memory_space<vmem_shared>> -> memref<128x128xf32, #tpu.memory_space<vmem_shared>>
        %dma_start3A_96 = arith.constant 0 : i32
        %dma_start3A_97 = tpu.memref_slice %arg21[%add3A_91, %dma_start3A_96] : memref<10240x128xf32, #tpu.memory_space<vmem_shared>> -> memref<128x128xf32, #tpu.memory_space<vmem_shared>>
        tpu.enqueue_dma source(%dma_start3A_97 : memref<128x128xf32, #tpu.memory_space<vmem_shared>>) target(%arg12 : memref<128x128xf32, #tpu.memory_space<vmem>>) target_semaphore(%run_scoped3A : memref<!tpu.dma_semaphore, #tpu.memory_space<semaphore_mem>>)
        %dma_wait3A_98 = arith.constant 0 : i32
        %dma_wait3A_99 = tpu.memref_slice %arg21[%add3A_91, %dma_wait3A_98] : memref<10240x128xf32, #tpu.memory_space<vmem_shared>> -> memref<128x128xf32, #tpu.memory_space<vmem_shared>>
        %dma_wait3A_100 = arith.constant 0 : i32
        %dma_wait3A_101 = tpu.memref_slice %arg21[%add3A_91, %dma_wait3A_100] : memref<10240x128xf32, #tpu.memory_space<vmem_shared>> -> memref<128x128xf32, #tpu.memory_space<vmem_shared>>
        tpu.wait_dma2 semaphore(%run_scoped3A : memref<!tpu.dma_semaphore, #tpu.memory_space<semaphore_mem>>) src(%dma_wait3A_101 : memref<128x128xf32, #tpu.memory_space<vmem_shared>>) dst(%arg12 : memref<128x128xf32, #tpu.memory_space<vmem>>)
        tpu.yield
      }) : () -> ()
      "tpu.region"() ({
        %run_scoped3A = tpu.sem_alloc : memref<!tpu.dma_semaphore, #tpu.memory_space<semaphore_mem>>
        %dma_start3A_94 = arith.constant 0 : i32
        %dma_start3A_95 = tpu.memref_slice %arg10[%add3A_91, %dma_start3A_94] : memref<10240x128xf32, #tpu.memory_space<hbm>> -> memref<128x128xf32, #tpu.memory_space<hbm>>
        %dma_start3A_96 = arith.constant 0 : i32
        %dma_start3A_97 = tpu.memref_slice %arg10[%add3A_91, %dma_start3A_96] : memref<10240x128xf32, #tpu.memory_space<hbm>> -> memref<128x128xf32, #tpu.memory_space<hbm>>
        tpu.enqueue_dma source(%arg12 : memref<128x128xf32, #tpu.memory_space<vmem>>) target(%dma_start3A_97 : memref<128x128xf32, #tpu.memory_space<hbm>>) target_semaphore(%run_scoped3A : memref<!tpu.dma_semaphore, #tpu.memory_space<semaphore_mem>>)
        %dma_wait3A_98 = arith.constant 0 : i32
        %dma_wait3A_99 = tpu.memref_slice %arg10[%add3A_91, %dma_wait3A_98] : memref<10240x128xf32, #tpu.memory_space<hbm>> -> memref<128x128xf32, #tpu.memory_space<hbm>>
        %dma_wait3A_100 = arith.constant 0 : i32
        %dma_wait3A_101 = tpu.memref_slice %arg10[%add3A_91, %dma_wait3A_100] : memref<10240x128xf32, #tpu.memory_space<hbm>> -> memref<128x128xf32, #tpu.memory_space<hbm>>
        tpu.wait_dma2 semaphore(%run_scoped3A : memref<!tpu.dma_semaphore, #tpu.memory_space<semaphore_mem>>) src(%arg12 : memref<128x128xf32, #tpu.memory_space<vmem>>) dst(%dma_wait3A_101 : memref<128x128xf32, #tpu.memory_space<hbm>>)
        tpu.yield
      }) : () -> ()
      %add3A_92 = arith.constant 512 : i32
      %add3A_93 = arith.addi %mul3A_7, %add3A_92 : i32
      "tpu.region"() ({
        %run_scoped3A = tpu.sem_alloc : memref<!tpu.dma_semaphore, #tpu.memory_space<semaphore_mem>>
        %dma_start3A_94 = arith.constant 0 : i32
        %dma_start3A_95 = tpu.memref_slice %arg21[%add3A_93, %dma_start3A_94] : memref<10240x128xf32, #tpu.memory_space<vmem_shared>> -> memref<128x128xf32, #tpu.memory_space<vmem_shared>>
        %dma_start3A_96 = arith.constant 0 : i32
        %dma_start3A_97 = tpu.memref_slice %arg21[%add3A_93, %dma_start3A_96] : memref<10240x128xf32, #tpu.memory_space<vmem_shared>> -> memref<128x128xf32, #tpu.memory_space<vmem_shared>>
        tpu.enqueue_dma source(%dma_start3A_97 : memref<128x128xf32, #tpu.memory_space<vmem_shared>>) target(%arg12 : memref<128x128xf32, #tpu.memory_space<vmem>>) target_semaphore(%run_scoped3A : memref<!tpu.dma_semaphore, #tpu.memory_space<semaphore_mem>>)
        %dma_wait3A_98 = arith.constant 0 : i32
        %dma_wait3A_99 = tpu.memref_slice %arg21[%add3A_93, %dma_wait3A_98] : memref<10240x128xf32, #tpu.memory_space<vmem_shared>> -> memref<128x128xf32, #tpu.memory_space<vmem_shared>>
        %dma_wait3A_100 = arith.constant 0 : i32
        %dma_wait3A_101 = tpu.memref_slice %arg21[%add3A_93, %dma_wait3A_100] : memref<10240x128xf32, #tpu.memory_space<vmem_shared>> -> memref<128x128xf32, #tpu.memory_space<vmem_shared>>
        tpu.wait_dma2 semaphore(%run_scoped3A : memref<!tpu.dma_semaphore, #tpu.memory_space<semaphore_mem>>) src(%dma_wait3A_101 : memref<128x128xf32, #tpu.memory_space<vmem_shared>>) dst(%arg12 : memref<128x128xf32, #tpu.memory_space<vmem>>)
        tpu.yield
      }) : () -> ()
      "tpu.region"() ({
        %run_scoped3A = tpu.sem_alloc : memref<!tpu.dma_semaphore, #tpu.memory_space<semaphore_mem>>
        %dma_start3A_94 = arith.constant 0 : i32
        %dma_start3A_95 = tpu.memref_slice %arg10[%add3A_93, %dma_start3A_94] : memref<10240x128xf32, #tpu.memory_space<hbm>> -> memref<128x128xf32, #tpu.memory_space<hbm>>
        %dma_start3A_96 = arith.constant 0 : i32
        %dma_start3A_97 = tpu.memref_slice %arg10[%add3A_93, %dma_start3A_96] : memref<10240x128xf32, #tpu.memory_space<hbm>> -> memref<128x128xf32, #tpu.memory_space<hbm>>
        tpu.enqueue_dma source(%arg12 : memref<128x128xf32, #tpu.memory_space<vmem>>) target(%dma_start3A_97 : memref<128x128xf32, #tpu.memory_space<hbm>>) target_semaphore(%run_scoped3A : memref<!tpu.dma_semaphore, #tpu.memory_space<semaphore_mem>>)
        %dma_wait3A_98 = arith.constant 0 : i32
        %dma_wait3A_99 = tpu.memref_slice %arg10[%add3A_93, %dma_wait3A_98] : memref<10240x128xf32, #tpu.memory_space<hbm>> -> memref<128x128xf32, #tpu.memory_space<hbm>>
        %dma_wait3A_100 = arith.constant 0 : i32
        %dma_wait3A_101 = tpu.memref_slice %arg10[%add3A_93, %dma_wait3A_100] : memref<10240x128xf32, #tpu.memory_space<hbm>> -> memref<128x128xf32, #tpu.memory_space<hbm>>
        tpu.wait_dma2 semaphore(%run_scoped3A : memref<!tpu.dma_semaphore, #tpu.memory_space<semaphore_mem>>) src(%arg12 : memref<128x128xf32, #tpu.memory_space<vmem>>) dst(%dma_wait3A_101 : memref<128x128xf32, #tpu.memory_space<hbm>>)
        tpu.yield
      }) : () -> ()
      "tpu.region"() ({
        %run_scoped3A = tpu.sem_alloc : memref<!tpu.dma_semaphore, #tpu.memory_space<semaphore_mem>>
        %dma_start3A_94 = tpu.memref_slice %arg22[%mul3A_7] : memref<10240xf32, #tpu.memory_space<vmem_shared>> -> memref<640xf32, #tpu.memory_space<vmem_shared>>
        %dma_start3A_95 = tpu.memref_slice %arg22[%mul3A_7] : memref<10240xf32, #tpu.memory_space<vmem_shared>> -> memref<640xf32, #tpu.memory_space<vmem_shared>>
        tpu.enqueue_dma source(%dma_start3A_95 : memref<640xf32, #tpu.memory_space<vmem_shared>>) target(%arg14 : memref<640xf32, #tpu.memory_space<vmem>>) target_semaphore(%run_scoped3A : memref<!tpu.dma_semaphore, #tpu.memory_space<semaphore_mem>>)
        %dma_wait3A_96 = tpu.memref_slice %arg22[%mul3A_7] : memref<10240xf32, #tpu.memory_space<vmem_shared>> -> memref<640xf32, #tpu.memory_space<vmem_shared>>
        %dma_wait3A_97 = tpu.memref_slice %arg22[%mul3A_7] : memref<10240xf32, #tpu.memory_space<vmem_shared>> -> memref<640xf32, #tpu.memory_space<vmem_shared>>
        tpu.wait_dma2 semaphore(%run_scoped3A : memref<!tpu.dma_semaphore, #tpu.memory_space<semaphore_mem>>) src(%dma_wait3A_97 : memref<640xf32, #tpu.memory_space<vmem_shared>>) dst(%arg14 : memref<640xf32, #tpu.memory_space<vmem>>)
        tpu.yield
      }) : () -> ()
      "tpu.region"() ({
        %run_scoped3A = tpu.sem_alloc : memref<!tpu.dma_semaphore, #tpu.memory_space<semaphore_mem>>
        %dma_start3A_94 = tpu.memref_slice %arg11[%mul3A_7] : memref<10240xf32, #tpu.memory_space<hbm>> -> memref<640xf32, #tpu.memory_space<hbm>>
        %dma_start3A_95 = tpu.memref_slice %arg11[%mul3A_7] : memref<10240xf32, #tpu.memory_space<hbm>> -> memref<640xf32, #tpu.memory_space<hbm>>
        tpu.enqueue_dma source(%arg14 : memref<640xf32, #tpu.memory_space<vmem>>) target(%dma_start3A_95 : memref<640xf32, #tpu.memory_space<hbm>>) target_semaphore(%run_scoped3A : memref<!tpu.dma_semaphore, #tpu.memory_space<semaphore_mem>>)
        %dma_wait3A_96 = tpu.memref_slice %arg11[%mul3A_7] : memref<10240xf32, #tpu.memory_space<hbm>> -> memref<640xf32, #tpu.memory_space<hbm>>
        %dma_wait3A_97 = tpu.memref_slice %arg11[%mul3A_7] : memref<10240xf32, #tpu.memory_space<hbm>> -> memref<640xf32, #tpu.memory_space<hbm>>
        tpu.wait_dma2 semaphore(%run_scoped3A : memref<!tpu.dma_semaphore, #tpu.memory_space<semaphore_mem>>) src(%arg14 : memref<640xf32, #tpu.memory_space<vmem>>) dst(%dma_wait3A_97 : memref<640xf32, #tpu.memory_space<hbm>>)
        tpu.yield
      }) : () -> ()
    } else {
    }
    return
  }
}

module attributes {stable_mosaic.version = 14 : i64} {
  func.func @_mm_body(%arg0: i32, %arg1: memref<1000x128xf32, #tpu.memory_space<vmem>>, %arg2: memref<128x128xf32, #tpu.memory_space<vmem>>, %arg3: memref<1x128xf32, #tpu.memory_space<vmem>>, %arg4: memref<1000x128xf32, #tpu.memory_space<vmem>>) attributes {dimension_semantics = [#tpu.dimension_semantics<arbitrary>], iteration_bounds = array<i64: 10>, scalar_prefetch = 0 : i64, scratch_operands = 0 : i64, tpu.core_type = #tpu.core_type<tc>, window_params = [{transform_indices = @transform_0, window_bounds = array<i64: 1000, 128>}, {pipeline_mode = #tpu.pipeline_mode<synchronous>, transform_indices = @transform_1, window_bounds = array<i64: 128, 128>}, {pipeline_mode = #tpu.pipeline_mode<synchronous>, transform_indices = @transform_2, window_bounds = array<i64: 1, 128>}, {transform_indices = @transform_3, window_bounds = array<i64: 1000, 128>}]} {
    %get3A = arith.constant 0 : index
    %get3A_0 = arith.constant 0 : index
    %get3A_1 = vector.load %arg1[%get3A, %get3A_0] : memref<1000x128xf32, #tpu.memory_space<vmem>>, vector<1000x128xf32>
    %get3A_2 = arith.constant 0 : index
    %get3A_3 = arith.constant 0 : index
    %get3A_4 = vector.load %arg2[%get3A_2, %get3A_3] : memref<128x128xf32, #tpu.memory_space<vmem>>, vector<128x128xf32>
    %dot_general3A = arith.constant dense<0.000000e+00> : vector<1000x128xf32>
    %dot_general3A_5 = tpu.matmul %get3A_1, %get3A_4, %dot_general3A {dimension_numbers = #tpu.dot_dimension_numbers<[1], [0], [0], [1], [0, 0, 1, 1], [], []>, precision = #tpu.contract_precision<fp32>, transpose_lhs_hint = false} : vector<1000x128xf32>, vector<128x128xf32>, vector<1000x128xf32> -> vector<1000x128xf32>
    %get3A_6 = arith.constant 0 : index
    %get3A_7 = arith.constant 0 : index
    %get3A_8 = vector.load %arg3[%get3A_6, %get3A_7] : memref<1x128xf32, #tpu.memory_space<vmem>>, vector<1x128xf32>
    %add3A = vector.broadcast %get3A_8 : vector<1x128xf32> to vector<1000x128xf32>
    %add3A_9 = arith.addf %dot_general3A_5, %add3A : vector<1000x128xf32>
    %swap3A = arith.constant 0 : index
    %swap3A_10 = arith.constant 0 : index
    %swap3A_11 = vector.load %arg4[%swap3A, %swap3A_10] : memref<1000x128xf32, #tpu.memory_space<vmem>>, vector<1000x128xf32>
    tpu.vector_store %arg4[%swap3A, %swap3A_10], %add3A_9 {strides = array<i32>} : memref<1000x128xf32, #tpu.memory_space<vmem>>, vector<1000x128xf32>,
    return
  }
  func.func @transform_0(%arg0: i32) -> (i32, i32) {
    %c0_i32 = arith.constant 0 : i32
    %c0_i32_0 = arith.constant 0 : i32
    return %arg0, %c0_i32 : i32, i32
  }
  func.func @transform_1(%arg0: i32) -> (i32, i32) {
    %c0_i32 = arith.constant 0 : i32
    %c0_i32_0 = arith.constant 0 : i32
    %c0_i32_1 = arith.constant 0 : i32
    return %c0_i32, %c0_i32_0 : i32, i32
  }
  func.func @transform_2(%arg0: i32) -> (i32, i32) {
    %c0_i32 = arith.constant 0 : i32
    %c0_i32_0 = arith.constant 0 : i32
    %c0_i32_1 = arith.constant 0 : i32
    return %c0_i32, %c0_i32_0 : i32, i32
  }
  func.func @transform_3(%arg0: i32) -> (i32, i32) {
    %c0_i32 = arith.constant 0 : i32
    %c0_i32_0 = arith.constant 0 : i32
    return %arg0, %c0_i32 : i32, i32
  }
}

module attributes {stable_mosaic.version = 14 : i64} {
  func.func @_div_body(%arg0: i32, %arg1: memref<1024x128xf32, #tpu.memory_space<vmem>>, %arg2: memref<1024x1xf32, #tpu.memory_space<vmem>>, %arg3: memref<1024x128xf32, #tpu.memory_space<vmem>>, %arg4: memref<1024x1xf32, #tpu.memory_space<vmem>>, %arg5: memref<1024x128xf32, #tpu.memory_space<vmem>>, %arg6: memref<1024x128xf32, #tpu.memory_space<vmem>>) attributes {dimension_semantics = [#tpu.dimension_semantics<arbitrary>], iteration_bounds = array<i64: 10>, scalar_prefetch = 0 : i64, scratch_operands = 0 : i64, tpu.core_type = #tpu.core_type<tc>, window_params = [{transform_indices = @transform_0, window_bounds = array<i64: 1024, 128>}, {transform_indices = @transform_1, window_bounds = array<i64: 1024, 1>}, {transform_indices = @transform_2, window_bounds = array<i64: 1024, 128>}, {transform_indices = @transform_3, window_bounds = array<i64: 1024, 1>}, {transform_indices = @transform_4, window_bounds = array<i64: 1024, 128>}, {transform_indices = @transform_5, window_bounds = array<i64: 1024, 128>}]} {
    %get3A = arith.constant 0 : index
    %get3A_0 = arith.constant 0 : index
    %get3A_1 = vector.load %arg1[%get3A, %get3A_0] : memref<1024x128xf32, #tpu.memory_space<vmem>>, vector<1024x128xf32>
    %get3A_2 = arith.constant 0 : index
    %get3A_3 = arith.constant 0 : index
    %get3A_4 = vector.load %arg2[%get3A_2, %get3A_3] : memref<1024x1xf32, #tpu.memory_space<vmem>>, vector<1024x1xf32>
    %max3A = arith.constant 1.000000e+00 : f32
    %max3A_5 = vector.broadcast %max3A : f32 to vector<1024x1xf32>
    %max3A_6 = arith.maximumf %get3A_4, %max3A_5 : vector<1024x1xf32>
    %div3A = vector.broadcast %max3A_6 : vector<1024x1xf32> to vector<1024x128xf32>
    %div3A_7 = arith.divf %get3A_1, %div3A : vector<1024x128xf32>
    %swap3A = arith.constant 0 : index
    %swap3A_8 = arith.constant 0 : index
    %swap3A_9 = vector.load %arg5[%swap3A, %swap3A_8] : memref<1024x128xf32, #tpu.memory_space<vmem>>, vector<1024x128xf32>
    tpu.vector_store %arg5[%swap3A, %swap3A_8], %div3A_7 {strides = array<i32>} : memref<1024x128xf32, #tpu.memory_space<vmem>>, vector<1024x128xf32>,
    %get3A_10 = arith.constant 0 : index
    %get3A_11 = arith.constant 0 : index
    %get3A_12 = vector.load %arg3[%get3A_10, %get3A_11] : memref<1024x128xf32, #tpu.memory_space<vmem>>, vector<1024x128xf32>
    %get3A_13 = arith.constant 0 : index
    %get3A_14 = arith.constant 0 : index
    %get3A_15 = vector.load %arg4[%get3A_13, %get3A_14] : memref<1024x1xf32, #tpu.memory_space<vmem>>, vector<1024x1xf32>
    %max3A_16 = arith.constant 1.000000e+00 : f32
    %max3A_17 = vector.broadcast %max3A_16 : f32 to vector<1024x1xf32>
    %max3A_18 = arith.maximumf %get3A_15, %max3A_17 : vector<1024x1xf32>
    %div3A_19 = vector.broadcast %max3A_18 : vector<1024x1xf32> to vector<1024x128xf32>
    %div3A_20 = arith.divf %get3A_12, %div3A_19 : vector<1024x128xf32>
    %swap3A_21 = arith.constant 0 : index
    %swap3A_22 = arith.constant 0 : index
    %swap3A_23 = vector.load %arg6[%swap3A_21, %swap3A_22] : memref<1024x128xf32, #tpu.memory_space<vmem>>, vector<1024x128xf32>
    tpu.vector_store %arg6[%swap3A_21, %swap3A_22], %div3A_20 {strides = array<i32>} : memref<1024x128xf32, #tpu.memory_space<vmem>>, vector<1024x128xf32>,
    return
  }
  func.func @transform_0(%arg0: i32) -> (i32, i32) {
    %c0_i32 = arith.constant 0 : i32
    %c0_i32_0 = arith.constant 0 : i32
    return %arg0, %c0_i32 : i32, i32
  }
  func.func @transform_1(%arg0: i32) -> (i32, i32) {
    %c0_i32 = arith.constant 0 : i32
    %c0_i32_0 = arith.constant 0 : i32
    return %arg0, %c0_i32 : i32, i32
  }
  func.func @transform_2(%arg0: i32) -> (i32, i32) {
    %c0_i32 = arith.constant 0 : i32
    %c0_i32_0 = arith.constant 0 : i32
    return %arg0, %c0_i32 : i32, i32
  }
  func.func @transform_3(%arg0: i32) -> (i32, i32) {
    %c0_i32 = arith.constant 0 : i32
    %c0_i32_0 = arith.constant 0 : i32
    return %arg0, %c0_i32 : i32, i32
  }
  func.func @transform_4(%arg0: i32) -> (i32, i32) {
    %c0_i32 = arith.constant 0 : i32
    %c0_i32_0 = arith.constant 0 : i32
    return %arg0, %c0_i32 : i32, i32
  }
  func.func @transform_5(%arg0: i32) -> (i32, i32) {
    %c0_i32 = arith.constant 0 : i32
    %c0_i32_0 = arith.constant 0 : i32
    return %arg0, %c0_i32 : i32, i32
  }
}

</mosaic_0001>

<sc_bundles>
// kernel: kernel.6.cloned.1.call-start
scs
__scs_entry_jumppad:
0x0: {  	(pc) =	sbr.rel $0x88, $3  }
0x1: {  	(tag) =	ssettag $0x0;
	lr =	simm.s32 $0x1  }
0x2: {  	[smem:$0x3F99] =	sst lr;
	_ =	strace $0xD0000000  }
0x3: {  	_ = 	snop  }
0x4: {  	_ = 	snop  }
0x5: {  	_ = 	snop  }
0x6: {  	_ = 	snop  }
0x7: {  	_ = 	snop  }
__scs_overlays_trampoline_lowered:
0x8: {  	[smem:$0x3FA8] =	sst s0  }
0x9: {  	[smem:$0x3FA9] =	sst s1  }
0xa: {  	[smem:$0x3FAA] =	sst s2  }
0xb: {  	[smem:$0x3FAB] =	sst s3  }
0xc: {  	[smem:$0x3FAC] =	sst s4  }
0xd: {  	[smem:$0x3FAD] =	sst s5  }
0xe: {  	[smem:$0x3FAE] =	sst s6  }
0xf: {  	[smem:$0x3FAF] =	sst s7  }
0x10: {  	[smem:$0x3FB0] =	sst s8  }
0x11: {  	[smem:$0x3FB1] =	sst s9;
	s0 =	simm.s32 @!p0 $0x0  }
0x12: {  	s1 =	sld [smem:$0x3F97];
	s0 =	simm.s32 @p0 $0x1  }
0x13: {  	[smem:$0x3FB2] =	sst s0;
	s0 =	simm.s32 @!p1 $0x0  }
0x14: {  	s2 =	sld [smem:$0x3F96];
	s0 =	simm.s32 @p1 $0x1  }
0x15: {  	[smem:$0x3FB3] =	sst s0;
	s0 =	simm.s32 @!p2 $0x0  }
0x16: {  	s3 =	sld [smem:$0x3FDB];
	s0 =	simm.s32 @p2 $0x1  }
0x17: {  	s4 =	simm.s32 $0x1BF5;
	[smem:$0x3FB5] =	sst s0  }
0x18: {  	s0 =	sld [smem:$0x3F98];
	_ =	swait.ge [sflag:s4], $0x0  }
0x19: {  	s7 =	sld [smem:$0x3F99]  }
0x1a: {  	s8 =	sadd.s32 $0xFFFFE003, lr  }
0x1b: {  	s9 =	sadd.s32 $0xFFFFFEF7, lr;
	s5 =	simm.s32 $0xFFFFFFFF;
	p2 =	slt.u32 s8, $0xFFFFF086  }
0x1c: {  	p1 =	slt.u32 s9, $0xF7A;
	s5 =	simm.s32 @!p2 $0x0  }
0x1d: {  	s5 =	simm.s32 @p1 $0x1;
	p0 =	seq.s32 s7, s2  }
0x1e: {  	s7 =	smul.u32 @!p0 $0xF7A, s2;
	p2 =	seq.s32 @!p0 s5, $0x0  }
0x1f: {  	s9 =	smul.u32 $0xF7A, s1;
	s8 =	simm.s32 @!p0 $0x1BF5;
	p2 =	por !p2, p0  }
0x20: {  	[sflag:s8] =	ssyncset.s32 @!p0 $0xFFFFF086;
	s6 =	sadd.s32 @!p0 s3, s7;
	s7 =	simm.s32 @!p0 $0x108  }
0x21: {  	s3 =	sadd.s32 s3, s9;
	s6 =	sadd.s32 @!p0 $0x88, s6;
	s7 =	simm.s32 @p2 $0x1082  }
0x22: {  	[simem:s7], [sflag:s8] =	dma.local @!p0 [hbm:s6], $0xF7A  }
0x23: {  	s9 =	sor.u32 $0xD0000000, s2;
	s6 =	simm.s32 $0x108;
	_ =	swait.ge @!p0 [sflag:s8], $0x0  }
0x24: {  	s3 =	sadd.s32 $0x88, s3;
	s6 =	simm.s32 @!p1 $0x1082;
	[sflag:s4] =	ssyncset.s32 $0xFFFFF086  }
0x25: {  	[simem:s6], [sflag:s4] =	dma.local [hbm:s3], $0xF7A  }
0x26: {  	[smem:$0x3F99] =	sst s1;
	(tag) =	ssettag s2;
	_ =	strace s9  }
0x27: {  	s1 =	sld [smem:$0x3FA9]  }
0x28: {  	s2 =	sld [smem:$0x3FAA]  }
0x29: {  	s4 =	sld [smem:$0x3FAC]  }
0x2a: {  	p0 =	seq.s32 s5, $0x0;
	s5 =	sld [smem:$0x3FAD]  }
0x2b: {  	s6 =	sld [smem:$0x3FAE]  }
0x2c: {  	s7 =	sld [smem:$0x3FAF]  }
0x2d: {  	s3 =	simm.s32 $0x108;
	s8 =	sld [smem:$0x3FB0]  }
0x2e: {  	s3 =	simm.s32 @!p0 $0x1082;
	s9 =	sld [smem:$0x3FB1]  }
0x2f: {  	lr =	sadd.s32 s0, s3;
	s0 =	sld [smem:$0x3FA8]  }
0x30: {  	s3 =	sld [smem:$0x3FAB]  }
0x31: {  	[smem:$0x3FB4] =	sst s10  }
0x32: {  	s10 =	sld [smem:$0x3FB2];
	_ =	sdelay $0x3  }
0x33: {  	p0 =	seq.s32 s10, $0x1;
	s10 =	sld [smem:$0x3FB4];
	_ =	sdelay $0x3  }
0x34: {  	[smem:$0x3FB4] =	sst s10  }
0x35: {  	s10 =	sld [smem:$0x3FB3];
	_ =	sdelay $0x3  }
0x36: {  	p1 =	seq.s32 s10, $0x1;
	s10 =	sld [smem:$0x3FB4];
	_ =	sdelay $0x3  }
0x37: {  	[smem:$0x3FB4] =	sst s10  }
0x38: {  	s10 =	sld [smem:$0x3FB5]  }
0x39: {  	_ = 	snop;
	(pc) =	sbr.ind lr, $3  }
0x3a: {  	_ = 	snop  }
0x3b: {  	_ = 	snop  }
0x3c: {  	p2 =	seq.s32 s10, $0x1;
	s10 =	sld [smem:$0x3FB4]  }
0x3d: {  	_ =	shalt  }
0x3e: {  	_ =	shalt  }
0x3f: {  	_ =	shalt  }
0x40: {  	_ =	shalt  }
0x41: {  	_ =	shalt  }
0x42: {  	_ =	shalt  }
0x43: {  	_ =	shalt  }
0x44: {  	_ =	shalt  }
0x45: {  	_ =	shalt  }
0x46: {  	_ =	shalt  }
0x47: {  	_ =	shalt  }
0x48: {  	_ =	shalt  }
0x49: {  	_ =	shalt  }
0x4a: {  	_ =	shalt  }
0x4b: {  	_ =	shalt  }
0x4c: {  	_ =	shalt  }
0x4d: {  	_ =	shalt  }
0x4e: {  	_ =	shalt  }
0x4f: {  	_ =	shalt  }
0x50: {  	_ =	shalt  }
0x51: {  	_ =	shalt  }
0x52: {  	_ =	shalt  }
0x53: {  	_ =	shalt  }
0x54: {  	_ =	shalt  }
0x55: {  	_ =	shalt  }
0x56: {  	_ =	shalt  }
0x57: {  	_ =	shalt  }
0x58: {  	_ =	shalt  }
0x59: {  	_ =	shalt  }
0x5a: {  	_ =	shalt  }
0x5b: {  	_ =	shalt  }
0x5c: {  	_ =	shalt  }
0x5d: {  	_ =	shalt  }
0x5e: {  	_ =	shalt  }
0x5f: {  	_ =	shalt  }
0x60: {  	_ =	shalt  }
0x61: {  	_ =	shalt  }
0x62: {  	_ =	shalt  }
0x63: {  	_ =	shalt  }
0x64: {  	_ =	shalt  }
0x65: {  	_ =	shalt  }
0x66: {  	_ =	shalt  }
0x67: {  	_ =	shalt  }
0x68: {  	_ =	shalt  }
0x69: {  	_ =	shalt  }
0x6a: {  	_ =	shalt  }
0x6b: {  	_ =	shalt  }
0x6c: {  	_ =	shalt  }
0x6d: {  	_ =	shalt  }
0x6e: {  	_ =	shalt  }
0x6f: {  	_ =	shalt  }
0x70: {  	_ =	shalt  }
0x71: {  	_ =	shalt  }
0x72: {  	_ =	shalt  }
0x73: {  	_ =	shalt  }
0x74: {  	_ =	shalt  }
0x75: {  	_ =	shalt  }
0x76: {  	_ =	shalt  }
0x77: {  	_ =	shalt  }
0x78: {  	_ =	shalt  }
0x79: {  	_ =	shalt  }
0x7a: {  	_ =	shalt  }
0x7b: {  	_ =	shalt  }
0x7c: {  	_ =	shalt  }
0x7d: {  	_ =	shalt  }
0x7e: {  	_ =	shalt  }
0x7f: {  	_ =	shalt  }
0x80: {  	_ =	shalt  }
0x81: {  	_ =	shalt  }
0x82: {  	_ =	shalt  }
0x83: {  	_ =	shalt  }
0x84: {  	_ =	shalt  }
0x85: {  	_ =	shalt  }
0x86: {  	_ =	shalt  }
0x87: {  	_ =	shalt  }
.Lfunc_end0:
.L_simem_size_0:
called_computation_lowered:
.L_overlay_start_0:
0x88: {  	s2 =	sld [smem:$0x3FD9]  }
0x89: {  	s3 =	sld [smem:$0x3FFE];
	_ =	sdelay $0x1  }
0x8a: {  	s1 =	srdreg.scid  }
0x8b: {  	s0 =	sand.u32 $0x1, s1  }
0x8c: {  	s14 =	sshll.u32 s0, $0xA;
	s2 =	sadd.s32 s3, s2  }
0x8d: {  	s2 =	sadd.s32 s2, s14  }
0x8e: {  	[smem:$0x3FC0] =	sst s2  }
0x8f: {  	_ = 	snop  }
0x90: {  	s2 =	sld [smem:$0x3FD0];
	_ =	sdelay $0x2  }
0x91: {  	s15 =	simm.s32 $0xA;
	s4 =	simm.s32 $0x10  }
0x92: {  	[smem:s4], [sflag:s15] =	dma.local [hbm:s2], $0x1  }
0x93: {  	_ =	swait.eq [sflag:s15], $0x1  }
0x94: {  	[sflag:s15] =	ssyncset.done $0x0  }
0x95: {  	s16 =	sld [smem:$0x10];
	[sflag:s15] =	ssyncadd.s32 $0xFFFFFFFF  }
0x96: {  	s17 =	sld [smem:$0x11];
	(tm) =	ssettm $0x1  }
0x97: {  	s18 =	sld [smem:$0x3FFB];
	_ =	sdelay $0x3  }
0x98: {  	_ =	strace s18  }
0x99: {  	s4 =	sld [smem:$0x3FFC];
	_ =	sdelay $0x3  }
0x9a: {  	_ =	strace s4  }
0x9b: {  	s4 =	sld [smem:$0x3FFD];
	_ =	sdelay $0x3  }
0x9c: {  	_ =	strace s4  }
0x9d: {  	_ =	strace $0x8FFFFFFF  }
0x9e: {  	s19 =	sld [smem:$0x3FDB];
	_ =	sdelay $0x1  }
0x9f: {  	s5 =	simm.s32 $_scs_section_size  }
0xa0: {  	s6 =	simm.s32 $_size__tile_overlayer_lowered;
	s7 =	simm.s32 $_tile_overlayer_lowered  }
0xa1: {  	s22 =	simm.s32 $0x1BFF;
	s21 =	sshll.u32 s7, $0x1;
	s4 =	sadd.s32 s5, s19  }
0xa2: {  	s8 =	simm.s32 $0x0;
	s20 =	sshll.u32 s6, $0x1;
	s6 =	sadd.s32 s21, s4  }
0xa3: {  	[timem:s8], [sflag:s22] =	dma.local [hbm:s6], s20  }
0xa4: {  	_ =	swait.ge [sflag:s22], s20  }
0xa5: {  	s5 =	ssub.s32 $0x0, s20;
	[sflag:s22] =	ssyncset.done $0x0  }
0xa6: {  	[sflag:s22] =	ssyncadd.s32 s5;
	_ =	sdelay $0x1  }
0xa7: {  	s23 =	simm.s32 $0x1B8B  }
0xa8: {  	_ =	swait.ge [sflag:s23], $0x1  }
0xa9: {  	[sflag:s23] =	ssyncset.done $0x0  }
0xaa: {  	s25 =	simm.s32 $0x1B8E;
	s24 =	sld [smem:$0x3FFE];
	[sflag:s23] =	ssyncadd.s32 $0xFFFFFFFF  }
0xab: {  	s26 =	simm.s32 $execute0_lowered;
	[smem:$0x3FD2] =	sst s25  }
0xac: {  	s6 =	sshll.u32 s26, $0x1;
	_ =	strace $0x80000046;
	[dreg:$0x1] =	wrdreg $0xFFFFFFFF  }
0xad: {  	s28 =	simm.s32 $_size_execute0_lowered;
	s4 =	sadd.s32 s4, s6;
	[dreg:$0x0] =	wrdreg $0x0  }
0xae: {  	s6 =	sshll.u32 s28, $0x1;
	[dreg:$0x2] =	wrdreg s4  }
0xaf: {  	[dreg:$0x3] =	wrdreg s6  }
0xb0: {  	[dreg:$0x4] =	wrdreg $0xC0  }
0xb1: {  	_ =	task [dreg:s8], $0x5FFFF  }
0xb2: {  	[dreg:$0x1] =	wrdreg $0xFFFFFFFF  }
0xb3: {  	[dreg:$0x0] =	wrdreg $0x60  }
0xb4: {  	[dreg:$0x2] =	wrdreg s17  }
0xb5: {  	[dreg:$0x3] =	wrdreg s24  }
0xb6: {  	[dreg:$0x4] =	wrdreg s16  }
0xb7: {  	[dreg:$0x5] =	wrdreg $0x85800  }
0xb8: {  	[dreg:$0x6] =	wrdreg $0x1C5800  }
0xb9: {  	[dreg:$0x7] =	wrdreg $0x9  }
0xba: {  	_ =	task.clear_ibuf [dreg:s8], $0x8FFFF;
	_ =	strace $0x90000046  }
0xbb: {  	s29 =	simm.s32 $0x9;
	_ =	strace $0x80000048  }
0xbc: {  	_ =	swait.ge [sflag:s29], $0x1  }
0xbd: {  	[sflag:s29] =	ssyncadd.s32 $0xFFFFFFFF  }
0xbe: {  	_ =	strace $0x90000048  }
0xbf: {  	_ =	sfence  }
0xc0: {  	s30 =	sld [smem:$0x0];
	_ =	sdelay $0x2  }
0xc1: {  	s31 =	sshll.u32 s1, $0xD;
	s1 =	sshrl.u32 s1, $0x2  }
0xc2: {  	s3 =	sand.u32 $0x4000, s31;
	s1 =	sadd.s32 s1, s30  }
0xc3: {  	s0 =	sor.u32 s3, s0;
	s1 =	sshll.u32 s1, $0x11  }
0xc4: {  	s0 =	sor.u32 s1, s0  }
0xc5: {  	s0 =	sadd.s32 $0x8F2B, s0  }
0xc6: {  	[sflag:s0] =	ssyncadd.remote.s32 $0x1  }
0xc7: {  	_ =	sfence.sel $0xFFFF  }
0xc8: {  	[dreg:$0x0] =	wrdreg $0xFFFFFFFF;
	(pc) =	sbr.abs _section_cstart, $3  }
0xc9: {  	[dreg:$0x1] =	wrdreg $0xFFFFFFFF  }
0xca: {  	_ =	task.clear_ibuf [dreg:s8], $0x2FFFF;
	_ =	strace $0x9FFFFFFF  }
0xcb: {  	(tm) =	ssettm $0x7FFFFFFF  }
tec
execute0_lowered:
.L_overlay_start_1:
0x0: {  	(tag) =	ssettag $0x1  }
0x1: {  	s0 =	rddreg [dreg:$0x0]  }
0x2: {  	s3 =	rddreg [dreg:$0x1]  }
0x3: {  	s1 =	rddreg [dreg:$0x2]  }
0x4: {  	s2 =	rddreg [dreg:$0x3]  }
0x5: {  	s4 =	rddreg [dreg:$0x4]  }
0x6: {  	s5 =	simm.s32 $0x0;
	s6 =	srdreg.scid;
	s16 =	stileid.u32  }
0x7: {  	s31 =	simm.s32 $0x8000;
	[smem:$0x7FF] =	sst s5;
	s9 =	smul.u32 $0x4E80, s16  }
0x8: {  	s6 =	sand.u32 $0x1, s6;
	s7 =	sadd.s32 $0x15200, s3;
	s10 =	sadd.s32 $0x1600, s3  }
0x9: {  	s11 =	sadd.s32 $0x1F000, s3;
	s13 =	sadd.s32 $0xB400, s3;
	s9 =	sshrl.u32 s9, $0x3  }
0xa: {  	s23 =	smul.u32 $0x9D0, s16;
	s8 =	ssub.s32 $0x2, s6;
	s15 =	sadd.s32 s7, s9  }
0xb: {  	p0 =	seq.s32 s6, $0x1;
	s17 =	sadd.s32 s10, s9;
	[dreg:$0x6] =	wrdreg s15  }
0xc: {  	s18 =	sadd.s32 $0x10, s9;
	s22 =	sadd.s32 s11, s9;
	[dreg:$0x7] =	wrdreg s17  }
0xd: {  	s14 =	sadd.s32 $0x20, s9;
	s9 =	sadd.s32 s13, s9;
	[dreg:$0xc] =	wrdreg s22  }
0xe: {  	s6 =	smul.u32 $0x280, s16;
	s15 =	sadd.s32 s7, s18;
	[dreg:$0xd] =	wrdreg s9  }
0xf: {  	s12 =	sshrl.u32 s8, $0x1;
	s19 =	sadd.s32 s10, s18;
	[dreg:$0x8] =	wrdreg s15  }
0x10: {  	s8 =	ssub.s32 s8, s12;
	s20 =	sadd.s32 s7, s14;
	[dreg:$0x9] =	wrdreg s19  }
0x11: {  	s12 =	sadd.s32 $0x29A00, s3;
	s21 =	sadd.s32 s10, s14;
	[dreg:$0xa] =	wrdreg s20  }
0x12: {  	s24 =	sadd.s32 s11, s18;
	s25 =	sadd.s32 s13, s18;
	[dreg:$0xb] =	wrdreg s21  }
0x13: {  	s26 =	sadd.s32 s11, s14;
	s28 =	sadd.s32 s13, s14;
	[dreg:$0xe] =	wrdreg s24  }
0x14: {  	s22 =	sadd.s32 s23, s11;
	s9 =	sadd.s32 $0x80, s6;
	[dreg:$0xf] =	wrdreg s25  }
0x15: {  	s14 =	sadd.s32 $0x51A00, s3;
	s17 =	sadd.s32 $0x100, s6;
	[dreg:$0x10] =	wrdreg s26  }
0x16: {  	s18 =	sadd.s32 $0x180, s6;
	s11 =	simm.s32 $0x5;
	[dreg:$0x11] =	wrdreg s28  }
0x17: {  	s19 =	sadd.s32 s23, s10;
	s20 =	sadd.s32 s23, s7;
	s10 =	smul.u32 $0x50000, s16  }
0x18: {  	s21 =	sadd.s32 s23, s13;
	s13 =	sadd.s32 $0x28E00, s3;
	s15 =	sshll.u32 s9, $0x7  }
0x19: {  	s3 =	sadd.s32 $0x29400, s3;
	_ =	strace $0x80000047;
	[dreg:$0x12] =	wrdreg s12  }
0x1a: {  	s23 =	sadd.s32 $0x200, s6;
	s24 =	sshll.u32 s17, $0x7;
	[dreg:$0x13] =	wrdreg s13  }
0x1b: {  	s25 =	sshll.u32 s18, $0x7;
	s9 =	sshll.u32 s9, $0x4;
	[dreg:$0x14] =	wrdreg s14  }
0x1c: {  	[dreg:$0x15] =	wrdreg s3;
	s29 =	sadd.s32 s15, s2;
	s26 =	sshll.u32 s23, $0x7  }
0x1d: {  	s28 =	sadd.s32 s24, s2;
	[dreg:$0x1b] =	wrdreg s9;
	s3 =	sshll.u32 s17, $0x4  }
0x1e: {  	s15 =	sadd.s32 s25, s2;
	s17 =	sshll.u32 s18, $0x4;
	[dreg:$0x1c] =	wrdreg s3  }
0x1f: {  	s18 =	sshll.u32 s23, $0x4;
	s23 =	sadd.s32 s6, s4;
	[dreg:$0x1d] =	wrdreg s17  }
0x20: {  	s24 =	sshrl.u32 s6, $0x3;
	s25 =	smax.u32 s8, $0x1;
	[dreg:$0x1e] =	wrdreg s18  }
0x21: {  	s6 =	simm.s32 $0x8280;
	s8 =	simm.s32 $0x4;
	[dreg:$0x1f] =	wrdreg s23  }
0x22: {  	s7 =	sshrl.u32 s10, $0x2;
	s13 =	sadd.s32 s26, s2;
	[smem:$0x7FB] =	sst s24  }
0x23: {  	[smem:$0x7FC] =	sst s25;
	s26 =	smul.u32 $0x2800, s16;
	s16 =	simm.s32 $0x8300  }
0x24: {  	s17 =	simm.s32 $0x8400;
	s18 =	simm.s32 $0x80;
	s23 =	simm.s32 $0x8380  }
0x25: {  	s24 =	simm.s32 $0x8480;
	s25 =	simm.s32 $0x3;
	[dreg:$0x17] =	wrdreg s29  }
.Ltmp0:
0x26: {  	s3 =	simm.s32 $0x1;
	[dreg:$0x18] =	wrdreg s28;
	(pc) =	sbr.rel .LBB2_1-.Ltmp0, $4  }
0x27: {  	s10 =	simm.s32 $0x2;
	s12 =	smov.u32 s28;
	[dreg:$0x19] =	wrdreg s15  }
0x28: {  	s30 =	smov.u32 s15;
	s14 =	sadd.s32 s7, s2;
	[dreg:$0x1a] =	wrdreg s13  }
0x29: {  	s13 =	simm.s32 $0x6;
	s7 =	simm.s32 $0x8500;
	[smem:$0x7FD] =	sst s26  }
0x2a: {  	v0 =	vimm.f32 $0.0e+00;
	v1 =	vimm.f32 $1.000000000e+00;
	s26 =	simm.s32 $0x4000;
	[dreg:$0x16] =	wrdreg s14;
	s14 =	simm.s32 $0x0  }
.LBB2_10:
0x2b: {  	s28 =	rddreg [dreg:$0x14]  }
0x2c: {  	s15 =	rddreg [dreg:$0x15]  }
0x2d: {  	s9 =	rddreg [dreg:$0x16]  }
0x2e: {  	s30 =	rddreg [dreg:$0x18]  }
0x2f: {  	s31 =	rddreg [dreg:$0x19]  }
0x30: {  	s14 =	sld [smem:$0x7FA]  }
.LBB2_11:
0x31: {  	_ =	swait.ge [sflag:s8], $0x4000  }
0x32: {  	[sflag:s8] =	ssyncset.done $0x0  }
0x33: {  	[sflag:s8] =	ssyncadd.s32 $0xFFFFC000  }
0x34: {  	[bflag:$0x0] =	sbarrier.arrive $0xFFFF  }
0x35: {  	[tilespmem:s5], [sflag:$0x6] =	stream.linear.gather [spmem:s9], $0x4000, $0x38;
	[tilespmem:$0x1C800] =	vst v63  }
0x36: {  	_ =	swait.ge [sflag:s13], $0x4000  }
0x37: {  	s12 =	sld [smem:$0x7FD];
	_ =	sdelay $0x1  }
0x38: {  	[sflag:s13] =	ssyncset.done $0x0  }
0x39: {  	[sflag:s13] =	ssyncadd.s32 $0xFFFFC000;
	s9 =	sadd.s32 s28, s12  }
0x3a: {  	[hbm4b:s9+s5] =	stream.linear.scatter [tilespmem:s5], [sflag:$0x6], $0x4000, $0x38;
	[tilespmem:$0x1C800] =	vst v63  }
0x3b: {  	_ =	swait.ge [sflag:s13], $0x4000  }
0x3c: {  	[sflag:s13] =	ssyncset.done $0x0  }
0x3d: {  	s29 =	rddreg [dreg:$0x17];
	[sflag:s13] =	ssyncadd.s32 $0xFFFFC000  }
0x3e: {  	[tilespmem:s5], [sflag:$0x6] =	stream.linear.gather [spmem:s29], $0x4000, $0x38;
	[tilespmem:$0x1C800] =	vst v63  }
0x3f: {  	_ =	swait.ge [sflag:s13], $0x4000  }
0x40: {  	[sflag:s13] =	ssyncset.done $0x0;
	s12 =	rddreg [dreg:$0x1b]  }
0x41: {  	s9 =	sadd.s32 s28, s12;
	[sflag:s13] =	ssyncadd.s32 $0xFFFFC000  }
0x42: {  	[hbm4b:s9+s5] =	stream.linear.scatter [tilespmem:s5], [sflag:$0x6], $0x4000, $0x38;
	[tilespmem:$0x1C800] =	vst v63  }
0x43: {  	_ =	swait.ge [sflag:s13], $0x4000  }
0x44: {  	[sflag:s13] =	ssyncset.done $0x0  }
0x45: {  	[sflag:s13] =	ssyncadd.s32 $0xFFFFC000  }
0x46: {  	[tilespmem:s5], [sflag:$0x6] =	stream.linear.gather [spmem:s30], $0x4000, $0x38;
	[tilespmem:$0x1C800] =	vst v63  }
0x47: {  	_ =	swait.ge [sflag:s13], $0x4000  }
0x48: {  	[sflag:s13] =	ssyncset.done $0x0;
	s9 =	rddreg [dreg:$0x1c]  }
0x49: {  	s9 =	sadd.s32 s28, s9;
	[sflag:s13] =	ssyncadd.s32 $0xFFFFC000  }
0x4a: {  	[hbm4b:s9+s5] =	stream.linear.scatter [tilespmem:s5], [sflag:$0x6], $0x4000, $0x38;
	[tilespmem:$0x1C800] =	vst v63  }
0x4b: {  	_ =	swait.ge [sflag:s13], $0x4000  }
0x4c: {  	[sflag:s13] =	ssyncset.done $0x0  }
0x4d: {  	[sflag:s13] =	ssyncadd.s32 $0xFFFFC000  }
0x4e: {  	[tilespmem:s5], [sflag:$0x6] =	stream.linear.gather [spmem:s31], $0x4000, $0x38;
	[tilespmem:$0x1C800] =	vst v63  }
0x4f: {  	_ =	swait.ge [sflag:s13], $0x4000  }
0x50: {  	[sflag:s13] =	ssyncset.done $0x0;
	s9 =	rddreg [dreg:$0x1d]  }
0x51: {  	s9 =	sadd.s32 s28, s9;
	[sflag:s13] =	ssyncadd.s32 $0xFFFFC000  }
0x52: {  	[hbm4b:s9+s5] =	stream.linear.scatter [tilespmem:s5], [sflag:$0x6], $0x4000, $0x38;
	[tilespmem:$0x1C800] =	vst v63  }
0x53: {  	_ =	swait.ge [sflag:s13], $0x4000  }
0x54: {  	[sflag:s13] =	ssyncset.done $0x0  }
0x55: {  	s9 =	rddreg [dreg:$0x1a];
	[sflag:s13] =	ssyncadd.s32 $0xFFFFC000  }
0x56: {  	[tilespmem:s5], [sflag:$0x6] =	stream.linear.gather [spmem:s9], $0x4000, $0x38;
	[tilespmem:$0x1C800] =	vst v63  }
0x57: {  	_ =	swait.ge [sflag:s13], $0x4000  }
0x58: {  	[sflag:s13] =	ssyncset.done $0x0;
	s9 =	rddreg [dreg:$0x1e]  }
0x59: {  	s9 =	sadd.s32 s28, s9;
	[sflag:s13] =	ssyncadd.s32 $0xFFFFC000  }
0x5a: {  	[hbm4b:s9+s5] =	stream.linear.scatter [tilespmem:s5], [sflag:$0x6], $0x4000, $0x38;
	[tilespmem:$0x1C800] =	vst v63  }
0x5b: {  	_ =	swait.ge [sflag:s13], $0x4000  }
0x5c: {  	[sflag:s13] =	ssyncset.done $0x0  }
0x5d: {  	s28 =	simm.s32 $0x8000;
	s9 =	rddreg [dreg:$0x1f];
	[sflag:s13] =	ssyncadd.s32 $0xFFFFC000  }
0x5e: {  	[tilespmem:s28], [sflag:$0x6] =	stream.linear.gather [spmem:s9], $0x280, $0x38;
	[tilespmem:$0x1C800] =	vst v63  }
0x5f: {  	_ =	swait.ge [sflag:s13], $0x280  }
0x60: {  	s9 =	sld [smem:$0x7FB];
	_ =	sdelay $0x1  }
0x61: {  	[sflag:s13] =	ssyncset.done $0x0  }
0x62: {  	[sflag:s13] =	ssyncadd.s32 $0xFFFFFD80;
	s9 =	sadd.s32 s15, s9  }
0x63: {  	[hbm4b:s9+s5] =	stream.linear.scatter [tilespmem:s28], [sflag:$0x6], $0x280, $0x38;
	[tilespmem:$0x1C800] =	vst v63  }
0x64: {  	_ =	swait.ge [sflag:s13], $0x280  }
0x65: {  	s28 =	sld [smem:$0x7FC];
	_ =	sdelay $0x1  }
0x66: {  	s14 =	sadd.s32 $0x1, s14  }
0x67: {  	p1 =	sne.s32 s14, s28  }
.Ltmp1:
0x68: {  	_ = 	snop;
	(pc) =	sbr.rel @!p1 .LBB2_12-.Ltmp1, $3  }
0x69: {  	_ =	sdelay $0x1  }
0x6a: {  	s12 =	smov.u32 s30;
	[sflag:s13] =	ssyncset.done $0x0  }
0x6b: {  	s30 =	smov.u32 s31;
	s31 =	simm.s32 $0x8000;
	[sflag:s13] =	ssyncadd.s32 $0xFFFFFD80  }
.LBB2_1:
.Ltmp2:
0x6c: {  	(pc) =	sbr.rel @!p0 .LBB2_2-.Ltmp2, $2  }
0x6d: {  	_ =	sdelay $0x2  }
0x6e: {  	[smem:$0x7FA] =	sst s14;
	s15 =	sshra.s32 s5, $0x2;
	s28 =	sadd.s32 $0x200, s5  }
.LBB2_7:
0x6f: {  	p1 =	sne.s32 s28, $0xFE00;
	[tilespmem:s15+$0x70] =	vst v0  }
0x70: {  	[tilespmem:s15+$0x0] =	vst v0  }
0x71: {  	[tilespmem:s15+$0x10] =	vst v0  }
.Ltmp3:
0x72: {  	[tilespmem:s15+$0x20] =	vst v0;
	(pc) =	sbr.rel @p1 .LBB2_7-.Ltmp3, $4  }
0x73: {  	[tilespmem:s15+$0x30] =	vst v0  }
0x74: {  	[tilespmem:s15+$0x40] =	vst v0  }
0x75: {  	[tilespmem:s15+$0x50] =	vst v0  }
0x76: {  	[tilespmem:s15+$0x60] =	vst v0;
	s15 =	sshra.s32 s28, $0x2;
	s28 =	sadd.s32 $0x200, s28  }
0x77: {  	[tilespmem:s15+$0x70] =	vst v0  }
0x78: {  	[tilespmem:s15+$0x0] =	vst v0  }
0x79: {  	[tilespmem:s15+$0x10] =	vst v0  }
0x7a: {  	[tilespmem:s15+$0x20] =	vst v0  }
0x7b: {  	[tilespmem:s15+$0x30] =	vst v0  }
0x7c: {  	[tilespmem:s15+$0x40] =	vst v0  }
0x7d: {  	[tilespmem:s15+$0x50] =	vst v0  }
0x7e: {  	[tilespmem:s15+$0x60] =	vst v0  }
0x7f: {  	[tilespmem:$0x8000] =	vst v0  }
0x80: {  	[tilespmem:$0x8010] =	vst v0  }
0x81: {  	[tilespmem:$0x8020] =	vst v0  }
0x82: {  	[tilespmem:$0x8030] =	vst v0  }
0x83: {  	[tilespmem:$0x8040] =	vst v0  }
0x84: {  	[tilespmem:$0x8050] =	vst v0  }
0x85: {  	[tilespmem:$0x8060] =	vst v0  }
0x86: {  	[tilespmem:$0x8070] =	vst v0  }
0x87: {  	[tilespmem:$0x8080] =	vst v0  }
0x88: {  	[tilespmem:$0x8090] =	vst v0  }
0x89: {  	[tilespmem:$0x80A0] =	vst v0  }
0x8a: {  	[tilespmem:$0x80B0] =	vst v0  }
0x8b: {  	[tilespmem:$0x80C0] =	vst v0  }
0x8c: {  	[tilespmem:$0x80D0] =	vst v0  }
0x8d: {  	[tilespmem:$0x80E0] =	vst v0  }
0x8e: {  	[tilespmem:$0x80F0] =	vst v0  }
0x8f: {  	[tilespmem:$0x8100] =	vst v0  }
0x90: {  	[tilespmem:$0x8110] =	vst v0  }
0x91: {  	[tilespmem:$0x8120] =	vst v0  }
0x92: {  	[tilespmem:$0x8130] =	vst v0  }
0x93: {  	[tilespmem:$0x8140] =	vst v0  }
0x94: {  	[tilespmem:$0x8150] =	vst v0  }
0x95: {  	[tilespmem:$0x8160] =	vst v0  }
0x96: {  	[tilespmem:$0x8170] =	vst v0  }
0x97: {  	[tilespmem:$0x8180] =	vst v0  }
0x98: {  	[tilespmem:$0x8190] =	vst v0  }
0x99: {  	[tilespmem:$0x81A0] =	vst v0  }
0x9a: {  	[tilespmem:$0x81B0] =	vst v0  }
0x9b: {  	[tilespmem:$0x81C0] =	vst v0  }
0x9c: {  	[tilespmem:$0x81D0] =	vst v0  }
0x9d: {  	[tilespmem:$0x81E0] =	vst v0  }
0x9e: {  	[tilespmem:$0x81F0] =	vst v0  }
0x9f: {  	[tilespmem:$0x8200] =	vst v0  }
0xa0: {  	[tilespmem:$0x8210] =	vst v0  }
0xa1: {  	[tilespmem:$0x8220] =	vst v0  }
0xa2: {  	[tilespmem:$0x8230] =	vst v0  }
0xa3: {  	[tilespmem:$0x8240] =	vst v0  }
0xa4: {  	[tilespmem:$0x8250] =	vst v0  }
0xa5: {  	[tilespmem:$0x8260] =	vst v0  }
0xa6: {  	[tilespmem:$0x8270] =	vst v0  }
0xa7: {  	[tilespmem:$0x8280] =	vst v1  }
0xa8: {  	[tilespmem:$0x8290] =	vst v1  }
0xa9: {  	[tilespmem:$0x82A0] =	vst v1  }
0xaa: {  	[tilespmem:$0x82B0] =	vst v1  }
0xab: {  	[tilespmem:$0x82C0] =	vst v1  }
0xac: {  	[tilespmem:$0x82D0] =	vst v1  }
0xad: {  	[tilespmem:$0x82E0] =	vst v1  }
0xae: {  	s15 =	simm.s32 $0x0;
	s9 =	rddreg [dreg:$0x16];
	[tilespmem:$0x82F0] =	vst v1  }
0xaf: {  	[spmem:s9] =	stream.linear.scatter [tilespmem:s15], [sflag:$0x6], $0x4000, $0x38;
	[tilespmem:$0x1C800] =	vst v63  }
0xb0: {  	_ =	swait.ge [sflag:s13], $0x4000  }
0xb1: {  	[sflag:s13] =	ssyncset.done $0x0  }
0xb2: {  	[sflag:s13] =	ssyncadd.s32 $0xFFFFC000  }
0xb3: {  	[spmem:s29] =	stream.linear.scatter [tilespmem:s15], [sflag:$0x6], $0x4000, $0x38;
	[tilespmem:$0x1C800] =	vst v63  }
0xb4: {  	_ =	swait.ge [sflag:s13], $0x4000  }
0xb5: {  	[sflag:s13] =	ssyncset.done $0x0  }
0xb6: {  	[sflag:s13] =	ssyncadd.s32 $0xFFFFC000  }
0xb7: {  	[spmem:s12] =	stream.linear.scatter [tilespmem:s15], [sflag:$0x6], $0x4000, $0x38;
	[tilespmem:$0x1C800] =	vst v63  }
0xb8: {  	_ =	swait.ge [sflag:s13], $0x4000  }
0xb9: {  	[sflag:s13] =	ssyncset.done $0x0  }
0xba: {  	[sflag:s13] =	ssyncadd.s32 $0xFFFFC000  }
0xbb: {  	[spmem:s30] =	stream.linear.scatter [tilespmem:s15], [sflag:$0x6], $0x4000, $0x38;
	[tilespmem:$0x1C800] =	vst v63  }
0xbc: {  	_ =	swait.ge [sflag:s13], $0x4000  }
0xbd: {  	[sflag:s13] =	ssyncset.done $0x0  }
0xbe: {  	s29 =	rddreg [dreg:$0x1a];
	[sflag:s13] =	ssyncadd.s32 $0xFFFFC000  }
0xbf: {  	[spmem:s29] =	stream.linear.scatter [tilespmem:s15], [sflag:$0x6], $0x4000, $0x38;
	[tilespmem:$0x1C800] =	vst v63  }
0xc0: {  	_ =	swait.ge [sflag:s13], $0x4000  }
0xc1: {  	[sflag:s13] =	ssyncset.done $0x0  }
0xc2: {  	s30 =	rddreg [dreg:$0x1f];
	[sflag:s13] =	ssyncadd.s32 $0xFFFFC000  }
0xc3: {  	[spmem:s30] =	stream.linear.scatter [tilespmem:s31], [sflag:$0x6], $0x280, $0x38;
	[tilespmem:$0x1C800] =	vst v63  }
0xc4: {  	_ =	swait.ge [sflag:s13], $0x280  }
0xc5: {  	[sflag:s13] =	ssyncset.done $0x0  }
0xc6: {  	[sflag:s13] =	ssyncadd.s32 $0xFFFFFD80  }
0xc7: {  	[bflag:$0x0] =	sbarrier.arrive $0xFFFF  }
0xc8: {  	s12 =	rddreg [dreg:$0xc]  }
0xc9: {  	[tilespmem:s16], [sflag:$0x6] =	stream.linear.gather [hbm4b:s12+s15], $0x80, $0x38;
	[tilespmem:$0x1C800] =	vst v63  }
0xca: {  	_ =	swait.ge [sflag:s13], $0x80  }
0xcb: {  	[sflag:s13] =	ssyncset.done $0x0  }
0xcc: {  	s14 =	rddreg [dreg:$0xd];
	[sflag:s13] =	ssyncadd.s32 $0xFFFFFF80  }
0xcd: {  	[tilespmem:s17], [sflag:$0x6] =	stream.linear.gather [hbm4b:s14+s15], $0x80, $0x38;
	[tilespmem:$0x1C800] =	vst v63  }
0xce: {  	_ =	swait.ge [sflag:s13], $0x80  }
0xcf: {  	[sflag:s13] =	ssyncset.done $0x0  }
0xd0: {  	[sflag:s13] =	ssyncadd.s32 $0xFFFFFF80  }
0xd1: {  	[tilespmem:s15], [sflag:$0x1] =	stream.indirect.gather [hbm4b:s1+s18], $0x80, s16, s18, $0xb8;
	[tilespmem:$0x1C800] =	vst v63  }
0xd2: {  	s28 =	rddreg [dreg:$0xe]  }
0xd3: {  	[tilespmem:s23], [sflag:$0x3] =	stream.linear.gather [hbm4b:s28+s15], $0x80, $0x38;
	[tilespmem:$0x1C800] =	vst v63  }
0xd4: {  	s29 =	rddreg [dreg:$0xf]  }
0xd5: {  	[tilespmem:s24], [sflag:$0x3] =	stream.linear.gather [hbm4b:s29+s15], $0x80, $0x38;
	[tilespmem:$0x1C800] =	vst v63  }
0xd6: {  	_ =	swait.ge [sflag:s25], $0x80  }
0xd7: {  	[sflag:s25] =	ssyncset.done $0x0  }
0xd8: {  	[sflag:s25] =	ssyncadd.s32 $0xFFFFFF80  }
0xd9: {  	_ =	swait.ge [sflag:s25], $0x80  }
0xda: {  	[sflag:s25] =	ssyncset.done $0x0  }
0xdb: {  	[sflag:s25] =	ssyncadd.s32 $0xFFFFFF80  }
0xdc: {  	[tilespmem:s26], [sflag:$0x2] =	stream.indirect.gather [hbm4b:s1+s18], $0x80, s23, s18, $0xb8;
	[tilespmem:$0x1C800] =	vst v63  }
0xdd: {  	_ =	swait.ge [sflag:s3], $0x4000  }
0xde: {  	[sflag:s3] =	ssyncset.done $0x0  }
0xdf: {  	[sflag:s3] =	ssyncadd.s32 $0xFFFFC000  }
0xe0: {  	[spmem:s2] =	stream.indirect.scatter.add.f32 [tilespmem:s15], [sflag:$0x4], $0x80, s17, s18, $0xb8;
	[tilespmem:$0x1C800] =	vst v63  }
0xe1: {  	_ = 	snop  }
0xe2: {  	[spmem:s4] =	stream.indirect.scatter.add.f32 [tilespmem:s6], [sflag:$0x6], $0x1, s17, s18, $0xb8;
	[tilespmem:$0x1C800] =	vst v63  }
0xe3: {  	_ =	swait.ge [sflag:s13], $0x80  }
0xe4: {  	[sflag:s13] =	ssyncset.done $0x0  }
0xe5: {  	s30 =	rddreg [dreg:$0x10];
	[sflag:s13] =	ssyncadd.s32 $0xFFFFFF80  }
0xe6: {  	[tilespmem:s16], [sflag:$0x3] =	stream.linear.gather [hbm4b:s30+s15], $0x80, $0x38;
	[tilespmem:$0x1C800] =	vst v63  }
0xe7: {  	s31 =	rddreg [dreg:$0x11]  }
0xe8: {  	[tilespmem:s7], [sflag:$0x3] =	stream.linear.gather [hbm4b:s31+s15], $0x80, $0x38;
	[tilespmem:$0x1C800] =	vst v63  }
.LBB2_9:
0xe9: {  	_ =	swait.ge [sflag:s8], $0x4000  }
0xea: {  	[sflag:s8] =	ssyncset.done $0x0  }
0xeb: {  	[sflag:s8] =	ssyncadd.s32 $0xFFFFC000  }
0xec: {  	_ =	swait.ge [sflag:s25], $0x80  }
0xed: {  	[sflag:s25] =	ssyncset.done $0x0  }
0xee: {  	[sflag:s25] =	ssyncadd.s32 $0xFFFFFF80  }
0xef: {  	_ =	swait.ge [sflag:s25], $0x80  }
0xf0: {  	[sflag:s25] =	ssyncset.done $0x0  }
0xf1: {  	[sflag:s25] =	ssyncadd.s32 $0xFFFFFF80  }
0xf2: {  	[tilespmem:s5], [sflag:$0x1] =	stream.indirect.gather [hbm4b:s1+s18], $0x80, s16, s18, $0xb8;
	[tilespmem:$0x1C800] =	vst v63  }
0xf3: {  	_ =	swait.ge [sflag:s10], $0x4000  }
0xf4: {  	[sflag:s10] =	ssyncset.done $0x0  }
0xf5: {  	[sflag:s10] =	ssyncadd.s32 $0xFFFFC000  }
0xf6: {  	[spmem:s2] =	stream.indirect.scatter.add.f32 [tilespmem:s26], [sflag:$0x5], $0x80, s24, s18, $0xb8;
	[tilespmem:$0x1C800] =	vst v63  }
0xf7: {  	_ = 	snop  }
0xf8: {  	[spmem:s4] =	stream.indirect.scatter.add.f32 [tilespmem:s6], [sflag:$0x6], $0x1, s24, s18, $0xb8;
	[tilespmem:$0x1C800] =	vst v63  }
0xf9: {  	_ =	swait.ge [sflag:s13], $0x80  }
0xfa: {  	s28 =	sadd.s32 s15, s22;
	[sflag:s13] =	ssyncset.done $0x0  }
0xfb: {  	s29 =	sadd.s32 s15, s21;
	s9 =	sadd.s32 $0x30, s28;
	[sflag:s13] =	ssyncadd.s32 $0xFFFFFF80  }
0xfc: {  	[tilespmem:s23], [sflag:$0x3] =	stream.linear.gather [hbm4b:s9+s5], $0x80, $0x38;
	[tilespmem:$0x1C800] =	vst v63  }
0xfd: {  	s14 =	sadd.s32 $0x30, s29  }
0xfe: {  	[tilespmem:s17], [sflag:$0x3] =	stream.linear.gather [hbm4b:s14+s5], $0x80, $0x38;
	[tilespmem:$0x1C800] =	vst v63  }
0xff: {  	_ =	swait.ge [sflag:s11], $0x4000  }
0x100: {  	[sflag:s11] =	ssyncset.done $0x0  }
0x101: {  	[sflag:s11] =	ssyncadd.s32 $0xFFFFC000  }
0x102: {  	_ =	swait.ge [sflag:s25], $0x80  }
0x103: {  	[sflag:s25] =	ssyncset.done $0x0  }
0x104: {  	[sflag:s25] =	ssyncadd.s32 $0xFFFFFF80  }
0x105: {  	_ =	swait.ge [sflag:s25], $0x80  }
0x106: {  	[sflag:s25] =	ssyncset.done $0x0  }
0x107: {  	[sflag:s25] =	ssyncadd.s32 $0xFFFFFF80  }
0x108: {  	[tilespmem:s26], [sflag:$0x2] =	stream.indirect.gather [hbm4b:s1+s18], $0x80, s23, s18, $0xb8;
	[tilespmem:$0x1C800] =	vst v63  }
0x109: {  	_ =	swait.ge [sflag:s3], $0x4000  }
0x10a: {  	[sflag:s3] =	ssyncset.done $0x0  }
0x10b: {  	[sflag:s3] =	ssyncadd.s32 $0xFFFFC000  }
0x10c: {  	[spmem:s2] =	stream.indirect.scatter.add.f32 [tilespmem:s5], [sflag:$0x4], $0x80, s7, s18, $0xb8;
	[tilespmem:$0x1C800] =	vst v63  }
0x10d: {  	_ = 	snop  }
0x10e: {  	[spmem:s4] =	stream.indirect.scatter.add.f32 [tilespmem:s6], [sflag:$0x6], $0x1, s7, s18, $0xb8;
	[tilespmem:$0x1C800] =	vst v63  }
0x10f: {  	_ =	swait.ge [sflag:s13], $0x80  }
0x110: {  	[sflag:s13] =	ssyncset.done $0x0  }
0x111: {  	s30 =	sadd.s32 $0x40, s28;
	[sflag:s13] =	ssyncadd.s32 $0xFFFFFF80  }
0x112: {  	[tilespmem:s16], [sflag:$0x3] =	stream.linear.gather [hbm4b:s30+s5], $0x80, $0x38;
	[tilespmem:$0x1C800] =	vst v63  }
0x113: {  	s31 =	sadd.s32 $0x40, s29  }
0x114: {  	[tilespmem:s24], [sflag:$0x3] =	stream.linear.gather [hbm4b:s31+s5], $0x80, $0x38;
	[tilespmem:$0x1C800] =	vst v63  }
0x115: {  	_ =	swait.ge [sflag:s8], $0x4000  }
0x116: {  	[sflag:s8] =	ssyncset.done $0x0  }
0x117: {  	[sflag:s8] =	ssyncadd.s32 $0xFFFFC000  }
0x118: {  	_ =	swait.ge [sflag:s25], $0x80  }
0x119: {  	[sflag:s25] =	ssyncset.done $0x0  }
0x11a: {  	[sflag:s25] =	ssyncadd.s32 $0xFFFFFF80  }
0x11b: {  	_ =	swait.ge [sflag:s25], $0x80  }
0x11c: {  	[sflag:s25] =	ssyncset.done $0x0  }
0x11d: {  	[sflag:s25] =	ssyncadd.s32 $0xFFFFFF80  }
0x11e: {  	[tilespmem:s5], [sflag:$0x1] =	stream.indirect.gather [hbm4b:s1+s18], $0x80, s16, s18, $0xb8;
	[tilespmem:$0x1C800] =	vst v63  }
0x11f: {  	_ =	swait.ge [sflag:s10], $0x4000  }
0x120: {  	[sflag:s10] =	ssyncset.done $0x0  }
0x121: {  	[sflag:s10] =	ssyncadd.s32 $0xFFFFC000  }
0x122: {  	[spmem:s2] =	stream.indirect.scatter.add.f32 [tilespmem:s26], [sflag:$0x5], $0x80, s17, s18, $0xb8;
	[tilespmem:$0x1C800] =	vst v63  }
0x123: {  	_ = 	snop  }
0x124: {  	[spmem:s4] =	stream.indirect.scatter.add.f32 [tilespmem:s6], [sflag:$0x6], $0x1, s17, s18, $0xb8;
	[tilespmem:$0x1C800] =	vst v63  }
0x125: {  	_ =	swait.ge [sflag:s13], $0x80  }
0x126: {  	[sflag:s13] =	ssyncset.done $0x0  }
0x127: {  	s12 =	sadd.s32 $0x50, s28;
	[sflag:s13] =	ssyncadd.s32 $0xFFFFFF80  }
0x128: {  	[tilespmem:s23], [sflag:$0x3] =	stream.linear.gather [hbm4b:s12+s5], $0x80, $0x38;
	[tilespmem:$0x1C800] =	vst v63  }
0x129: {  	s14 =	sadd.s32 $0x50, s29  }
0x12a: {  	[tilespmem:s7], [sflag:$0x3] =	stream.linear.gather [hbm4b:s14+s5], $0x80, $0x38;
	[tilespmem:$0x1C800] =	vst v63  }
0x12b: {  	_ =	swait.ge [sflag:s11], $0x4000  }
0x12c: {  	[sflag:s11] =	ssyncset.done $0x0  }
0x12d: {  	[sflag:s11] =	ssyncadd.s32 $0xFFFFC000  }
0x12e: {  	_ =	swait.ge [sflag:s25], $0x80  }
0x12f: {  	[sflag:s25] =	ssyncset.done $0x0  }
0x130: {  	[sflag:s25] =	ssyncadd.s32 $0xFFFFFF80  }
0x131: {  	_ =	swait.ge [sflag:s25], $0x80  }
0x132: {  	[sflag:s25] =	ssyncset.done $0x0  }
0x133: {  	[sflag:s25] =	ssyncadd.s32 $0xFFFFFF80  }
0x134: {  	[tilespmem:s26], [sflag:$0x2] =	stream.indirect.gather [hbm4b:s1+s18], $0x80, s23, s18, $0xb8;
	[tilespmem:$0x1C800] =	vst v63  }
0x135: {  	_ =	swait.ge [sflag:s3], $0x4000  }
0x136: {  	[sflag:s3] =	ssyncset.done $0x0  }
0x137: {  	[sflag:s3] =	ssyncadd.s32 $0xFFFFC000  }
0x138: {  	[spmem:s2] =	stream.indirect.scatter.add.f32 [tilespmem:s5], [sflag:$0x4], $0x80, s24, s18, $0xb8;
	[tilespmem:$0x1C800] =	vst v63  }
0x139: {  	_ = 	snop  }
0x13a: {  	[spmem:s4] =	stream.indirect.scatter.add.f32 [tilespmem:s6], [sflag:$0x6], $0x1, s24, s18, $0xb8;
	[tilespmem:$0x1C800] =	vst v63  }
0x13b: {  	_ =	swait.ge [sflag:s13], $0x80  }
0x13c: {  	[sflag:s13] =	ssyncset.done $0x0  }
0x13d: {  	s30 =	sadd.s32 $0x60, s28;
	[sflag:s13] =	ssyncadd.s32 $0xFFFFFF80  }
0x13e: {  	[tilespmem:s16], [sflag:$0x3] =	stream.linear.gather [hbm4b:s30+s5], $0x80, $0x38;
	[tilespmem:$0x1C800] =	vst v63  }
0x13f: {  	s31 =	sadd.s32 $0x60, s29  }
0x140: {  	[tilespmem:s17], [sflag:$0x3] =	stream.linear.gather [hbm4b:s31+s5], $0x80, $0x38;
	[tilespmem:$0x1C800] =	vst v63  }
0x141: {  	_ =	swait.ge [sflag:s8], $0x4000  }
0x142: {  	[sflag:s8] =	ssyncset.done $0x0  }
0x143: {  	[sflag:s8] =	ssyncadd.s32 $0xFFFFC000  }
0x144: {  	_ =	swait.ge [sflag:s25], $0x80  }
0x145: {  	[sflag:s25] =	ssyncset.done $0x0  }
0x146: {  	[sflag:s25] =	ssyncadd.s32 $0xFFFFFF80  }
0x147: {  	_ =	swait.ge [sflag:s25], $0x80  }
0x148: {  	[sflag:s25] =	ssyncset.done $0x0  }
0x149: {  	[sflag:s25] =	ssyncadd.s32 $0xFFFFFF80  }
0x14a: {  	[tilespmem:s5], [sflag:$0x1] =	stream.indirect.gather [hbm4b:s1+s18], $0x80, s16, s18, $0xb8;
	[tilespmem:$0x1C800] =	vst v63  }
0x14b: {  	_ =	swait.ge [sflag:s10], $0x4000  }
0x14c: {  	[sflag:s10] =	ssyncset.done $0x0  }
0x14d: {  	[sflag:s10] =	ssyncadd.s32 $0xFFFFC000  }
0x14e: {  	[spmem:s2] =	stream.indirect.scatter.add.f32 [tilespmem:s26], [sflag:$0x5], $0x80, s7, s18, $0xb8;
	[tilespmem:$0x1C800] =	vst v63  }
0x14f: {  	_ = 	snop  }
0x150: {  	[spmem:s4] =	stream.indirect.scatter.add.f32 [tilespmem:s6], [sflag:$0x6], $0x1, s7, s18, $0xb8;
	[tilespmem:$0x1C800] =	vst v63  }
0x151: {  	_ =	swait.ge [sflag:s13], $0x80  }
0x152: {  	p1 =	seq.s32 s15, $0x960;
	[sflag:s13] =	ssyncset.done $0x0  }
0x153: {  	s9 =	simm.s32 @p1 $0x5;
	[sflag:s13] =	ssyncadd.s32 $0xFFFFFF80  }
0x154: {  	_ =	swait.ge @p1 [sflag:s9], $0x4000  }
0x155: {  	[sflag:s9] =	ssyncset.done @p1 $0x0  }
0x156: {  	[sflag:s9] =	ssyncadd.s32 @p1 $0xFFFFC000;
	s9 =	sadd.s32 @!p1 s15, s22  }
0x157: {  	s14 =	simm.s32 @!p1 $0x0;
	s30 =	simm.s32 @!p1 $0x8380;
	s9 =	sadd.s32 @!p1 $0x70, s9  }
0x158: {  	[tilespmem:s30], [sflag:$0x3] =	stream.linear.gather @!p1 [hbm4b:s9+s14], $0x80, $0x38;
	[tilespmem:$0x1C800] =	vst v63  }
0x159: {  	s9 =	sadd.s32 @!p1 s15, s21  }
0x15a: {  	s31 =	simm.s32 @!p1 $0x8480;
	s9 =	sadd.s32 @!p1 $0x70, s9  }
0x15b: {  	[tilespmem:s31], [sflag:$0x3] =	stream.linear.gather @!p1 [hbm4b:s9+s14], $0x80, $0x38;
	[tilespmem:$0x1C800] =	vst v63  }
0x15c: {  	s9 =	simm.s32 @!p1 $0x5  }
0x15d: {  	_ =	swait.ge @!p1 [sflag:s9], $0x4000  }
0x15e: {  	[sflag:s9] =	ssyncset.done @!p1 $0x0  }
0x15f: {  	[sflag:s9] =	ssyncadd.s32 @!p1 $0xFFFFC000;
	s9 =	simm.s32 @!p1 $0x3  }
0x160: {  	_ =	swait.ge @!p1 [sflag:s9], $0x80  }
0x161: {  	[sflag:s9] =	ssyncset.done @!p1 $0x0  }
0x162: {  	[sflag:s9] =	ssyncadd.s32 @!p1 $0xFFFFFF80  }
0x163: {  	_ =	swait.ge @!p1 [sflag:s9], $0x80  }
0x164: {  	[sflag:s9] =	ssyncset.done @!p1 $0x0  }
0x165: {  	s14 =	simm.s32 @!p1 $0x4000;
	[sflag:s9] =	ssyncadd.s32 @!p1 $0xFFFFFF80;
	s9 =	simm.s32 @!p1 $0x80  }
0x166: {  	[tilespmem:s14], [sflag:$0x2] =	stream.indirect.gather @!p1 [hbm4b:s1+s9], $0x80, s30, s9, $0xb8;
	[tilespmem:$0x1C800] =	vst v63  }
0x167: {  	_ =	swait.ge [sflag:s3], $0x4000  }
0x168: {  	[sflag:s3] =	ssyncset.done $0x0  }
0x169: {  	[sflag:s3] =	ssyncadd.s32 $0xFFFFC000  }
0x16a: {  	[spmem:s2] =	stream.indirect.scatter.add.f32 [tilespmem:s5], [sflag:$0x4], $0x80, s17, s18, $0xb8;
	[tilespmem:$0x1C800] =	vst v63  }
.Ltmp4:
0x16b: {  	_ = 	snop;
	(pc) =	sbr.rel @p1 .LBB2_10-.Ltmp4, $4  }
0x16c: {  	[spmem:s4] =	stream.indirect.scatter.add.f32 [tilespmem:s6], [sflag:$0x6], $0x1, s17, s18, $0xb8;
	[tilespmem:$0x1C800] =	vst v63  }
0x16d: {  	_ =	swait.ge [sflag:s13], $0x80  }
0x16e: {  	[sflag:s13] =	ssyncset.done $0x0  }
0x16f: {  	[sflag:s13] =	ssyncadd.s32 $0xFFFFFF80  }
.Ltmp5:
0x170: {  	(pc) =	sbr.rel .LBB2_9-.Ltmp5, $4  }
0x171: {  	s9 =	sadd.s32 $0x80, s28  }
0x172: {  	[tilespmem:s16], [sflag:$0x3] =	stream.linear.gather [hbm4b:s9+s5], $0x80, $0x38;
	[tilespmem:$0x1C800] =	vst v63  }
0x173: {  	s31 =	sadd.s32 $0x80, s29;
	s15 =	sadd.s32 $0x60, s15  }
0x174: {  	[tilespmem:s7], [sflag:$0x3] =	stream.linear.gather [hbm4b:s31+s5], $0x80, $0x38;
	[tilespmem:$0x1C800] =	vst v63  }
.LBB2_2:
0x175: {  	p1 =	sne.s32 s28, $0xFE00;
	[tilespmem:s15+$0x70] =	vst v0  }
0x176: {  	[tilespmem:s15+$0x0] =	vst v0  }
0x177: {  	[tilespmem:s15+$0x10] =	vst v0  }
.Ltmp6:
0x178: {  	[tilespmem:s15+$0x20] =	vst v0;
	(pc) =	sbr.rel @p1 .LBB2_2-.Ltmp6, $4  }
0x179: {  	[tilespmem:s15+$0x30] =	vst v0  }
0x17a: {  	[tilespmem:s15+$0x40] =	vst v0  }
0x17b: {  	[tilespmem:s15+$0x50] =	vst v0  }
0x17c: {  	[tilespmem:s15+$0x60] =	vst v0;
	s15 =	sshra.s32 s28, $0x2;
	s28 =	sadd.s32 $0x200, s28  }
0x17d: {  	[tilespmem:s15+$0x70] =	vst v0  }
0x17e: {  	[tilespmem:s15+$0x0] =	vst v0  }
0x17f: {  	[tilespmem:s15+$0x10] =	vst v0  }
0x180: {  	[tilespmem:s15+$0x20] =	vst v0  }
0x181: {  	[tilespmem:s15+$0x30] =	vst v0  }
0x182: {  	[tilespmem:s15+$0x40] =	vst v0  }
0x183: {  	[tilespmem:s15+$0x50] =	vst v0  }
0x184: {  	[tilespmem:s15+$0x60] =	vst v0  }
0x185: {  	[tilespmem:$0x8000] =	vst v0  }
0x186: {  	[tilespmem:$0x8010] =	vst v0  }
0x187: {  	[tilespmem:$0x8020] =	vst v0  }
0x188: {  	[tilespmem:$0x8030] =	vst v0  }
0x189: {  	[tilespmem:$0x8040] =	vst v0  }
0x18a: {  	[tilespmem:$0x8050] =	vst v0  }
0x18b: {  	[tilespmem:$0x8060] =	vst v0  }
0x18c: {  	[tilespmem:$0x8070] =	vst v0  }
0x18d: {  	[tilespmem:$0x8080] =	vst v0  }
0x18e: {  	[tilespmem:$0x8090] =	vst v0  }
0x18f: {  	[tilespmem:$0x80A0] =	vst v0  }
0x190: {  	[tilespmem:$0x80B0] =	vst v0  }
0x191: {  	[tilespmem:$0x80C0] =	vst v0  }
0x192: {  	[tilespmem:$0x80D0] =	vst v0  }
0x193: {  	[tilespmem:$0x80E0] =	vst v0  }
0x194: {  	[tilespmem:$0x80F0] =	vst v0  }
0x195: {  	[tilespmem:$0x8100] =	vst v0  }
0x196: {  	[tilespmem:$0x8110] =	vst v0  }
0x197: {  	[tilespmem:$0x8120] =	vst v0  }
0x198: {  	[tilespmem:$0x8130] =	vst v0  }
0x199: {  	[tilespmem:$0x8140] =	vst v0  }
0x19a: {  	[tilespmem:$0x8150] =	vst v0  }
0x19b: {  	[tilespmem:$0x8160] =	vst v0  }
0x19c: {  	[tilespmem:$0x8170] =	vst v0  }
0x19d: {  	[tilespmem:$0x8180] =	vst v0  }
0x19e: {  	[tilespmem:$0x8190] =	vst v0  }
0x19f: {  	[tilespmem:$0x81A0] =	vst v0  }
0x1a0: {  	[tilespmem:$0x81B0] =	vst v0  }
0x1a1: {  	[tilespmem:$0x81C0] =	vst v0  }
0x1a2: {  	[tilespmem:$0x81D0] =	vst v0  }
0x1a3: {  	[tilespmem:$0x81E0] =	vst v0  }
0x1a4: {  	[tilespmem:$0x81F0] =	vst v0  }
0x1a5: {  	[tilespmem:$0x8200] =	vst v0  }
0x1a6: {  	[tilespmem:$0x8210] =	vst v0  }
0x1a7: {  	[tilespmem:$0x8220] =	vst v0  }
0x1a8: {  	[tilespmem:$0x8230] =	vst v0  }
0x1a9: {  	[tilespmem:$0x8240] =	vst v0  }
0x1aa: {  	[tilespmem:$0x8250] =	vst v0  }
0x1ab: {  	[tilespmem:$0x8260] =	vst v0  }
0x1ac: {  	[tilespmem:$0x8270] =	vst v0  }
0x1ad: {  	[tilespmem:$0x8280] =	vst v1  }
0x1ae: {  	[tilespmem:$0x8290] =	vst v1  }
0x1af: {  	[tilespmem:$0x82A0] =	vst v1  }
0x1b0: {  	[tilespmem:$0x82B0] =	vst v1  }
0x1b1: {  	[tilespmem:$0x82C0] =	vst v1  }
0x1b2: {  	[tilespmem:$0x82D0] =	vst v1  }
0x1b3: {  	[tilespmem:$0x82E0] =	vst v1  }
0x1b4: {  	s15 =	simm.s32 $0x0;
	s9 =	rddreg [dreg:$0x16];
	[tilespmem:$0x82F0] =	vst v1  }
0x1b5: {  	[spmem:s9] =	stream.linear.scatter [tilespmem:s15], [sflag:$0x6], $0x4000, $0x38;
	[tilespmem:$0x1C800] =	vst v63  }
0x1b6: {  	_ =	swait.ge [sflag:s13], $0x4000  }
0x1b7: {  	[sflag:s13] =	ssyncset.done $0x0  }
0x1b8: {  	[sflag:s13] =	ssyncadd.s32 $0xFFFFC000  }
0x1b9: {  	[spmem:s29] =	stream.linear.scatter [tilespmem:s15], [sflag:$0x6], $0x4000, $0x38;
	[tilespmem:$0x1C800] =	vst v63  }
0x1ba: {  	_ =	swait.ge [sflag:s13], $0x4000  }
0x1bb: {  	[sflag:s13] =	ssyncset.done $0x0  }
0x1bc: {  	[sflag:s13] =	ssyncadd.s32 $0xFFFFC000  }
0x1bd: {  	[spmem:s12] =	stream.linear.scatter [tilespmem:s15], [sflag:$0x6], $0x4000, $0x38;
	[tilespmem:$0x1C800] =	vst v63  }
0x1be: {  	_ =	swait.ge [sflag:s13], $0x4000  }
0x1bf: {  	[sflag:s13] =	ssyncset.done $0x0  }
0x1c0: {  	[sflag:s13] =	ssyncadd.s32 $0xFFFFC000  }
0x1c1: {  	[spmem:s30] =	stream.linear.scatter [tilespmem:s15], [sflag:$0x6], $0x4000, $0x38;
	[tilespmem:$0x1C800] =	vst v63  }
0x1c2: {  	_ =	swait.ge [sflag:s13], $0x4000  }
0x1c3: {  	[sflag:s13] =	ssyncset.done $0x0  }
0x1c4: {  	s29 =	rddreg [dreg:$0x1a];
	[sflag:s13] =	ssyncadd.s32 $0xFFFFC000  }
0x1c5: {  	[spmem:s29] =	stream.linear.scatter [tilespmem:s15], [sflag:$0x6], $0x4000, $0x38;
	[tilespmem:$0x1C800] =	vst v63  }
0x1c6: {  	_ =	swait.ge [sflag:s13], $0x4000  }
0x1c7: {  	[sflag:s13] =	ssyncset.done $0x0  }
0x1c8: {  	s30 =	rddreg [dreg:$0x1f];
	[sflag:s13] =	ssyncadd.s32 $0xFFFFC000  }
0x1c9: {  	[spmem:s30] =	stream.linear.scatter [tilespmem:s31], [sflag:$0x6], $0x280, $0x38;
	[tilespmem:$0x1C800] =	vst v63  }
0x1ca: {  	_ =	swait.ge [sflag:s13], $0x280  }
0x1cb: {  	[sflag:s13] =	ssyncset.done $0x0  }
0x1cc: {  	[sflag:s13] =	ssyncadd.s32 $0xFFFFFD80  }
0x1cd: {  	[bflag:$0x0] =	sbarrier.arrive $0xFFFF  }
0x1ce: {  	s12 =	rddreg [dreg:$0x6]  }
0x1cf: {  	[tilespmem:s16], [sflag:$0x6] =	stream.linear.gather [hbm4b:s12+s15], $0x80, $0x38;
	[tilespmem:$0x1C800] =	vst v63  }
0x1d0: {  	_ =	swait.ge [sflag:s13], $0x80  }
0x1d1: {  	[sflag:s13] =	ssyncset.done $0x0  }
0x1d2: {  	s14 =	rddreg [dreg:$0x7];
	[sflag:s13] =	ssyncadd.s32 $0xFFFFFF80  }
0x1d3: {  	[tilespmem:s17], [sflag:$0x6] =	stream.linear.gather [hbm4b:s14+s15], $0x80, $0x38;
	[tilespmem:$0x1C800] =	vst v63  }
0x1d4: {  	_ =	swait.ge [sflag:s13], $0x80  }
0x1d5: {  	[sflag:s13] =	ssyncset.done $0x0  }
0x1d6: {  	[sflag:s13] =	ssyncadd.s32 $0xFFFFFF80  }
0x1d7: {  	[tilespmem:s15], [sflag:$0x1] =	stream.indirect.gather [hbm4b:s0+s18], $0x80, s16, s18, $0xb8;
	[tilespmem:$0x1C800] =	vst v63  }
0x1d8: {  	s28 =	rddreg [dreg:$0x8]  }
0x1d9: {  	[tilespmem:s23], [sflag:$0x3] =	stream.linear.gather [hbm4b:s28+s15], $0x80, $0x38;
	[tilespmem:$0x1C800] =	vst v63  }
0x1da: {  	s29 =	rddreg [dreg:$0x9]  }
0x1db: {  	[tilespmem:s24], [sflag:$0x3] =	stream.linear.gather [hbm4b:s29+s15], $0x80, $0x38;
	[tilespmem:$0x1C800] =	vst v63  }
0x1dc: {  	_ =	swait.ge [sflag:s25], $0x80  }
0x1dd: {  	[sflag:s25] =	ssyncset.done $0x0  }
0x1de: {  	[sflag:s25] =	ssyncadd.s32 $0xFFFFFF80  }
0x1df: {  	_ =	swait.ge [sflag:s25], $0x80  }
0x1e0: {  	[sflag:s25] =	ssyncset.done $0x0  }
0x1e1: {  	[sflag:s25] =	ssyncadd.s32 $0xFFFFFF80  }
0x1e2: {  	[tilespmem:s26], [sflag:$0x2] =	stream.indirect.gather [hbm4b:s0+s18], $0x80, s23, s18, $0xb8;
	[tilespmem:$0x1C800] =	vst v63  }
0x1e3: {  	_ =	swait.ge [sflag:s3], $0x4000  }
0x1e4: {  	[sflag:s3] =	ssyncset.done $0x0  }
0x1e5: {  	[sflag:s3] =	ssyncadd.s32 $0xFFFFC000  }
0x1e6: {  	[spmem:s2] =	stream.indirect.scatter.add.f32 [tilespmem:s15], [sflag:$0x4], $0x80, s17, s18, $0xb8;
	[tilespmem:$0x1C800] =	vst v63  }
0x1e7: {  	_ = 	snop  }
0x1e8: {  	[spmem:s4] =	stream.indirect.scatter.add.f32 [tilespmem:s6], [sflag:$0x6], $0x1, s17, s18, $0xb8;
	[tilespmem:$0x1C800] =	vst v63  }
0x1e9: {  	_ =	swait.ge [sflag:s13], $0x80  }
0x1ea: {  	[sflag:s13] =	ssyncset.done $0x0  }
0x1eb: {  	s30 =	rddreg [dreg:$0xa];
	[sflag:s13] =	ssyncadd.s32 $0xFFFFFF80  }
0x1ec: {  	[tilespmem:s16], [sflag:$0x3] =	stream.linear.gather [hbm4b:s30+s15], $0x80, $0x38;
	[tilespmem:$0x1C800] =	vst v63  }
0x1ed: {  	s31 =	rddreg [dreg:$0xb]  }
0x1ee: {  	[tilespmem:s7], [sflag:$0x3] =	stream.linear.gather [hbm4b:s31+s15], $0x80, $0x38;
	[tilespmem:$0x1C800] =	vst v63  }
.LBB2_4:
0x1ef: {  	_ =	swait.ge [sflag:s8], $0x4000  }
0x1f0: {  	[sflag:s8] =	ssyncset.done $0x0  }
0x1f1: {  	[sflag:s8] =	ssyncadd.s32 $0xFFFFC000  }
0x1f2: {  	_ =	swait.ge [sflag:s25], $0x80  }
0x1f3: {  	[sflag:s25] =	ssyncset.done $0x0  }
0x1f4: {  	[sflag:s25] =	ssyncadd.s32 $0xFFFFFF80  }
0x1f5: {  	_ =	swait.ge [sflag:s25], $0x80  }
0x1f6: {  	[sflag:s25] =	ssyncset.done $0x0  }
0x1f7: {  	[sflag:s25] =	ssyncadd.s32 $0xFFFFFF80  }
0x1f8: {  	[tilespmem:s5], [sflag:$0x1] =	stream.indirect.gather [hbm4b:s0+s18], $0x80, s16, s18, $0xb8;
	[tilespmem:$0x1C800] =	vst v63  }
0x1f9: {  	_ =	swait.ge [sflag:s10], $0x4000  }
0x1fa: {  	[sflag:s10] =	ssyncset.done $0x0  }
0x1fb: {  	[sflag:s10] =	ssyncadd.s32 $0xFFFFC000  }
0x1fc: {  	[spmem:s2] =	stream.indirect.scatter.add.f32 [tilespmem:s26], [sflag:$0x5], $0x80, s24, s18, $0xb8;
	[tilespmem:$0x1C800] =	vst v63  }
0x1fd: {  	_ = 	snop  }
0x1fe: {  	[spmem:s4] =	stream.indirect.scatter.add.f32 [tilespmem:s6], [sflag:$0x6], $0x1, s24, s18, $0xb8;
	[tilespmem:$0x1C800] =	vst v63  }
0x1ff: {  	_ =	swait.ge [sflag:s13], $0x80  }
0x200: {  	s28 =	sadd.s32 s15, s20;
	[sflag:s13] =	ssyncset.done $0x0  }
0x201: {  	s29 =	sadd.s32 $0x30, s28;
	[sflag:s13] =	ssyncadd.s32 $0xFFFFFF80  }
0x202: {  	[tilespmem:s23], [sflag:$0x3] =	stream.linear.gather [hbm4b:s29+s5], $0x80, $0x38;
	[tilespmem:$0x1C800] =	vst v63  }
0x203: {  	s29 =	sadd.s32 s15, s19  }
0x204: {  	s30 =	sadd.s32 $0x30, s29  }
0x205: {  	[tilespmem:s17], [sflag:$0x3] =	stream.linear.gather [hbm4b:s30+s5], $0x80, $0x38;
	[tilespmem:$0x1C800] =	vst v63  }
0x206: {  	_ =	swait.ge [sflag:s11], $0x4000  }
0x207: {  	[sflag:s11] =	ssyncset.done $0x0  }
0x208: {  	[sflag:s11] =	ssyncadd.s32 $0xFFFFC000  }
0x209: {  	_ =	swait.ge [sflag:s25], $0x80  }
0x20a: {  	[sflag:s25] =	ssyncset.done $0x0  }
0x20b: {  	[sflag:s25] =	ssyncadd.s32 $0xFFFFFF80  }
0x20c: {  	_ =	swait.ge [sflag:s25], $0x80  }
0x20d: {  	[sflag:s25] =	ssyncset.done $0x0  }
0x20e: {  	[sflag:s25] =	ssyncadd.s32 $0xFFFFFF80  }
0x20f: {  	[tilespmem:s26], [sflag:$0x2] =	stream.indirect.gather [hbm4b:s0+s18], $0x80, s23, s18, $0xb8;
	[tilespmem:$0x1C800] =	vst v63  }
0x210: {  	_ =	swait.ge [sflag:s3], $0x4000  }
0x211: {  	[sflag:s3] =	ssyncset.done $0x0  }
0x212: {  	[sflag:s3] =	ssyncadd.s32 $0xFFFFC000  }
0x213: {  	[spmem:s2] =	stream.indirect.scatter.add.f32 [tilespmem:s5], [sflag:$0x4], $0x80, s7, s18, $0xb8;
	[tilespmem:$0x1C800] =	vst v63  }
0x214: {  	_ = 	snop  }
0x215: {  	[spmem:s4] =	stream.indirect.scatter.add.f32 [tilespmem:s6], [sflag:$0x6], $0x1, s7, s18, $0xb8;
	[tilespmem:$0x1C800] =	vst v63  }
0x216: {  	_ =	swait.ge [sflag:s13], $0x80  }
0x217: {  	[sflag:s13] =	ssyncset.done $0x0  }
0x218: {  	s14 =	sadd.s32 $0x40, s28;
	[sflag:s13] =	ssyncadd.s32 $0xFFFFFF80  }
0x219: {  	[tilespmem:s16], [sflag:$0x3] =	stream.linear.gather [hbm4b:s14+s5], $0x80, $0x38;
	[tilespmem:$0x1C800] =	vst v63  }
0x21a: {  	s31 =	sadd.s32 $0x40, s29  }
0x21b: {  	[tilespmem:s24], [sflag:$0x3] =	stream.linear.gather [hbm4b:s31+s5], $0x80, $0x38;
	[tilespmem:$0x1C800] =	vst v63  }
0x21c: {  	_ =	swait.ge [sflag:s8], $0x4000  }
0x21d: {  	[sflag:s8] =	ssyncset.done $0x0  }
0x21e: {  	[sflag:s8] =	ssyncadd.s32 $0xFFFFC000  }
0x21f: {  	_ =	swait.ge [sflag:s25], $0x80  }
0x220: {  	[sflag:s25] =	ssyncset.done $0x0  }
0x221: {  	[sflag:s25] =	ssyncadd.s32 $0xFFFFFF80  }
0x222: {  	_ =	swait.ge [sflag:s25], $0x80  }
0x223: {  	[sflag:s25] =	ssyncset.done $0x0  }
0x224: {  	[sflag:s25] =	ssyncadd.s32 $0xFFFFFF80  }
0x225: {  	[tilespmem:s5], [sflag:$0x1] =	stream.indirect.gather [hbm4b:s0+s18], $0x80, s16, s18, $0xb8;
	[tilespmem:$0x1C800] =	vst v63  }
0x226: {  	_ =	swait.ge [sflag:s10], $0x4000  }
0x227: {  	[sflag:s10] =	ssyncset.done $0x0  }
0x228: {  	[sflag:s10] =	ssyncadd.s32 $0xFFFFC000  }
0x229: {  	[spmem:s2] =	stream.indirect.scatter.add.f32 [tilespmem:s26], [sflag:$0x5], $0x80, s17, s18, $0xb8;
	[tilespmem:$0x1C800] =	vst v63  }
0x22a: {  	_ = 	snop  }
0x22b: {  	[spmem:s4] =	stream.indirect.scatter.add.f32 [tilespmem:s6], [sflag:$0x6], $0x1, s17, s18, $0xb8;
	[tilespmem:$0x1C800] =	vst v63  }
0x22c: {  	_ =	swait.ge [sflag:s13], $0x80  }
0x22d: {  	[sflag:s13] =	ssyncset.done $0x0  }
0x22e: {  	s9 =	sadd.s32 $0x50, s28;
	[sflag:s13] =	ssyncadd.s32 $0xFFFFFF80  }
0x22f: {  	[tilespmem:s23], [sflag:$0x3] =	stream.linear.gather [hbm4b:s9+s5], $0x80, $0x38;
	[tilespmem:$0x1C800] =	vst v63  }
0x230: {  	s12 =	sadd.s32 $0x50, s29  }
0x231: {  	[tilespmem:s7], [sflag:$0x3] =	stream.linear.gather [hbm4b:s12+s5], $0x80, $0x38;
	[tilespmem:$0x1C800] =	vst v63  }
0x232: {  	_ =	swait.ge [sflag:s11], $0x4000  }
0x233: {  	[sflag:s11] =	ssyncset.done $0x0  }
0x234: {  	[sflag:s11] =	ssyncadd.s32 $0xFFFFC000  }
0x235: {  	_ =	swait.ge [sflag:s25], $0x80  }
0x236: {  	[sflag:s25] =	ssyncset.done $0x0  }
0x237: {  	[sflag:s25] =	ssyncadd.s32 $0xFFFFFF80  }
0x238: {  	_ =	swait.ge [sflag:s25], $0x80  }
0x239: {  	[sflag:s25] =	ssyncset.done $0x0  }
0x23a: {  	[sflag:s25] =	ssyncadd.s32 $0xFFFFFF80  }
0x23b: {  	[tilespmem:s26], [sflag:$0x2] =	stream.indirect.gather [hbm4b:s0+s18], $0x80, s23, s18, $0xb8;
	[tilespmem:$0x1C800] =	vst v63  }
0x23c: {  	_ =	swait.ge [sflag:s3], $0x4000  }
0x23d: {  	[sflag:s3] =	ssyncset.done $0x0  }
0x23e: {  	[sflag:s3] =	ssyncadd.s32 $0xFFFFC000  }
0x23f: {  	[spmem:s2] =	stream.indirect.scatter.add.f32 [tilespmem:s5], [sflag:$0x4], $0x80, s24, s18, $0xb8;
	[tilespmem:$0x1C800] =	vst v63  }
0x240: {  	_ = 	snop  }
0x241: {  	[spmem:s4] =	stream.indirect.scatter.add.f32 [tilespmem:s6], [sflag:$0x6], $0x1, s24, s18, $0xb8;
	[tilespmem:$0x1C800] =	vst v63  }
0x242: {  	_ =	swait.ge [sflag:s13], $0x80  }
0x243: {  	[sflag:s13] =	ssyncset.done $0x0  }
0x244: {  	s14 =	sadd.s32 $0x60, s28;
	[sflag:s13] =	ssyncadd.s32 $0xFFFFFF80  }
0x245: {  	[tilespmem:s16], [sflag:$0x3] =	stream.linear.gather [hbm4b:s14+s5], $0x80, $0x38;
	[tilespmem:$0x1C800] =	vst v63  }
0x246: {  	s31 =	sadd.s32 $0x60, s29  }
0x247: {  	[tilespmem:s17], [sflag:$0x3] =	stream.linear.gather [hbm4b:s31+s5], $0x80, $0x38;
	[tilespmem:$0x1C800] =	vst v63  }
0x248: {  	_ =	swait.ge [sflag:s8], $0x4000  }
0x249: {  	[sflag:s8] =	ssyncset.done $0x0  }
0x24a: {  	[sflag:s8] =	ssyncadd.s32 $0xFFFFC000  }
0x24b: {  	_ =	swait.ge [sflag:s25], $0x80  }
0x24c: {  	[sflag:s25] =	ssyncset.done $0x0  }
0x24d: {  	[sflag:s25] =	ssyncadd.s32 $0xFFFFFF80  }
0x24e: {  	_ =	swait.ge [sflag:s25], $0x80  }
0x24f: {  	[sflag:s25] =	ssyncset.done $0x0  }
0x250: {  	[sflag:s25] =	ssyncadd.s32 $0xFFFFFF80  }
0x251: {  	[tilespmem:s5], [sflag:$0x1] =	stream.indirect.gather [hbm4b:s0+s18], $0x80, s16, s18, $0xb8;
	[tilespmem:$0x1C800] =	vst v63  }
0x252: {  	_ =	swait.ge [sflag:s10], $0x4000  }
0x253: {  	[sflag:s10] =	ssyncset.done $0x0  }
0x254: {  	[sflag:s10] =	ssyncadd.s32 $0xFFFFC000  }
0x255: {  	[spmem:s2] =	stream.indirect.scatter.add.f32 [tilespmem:s26], [sflag:$0x5], $0x80, s7, s18, $0xb8;
	[tilespmem:$0x1C800] =	vst v63  }
0x256: {  	_ = 	snop  }
0x257: {  	[spmem:s4] =	stream.indirect.scatter.add.f32 [tilespmem:s6], [sflag:$0x6], $0x1, s7, s18, $0xb8;
	[tilespmem:$0x1C800] =	vst v63  }
0x258: {  	_ =	swait.ge [sflag:s13], $0x80  }
0x259: {  	p1 =	seq.s32 s15, $0x960;
	[sflag:s13] =	ssyncset.done $0x0  }
0x25a: {  	s30 =	simm.s32 @p1 $0x5;
	[sflag:s13] =	ssyncadd.s32 $0xFFFFFF80  }
0x25b: {  	_ =	swait.ge @p1 [sflag:s30], $0x4000  }
0x25c: {  	[sflag:s30] =	ssyncset.done @p1 $0x0  }
0x25d: {  	[sflag:s30] =	ssyncadd.s32 @p1 $0xFFFFC000;
	s30 =	sadd.s32 @!p1 s15, s20  }
0x25e: {  	s14 =	simm.s32 @!p1 $0x8380;
	s31 =	simm.s32 @!p1 $0x0;
	s30 =	sadd.s32 @!p1 $0x70, s30  }
0x25f: {  	[tilespmem:s14], [sflag:$0x3] =	stream.linear.gather @!p1 [hbm4b:s30+s31], $0x80, $0x38;
	[tilespmem:$0x1C800] =	vst v63  }
0x260: {  	s30 =	sadd.s32 @!p1 s15, s19  }
0x261: {  	s9 =	simm.s32 @!p1 $0x8480;
	s30 =	sadd.s32 @!p1 $0x70, s30  }
0x262: {  	[tilespmem:s9], [sflag:$0x3] =	stream.linear.gather @!p1 [hbm4b:s30+s31], $0x80, $0x38;
	[tilespmem:$0x1C800] =	vst v63  }
0x263: {  	s9 =	simm.s32 @!p1 $0x5  }
0x264: {  	_ =	swait.ge @!p1 [sflag:s9], $0x4000  }
0x265: {  	[sflag:s9] =	ssyncset.done @!p1 $0x0  }
0x266: {  	[sflag:s9] =	ssyncadd.s32 @!p1 $0xFFFFC000;
	s9 =	simm.s32 @!p1 $0x3  }
0x267: {  	_ =	swait.ge @!p1 [sflag:s9], $0x80  }
0x268: {  	[sflag:s9] =	ssyncset.done @!p1 $0x0  }
0x269: {  	[sflag:s9] =	ssyncadd.s32 @!p1 $0xFFFFFF80  }
0x26a: {  	_ =	swait.ge @!p1 [sflag:s9], $0x80  }
0x26b: {  	[sflag:s9] =	ssyncset.done @!p1 $0x0  }
0x26c: {  	s30 =	simm.s32 @!p1 $0x4000;
	[sflag:s9] =	ssyncadd.s32 @!p1 $0xFFFFFF80;
	s9 =	simm.s32 @!p1 $0x80  }
0x26d: {  	[tilespmem:s30], [sflag:$0x2] =	stream.indirect.gather @!p1 [hbm4b:s0+s9], $0x80, s14, s9, $0xb8;
	[tilespmem:$0x1C800] =	vst v63  }
0x26e: {  	_ =	swait.ge [sflag:s3], $0x4000  }
0x26f: {  	[sflag:s3] =	ssyncset.done $0x0  }
0x270: {  	[sflag:s3] =	ssyncadd.s32 $0xFFFFC000  }
0x271: {  	[spmem:s2] =	stream.indirect.scatter.add.f32 [tilespmem:s5], [sflag:$0x4], $0x80, s17, s18, $0xb8;
	[tilespmem:$0x1C800] =	vst v63  }
.Ltmp7:
0x272: {  	_ = 	snop;
	(pc) =	sbr.rel @p1 .LBB2_5-.Ltmp7, $4  }
0x273: {  	[spmem:s4] =	stream.indirect.scatter.add.f32 [tilespmem:s6], [sflag:$0x6], $0x1, s17, s18, $0xb8;
	[tilespmem:$0x1C800] =	vst v63  }
0x274: {  	_ =	swait.ge [sflag:s13], $0x80  }
0x275: {  	[sflag:s13] =	ssyncset.done $0x0  }
0x276: {  	[sflag:s13] =	ssyncadd.s32 $0xFFFFFF80  }
.Ltmp8:
0x277: {  	(pc) =	sbr.rel .LBB2_4-.Ltmp8, $4  }
0x278: {  	s9 =	sadd.s32 $0x80, s28  }
0x279: {  	[tilespmem:s16], [sflag:$0x3] =	stream.linear.gather [hbm4b:s9+s5], $0x80, $0x38;
	[tilespmem:$0x1C800] =	vst v63  }
0x27a: {  	s31 =	sadd.s32 $0x80, s29;
	s15 =	sadd.s32 $0x60, s15  }
0x27b: {  	[tilespmem:s7], [sflag:$0x3] =	stream.linear.gather [hbm4b:s31+s5], $0x80, $0x38;
	[tilespmem:$0x1C800] =	vst v63  }
.LBB2_5:
0x27c: {  	s28 =	rddreg [dreg:$0x12]  }
.Ltmp9:
0x27d: {  	s15 =	rddreg [dreg:$0x13];
	(pc) =	sbr.rel .LBB2_11-.Ltmp9, $4  }
0x27e: {  	s9 =	rddreg [dreg:$0x16]  }
0x27f: {  	s30 =	rddreg [dreg:$0x18]  }
0x280: {  	s31 =	rddreg [dreg:$0x19]  }
0x281: {  	s14 =	sld [smem:$0x7FA]  }
.LBB2_12:
0x282: {  	_ =	sfence.sel $0x180000  }
0x283: {  	[bflag:$0x0] =	sbarrier.arrive $0xFFFF  }
0x284: {  	_ =	strace $0x90000047  }
0x285: {  	s0 =	stileid.u32;
	[bflag:$0x2] =	sbarrier.arrive $0xFFFF  }
0x286: {  	p0 =	sne.s32 s0, $0x0;
	s0 =	rddreg [dreg:$0x5]  }
0x287: {  	s0 =	sadd.s32 @!p0 $0x100000, s0  }
0x288: {  	[sflag:s0] =	ssyncadd.tile.s32 @!p0 $0x1;
	_ =	shalt  }
.Lfunc_end2:
_tile_overlayer_lowered:
.L_overlay_start_2:
0x289: {  	(tag) =	ssettag $0x2  }
0x28a: {  	s0 =	rddreg [dreg:$0x0];
	s2 =	stileid.u32  }
0x28b: {  	s1 =	rddreg [dreg:$0x1];
	p0 =	sne.s32 s2, $0x0  }
0x28c: {  	s3 =	rddreg [dreg:$0x2];
	[bflag:$0x3] =	sbarrier.arrive $0xFFFF;
	s2 =	simm.s32 @!p0 $0x1C06  }
0x28d: {  	[timem:s3], [sflag:s2] =	dma.local @!p0 [hbm:s0], s1  }
0x28e: {  	s0 =	simm.s32 @!p0 $0x6  }
0x28f: {  	_ =	swait.ge @!p0 [sflag:s0], s1  }
0x290: {  	s1 =	ssub.s32 @!p0 $0x0, s1;
	[sflag:s0] =	ssyncset.done @!p0 $0x0  }
0x291: {  	[sflag:s0] =	ssyncadd.s32 @!p0 s1  }
0x292: {  	[bflag:$0x3] =	sbarrier.arrive $0xFFFF  }
0x293: {  	_ =	shalt  }

</sc_bundles>
